<compile_context>
chip_gen: v7x
topology: tpu7x:2x2x1
jax: 0.10.2.dev20260603
libtpu: 0.0.44.dev20260713+nightly
codegen_flags: <defaults>
</compile_context>

<pallas_src>
import functools

import numpy as np
import jax
import jax.numpy as jnp
from jax import lax
from jax.experimental import pallas as pl
from jax.experimental.pallas import tpu as pltpu
from jax.experimental.pallas import tpu_sc as plsc

_DIM = 64
_TOKENS = 16384
_LANES = 16
_NBUF = 4

_info = plsc.get_sparse_core_info()
_NC = _info.num_cores
_NS = _info.num_subcores
_NW = _NC * _NS
_BPW = _TOKENS // _NW
_NG = _BPW // _LANES


def _pe_table() -> np.ndarray:
    x = np.arange(_TOKENS, dtype=np.float32)[:, None]
    y = np.arange(_DIM, dtype=np.float32)[None, :]
    arg = x / np.float32(10000.0) ** (np.float32(2.0) * y / np.float32(_DIM))
    even = (np.arange(_TOKENS)[:, None] % 2) == 0
    return np.where(even, np.sin(arg), np.cos(arg)).astype(np.float32)


_PE = _pe_table()


def _sc_body(idx_hbm, pe_hbm, tableT_hbm, out_hbm,
             idx_v, blk_v, rows_v, pe_v, gs0, gs1, gs2, gs3, psem):
    wid = lax.axis_index("s") * _NC + lax.axis_index("c")
    base = wid * _BPW
    pe_cp = pltpu.make_async_copy(
        pe_hbm.at[pl.ds(base, _BPW)], pe_v, psem)
    pe_cp.start()
    pltpu.sync_copy(idx_hbm.at[pl.ds(base, _BPW)], idx_v)
    gsems = [gs0, gs1, gs2, gs3]
    cvec = jax.lax.iota(jnp.int32, _LANES)

    def fetch(g16, l, slot):
        v = idx_v[pl.ds(g16 * _LANES, _LANES)]
        w = lax.shift_right_logical(v[l], 7)
        off = pl.multiple_of(w * 128, 128)
        return pltpu.make_async_copy(
            tableT_hbm.at[:, pl.ds(off, 128)],
            blk_v.at[slot],
            gsems[slot],
        )

    primed = [fetch(0, t, t) for t in range(_NBUF)]
    for cp in primed:
        cp.start()
    pe_cp.wait()

    def group_body(g, carry):
        v = idx_v[pl.ds(g * _LANES, _LANES)]
        lanes = lax.bitwise_and(v, 127)
        for l in range(_LANES):
            slot = l % _NBUF
            fetch(g, l, slot).wait()
            lane = lanes[l]
            for q in range(_DIM // _LANES):
                col = plsc.load_gather(
                    blk_v.at[slot],
                    [cvec + q * _LANES, lax.broadcast(lane, (_LANES,))],
                )
                rows_v[l, pl.ds(q * _LANES, _LANES)] = (
                    col + pe_v[g * _LANES + l, pl.ds(q * _LANES, _LANES)])
            ln = l + _NBUF
            gn = g + ln // _LANES
            ln = ln % _LANES
            @pl.when(gn * _LANES + ln < _BPW)
            def _():
                fetch(gn, ln, slot).start()
        pltpu.sync_copy(
            rows_v, out_hbm.at[pl.ds(base + g * _LANES, _LANES)])
        return carry

    lax.fori_loop(0, _NG, group_body, 0)


_emb = functools.partial(
    pl.kernel,
    out_type=jax.ShapeDtypeStruct((_TOKENS, _DIM), jnp.float32),
    mesh=plsc.VectorSubcoreMesh(core_axis_name="c", subcore_axis_name="s"),
    scratch_types=[
        pltpu.VMEM((_BPW,), jnp.int32),
        pltpu.VMEM((_NBUF, _DIM, 128), jnp.float32),
        pltpu.VMEM((_LANES, _DIM), jnp.float32),
        pltpu.VMEM((_BPW, _DIM), jnp.float32),
        pltpu.SemaphoreType.DMA,
        pltpu.SemaphoreType.DMA,
        pltpu.SemaphoreType.DMA,
        pltpu.SemaphoreType.DMA,
        pltpu.SemaphoreType.DMA,
    ],
    compiler_params=pltpu.CompilerParams(needs_layout_passes=False),
)(_sc_body)


def kernel(input, table):
    idx = input.astype(jnp.int32)
    pe = jnp.asarray(_PE)
    return _emb(idx, pe, table.T)

# --- scband reference (transcript-rebuilt; emitter-appended) ---
"""Pipeline reference for scband-embedding-layer-75763223101599 (READ-ONLY COPY).

The authoritative reference and input builder live on the scoring server;
editing this copy changes nothing except your own understanding.
"""

import jax, jax.numpy as jnp
import numpy as np

VOCAB = 1000000
DIM = 64
TOKENS = 16384

def _positional_encoding(tokens, d):
    # Faithful to the torch loop: for even row x use sin, odd row x use cos,
    # both with argument x / 10000 ** (2*y/d).
    x = jnp.arange(tokens, dtype=jnp.float32)[:, None]
    y = jnp.arange(d, dtype=jnp.float32)[None, :]
    arg = x / jnp.power(10000.0, 2.0 * y / float(d))
    even = (jnp.arange(tokens)[:, None] % 2) == 0
    return jnp.where(even, jnp.sin(arg), jnp.cos(arg))

def setup_inputs(seed: int = 0) -> dict:
    key = jax.random.key(seed)
    k1, k2 = jax.random.split(key)
    indices = jax.random.randint(k1, (TOKENS,), 0, VOCAB, dtype=jnp.int64 if jax.config.jax_enable_x64 else jnp.int32)
    table = jax.random.normal(k2, (VOCAB, DIM), dtype=jnp.float32)
    return {"input": indices, "table": table}

def reference(input, table):
    emb = jnp.take(table, input, axis=0)  # embedding lookup (gather)
    pe = _positional_encoding(emb.shape[0], emb.shape[1])
    return emb + pe

if __name__ == "__main__":
    import jax
    _d = setup_inputs()
    print(jax.jit(kernel)(*tuple(_d.values())))

</pallas_src>

<mosaic_0001>
#map = affine_map<(d0, d1) -> (0)>
#map1 = affine_map<(d0, d1) -> (0, 0)>
module attributes {stable_mosaic.version = 14 : i64} {
  func.func @_sc_body(%arg0: i32, %arg1: i32, %arg2: memref<16384xi32, #tpu.memory_space<hbm>>, %arg3: memref<16384x64xf32, #tpu.memory_space<hbm>>, %arg4: memref<64x1000000xf32, #tpu.memory_space<hbm>>, %arg5: memref<16384x64xf32, #tpu.memory_space<hbm>>, %arg6: memref<512xi32, #tpu.memory_space<vmem>>, %arg7: memref<4x64x128xf32, #tpu.memory_space<vmem>>, %arg8: memref<16x64xf32, #tpu.memory_space<vmem>>, %arg9: memref<512x64xf32, #tpu.memory_space<vmem>>, %arg10: memref<!tpu.dma_semaphore, #tpu.memory_space<semaphore_mem>>, %arg11: memref<!tpu.dma_semaphore, #tpu.memory_space<semaphore_mem>>, %arg12: memref<!tpu.dma_semaphore, #tpu.memory_space<semaphore_mem>>, %arg13: memref<!tpu.dma_semaphore, #tpu.memory_space<semaphore_mem>>, %arg14: memref<!tpu.dma_semaphore, #tpu.memory_space<semaphore_mem>>) attributes {dimension_semantics = [#tpu.dimension_semantics<core_parallel>, #tpu.dimension_semantics<subcore_parallel>], iteration_bounds = array<i64: 2, 16>, scalar_prefetch = 0 : i64, scratch_operands = 9 : i64, tpu.core_type = #tpu.core_type<sc_vector_subcore>, window_params = [{transform_indices = #map}, {transform_indices = #map1}, {transform_indices = #map1}, {transform_indices = #map1}]} {
    %mul3A = arith.constant 2 : i32
    %mul3A_0 = arith.muli %arg1, %mul3A : i32
    %add3A = arith.addi %mul3A_0, %arg0 : i32
    %mul3A_1 = arith.constant 512 : i32
    %mul3A_2 = arith.muli %add3A, %mul3A_1 : i32
    %dma_start3A = arith.constant 0 : i32
    %dma_start3A_3 = tpu.memref_slice %arg3[%mul3A_2, %dma_start3A] : memref<16384x64xf32, #tpu.memory_space<hbm>> -> memref<512x64xf32, #tpu.memory_space<hbm>>
    %dma_start3A_4 = arith.constant 0 : i32
    %dma_start3A_5 = tpu.memref_slice %arg3[%mul3A_2, %dma_start3A_4] : memref<16384x64xf32, #tpu.memory_space<hbm>> -> memref<512x64xf32, #tpu.memory_space<hbm>>
    tpu.enqueue_dma source(%dma_start3A_5 : memref<512x64xf32, #tpu.memory_space<hbm>>) target(%arg9 : memref<512x64xf32, #tpu.memory_space<vmem>>) target_semaphore(%arg14 : memref<!tpu.dma_semaphore, #tpu.memory_space<semaphore_mem>>)
    "tpu.region"() ({
      %run_scoped3A = tpu.sem_alloc : memref<!tpu.dma_semaphore, #tpu.memory_space<semaphore_mem>>
      %dma_start3A_97 = tpu.memref_slice %arg2[%mul3A_2] : memref<16384xi32, #tpu.memory_space<hbm>> -> memref<512xi32, #tpu.memory_space<hbm>>
      %dma_start3A_98 = tpu.memref_slice %arg2[%mul3A_2] : memref<16384xi32, #tpu.memory_space<hbm>> -> memref<512xi32, #tpu.memory_space<hbm>>
      tpu.enqueue_dma source(%dma_start3A_98 : memref<512xi32, #tpu.memory_space<hbm>>) target(%arg6 : memref<512xi32, #tpu.memory_space<vmem>>) target_semaphore(%run_scoped3A : memref<!tpu.dma_semaphore, #tpu.memory_space<semaphore_mem>>)
      %dma_wait3A_99 = tpu.memref_slice %arg2[%mul3A_2] : memref<16384xi32, #tpu.memory_space<hbm>> -> memref<512xi32, #tpu.memory_space<hbm>>
      %dma_wait3A_100 = tpu.memref_slice %arg2[%mul3A_2] : memref<16384xi32, #tpu.memory_space<hbm>> -> memref<512xi32, #tpu.memory_space<hbm>>
      tpu.wait_dma2 semaphore(%run_scoped3A : memref<!tpu.dma_semaphore, #tpu.memory_space<semaphore_mem>>) src(%dma_wait3A_100 : memref<512xi32, #tpu.memory_space<hbm>>) dst(%arg6 : memref<512xi32, #tpu.memory_space<vmem>>)
      tpu.yield
    }) : () -> ()
    %iota3A = tpu.iota {dimensions = array<i32: 0>} : vector<16xi32>
    %get3A = arith.constant 0 : index
    %get3A_6 = tpu.vector_load %arg6[%get3A] {strides = array<i32>} : memref<512xi32, #tpu.memory_space<vmem>>, vector<16xi32>,
    %slice3A = vector.extract_strided_slice %get3A_6 {offsets = [0], sizes = [1], strides = [1]} : vector<16xi32> to vector<1xi32>
    %squeeze3A = vector.extract %slice3A[0] : i32 from vector<1xi32>
    %shift_right_logical3A = arith.constant 7 : i32
    %shift_right_logical3A_7 = arith.shrui %squeeze3A, %shift_right_logical3A : i32
    %mul3A_8 = arith.constant 128 : i32
    %mul3A_9 = arith.muli %shift_right_logical3A_7, %mul3A_8 : i32
    %multiple_of3A = tpu.assume_multiple %mul3A_9, 128 : i32
    %get3A_10 = arith.constant 0 : index
    %get3A_11 = tpu.vector_load %arg6[%get3A_10] {strides = array<i32>} : memref<512xi32, #tpu.memory_space<vmem>>, vector<16xi32>,
    %slice3A_12 = vector.extract_strided_slice %get3A_11 {offsets = [1], sizes = [1], strides = [1]} : vector<16xi32> to vector<1xi32>
    %squeeze3A_13 = vector.extract %slice3A_12[0] : i32 from vector<1xi32>
    %shift_right_logical3A_14 = arith.constant 7 : i32
    %shift_right_logical3A_15 = arith.shrui %squeeze3A_13, %shift_right_logical3A_14 : i32
    %mul3A_16 = arith.constant 128 : i32
    %mul3A_17 = arith.muli %shift_right_logical3A_15, %mul3A_16 : i32
    %multiple_of3A_18 = tpu.assume_multiple %mul3A_17, 128 : i32
    %get3A_19 = arith.constant 0 : index
    %get3A_20 = tpu.vector_load %arg6[%get3A_19] {strides = array<i32>} : memref<512xi32, #tpu.memory_space<vmem>>, vector<16xi32>,
    %slice3A_21 = vector.extract_strided_slice %get3A_20 {offsets = [2], sizes = [1], strides = [1]} : vector<16xi32> to vector<1xi32>
    %squeeze3A_22 = vector.extract %slice3A_21[0] : i32 from vector<1xi32>
    %shift_right_logical3A_23 = arith.constant 7 : i32
    %shift_right_logical3A_24 = arith.shrui %squeeze3A_22, %shift_right_logical3A_23 : i32
    %mul3A_25 = arith.constant 128 : i32
    %mul3A_26 = arith.muli %shift_right_logical3A_24, %mul3A_25 : i32
    %multiple_of3A_27 = tpu.assume_multiple %mul3A_26, 128 : i32
    %get3A_28 = arith.constant 0 : index
    %get3A_29 = tpu.vector_load %arg6[%get3A_28] {strides = array<i32>} : memref<512xi32, #tpu.memory_space<vmem>>, vector<16xi32>,
    %slice3A_30 = vector.extract_strided_slice %get3A_29 {offsets = [3], sizes = [1], strides = [1]} : vector<16xi32> to vector<1xi32>
    %squeeze3A_31 = vector.extract %slice3A_30[0] : i32 from vector<1xi32>
    %shift_right_logical3A_32 = arith.constant 7 : i32
    %shift_right_logical3A_33 = arith.shrui %squeeze3A_31, %shift_right_logical3A_32 : i32
    %mul3A_34 = arith.constant 128 : i32
    %mul3A_35 = arith.muli %shift_right_logical3A_33, %mul3A_34 : i32
    %multiple_of3A_36 = tpu.assume_multiple %mul3A_35, 128 : i32
    %dma_start3A_37 = arith.constant 0 : i32
    %dma_start3A_38 = arith.constant 0 : i32
    %dma_start3A_39 = arith.constant 0 : i32
    %dma_start3A_40 = tpu.memref_slice %arg7[%dma_start3A_37, %dma_start3A_38, %dma_start3A_39] : memref<4x64x128xf32, #tpu.memory_space<vmem>> -> memref<1x64x128xf32, #tpu.memory_space<vmem>>
    %dma_start3A_41 = tpu.memref_squeeze %dma_start3A_40 : memref<1x64x128xf32, #tpu.memory_space<vmem>> -> memref<64x128xf32, #tpu.memory_space<vmem>>
    %dma_start3A_42 = arith.constant 0 : i32
    %dma_start3A_43 = tpu.memref_slice %arg4[%dma_start3A_42, %multiple_of3A] : memref<64x1000000xf32, #tpu.memory_space<hbm>> -> memref<64x128xf32, #tpu.memory_space<hbm>>
    %dma_start3A_44 = arith.constant 0 : i32
    %dma_start3A_45 = arith.constant 0 : i32
    %dma_start3A_46 = tpu.memref_slice %arg7[%dma_start3A_37, %dma_start3A_44, %dma_start3A_45] : memref<4x64x128xf32, #tpu.memory_space<vmem>> -> memref<1x64x128xf32, #tpu.memory_space<vmem>>
    %dma_start3A_47 = tpu.memref_squeeze %dma_start3A_46 : memref<1x64x128xf32, #tpu.memory_space<vmem>> -> memref<64x128xf32, #tpu.memory_space<vmem>>
    %dma_start3A_48 = arith.constant 0 : i32
    %dma_start3A_49 = tpu.memref_slice %arg4[%dma_start3A_48, %multiple_of3A] : memref<64x1000000xf32, #tpu.memory_space<hbm>> -> memref<64x128xf32, #tpu.memory_space<hbm>>
    tpu.enqueue_dma source(%dma_start3A_49 : memref<64x128xf32, #tpu.memory_space<hbm>>) target(%dma_start3A_47 : memref<64x128xf32, #tpu.memory_space<vmem>>) target_semaphore(%arg10 : memref<!tpu.dma_semaphore, #tpu.memory_space<semaphore_mem>>)
    %dma_start3A_50 = arith.constant 1 : i32
    %dma_start3A_51 = arith.constant 0 : i32
    %dma_start3A_52 = arith.constant 0 : i32
    %dma_start3A_53 = tpu.memref_slice %arg7[%dma_start3A_50, %dma_start3A_51, %dma_start3A_52] : memref<4x64x128xf32, #tpu.memory_space<vmem>> -> memref<1x64x128xf32, #tpu.memory_space<vmem>>
    %dma_start3A_54 = tpu.memref_squeeze %dma_start3A_53 : memref<1x64x128xf32, #tpu.memory_space<vmem>> -> memref<64x128xf32, #tpu.memory_space<vmem>>
    %dma_start3A_55 = arith.constant 0 : i32
    %dma_start3A_56 = tpu.memref_slice %arg4[%dma_start3A_55, %multiple_of3A_18] : memref<64x1000000xf32, #tpu.memory_space<hbm>> -> memref<64x128xf32, #tpu.memory_space<hbm>>
    %dma_start3A_57 = arith.constant 0 : i32
    %dma_start3A_58 = arith.constant 0 : i32
    %dma_start3A_59 = tpu.memref_slice %arg7[%dma_start3A_50, %dma_start3A_57, %dma_start3A_58] : memref<4x64x128xf32, #tpu.memory_space<vmem>> -> memref<1x64x128xf32, #tpu.memory_space<vmem>>
    %dma_start3A_60 = tpu.memref_squeeze %dma_start3A_59 : memref<1x64x128xf32, #tpu.memory_space<vmem>> -> memref<64x128xf32, #tpu.memory_space<vmem>>
    %dma_start3A_61 = arith.constant 0 : i32
    %dma_start3A_62 = tpu.memref_slice %arg4[%dma_start3A_61, %multiple_of3A_18] : memref<64x1000000xf32, #tpu.memory_space<hbm>> -> memref<64x128xf32, #tpu.memory_space<hbm>>
    tpu.enqueue_dma source(%dma_start3A_62 : memref<64x128xf32, #tpu.memory_space<hbm>>) target(%dma_start3A_60 : memref<64x128xf32, #tpu.memory_space<vmem>>) target_semaphore(%arg11 : memref<!tpu.dma_semaphore, #tpu.memory_space<semaphore_mem>>)
    %dma_start3A_63 = arith.constant 2 : i32
    %dma_start3A_64 = arith.constant 0 : i32
    %dma_start3A_65 = arith.constant 0 : i32
    %dma_start3A_66 = tpu.memref_slice %arg7[%dma_start3A_63, %dma_start3A_64, %dma_start3A_65] : memref<4x64x128xf32, #tpu.memory_space<vmem>> -> memref<1x64x128xf32, #tpu.memory_space<vmem>>
    %dma_start3A_67 = tpu.memref_squeeze %dma_start3A_66 : memref<1x64x128xf32, #tpu.memory_space<vmem>> -> memref<64x128xf32, #tpu.memory_space<vmem>>
    %dma_start3A_68 = arith.constant 0 : i32
    %dma_start3A_69 = tpu.memref_slice %arg4[%dma_start3A_68, %multiple_of3A_27] : memref<64x1000000xf32, #tpu.memory_space<hbm>> -> memref<64x128xf32, #tpu.memory_space<hbm>>
    %dma_start3A_70 = arith.constant 0 : i32
    %dma_start3A_71 = arith.constant 0 : i32
    %dma_start3A_72 = tpu.memref_slice %arg7[%dma_start3A_63, %dma_start3A_70, %dma_start3A_71] : memref<4x64x128xf32, #tpu.memory_space<vmem>> -> memref<1x64x128xf32, #tpu.memory_space<vmem>>
    %dma_start3A_73 = tpu.memref_squeeze %dma_start3A_72 : memref<1x64x128xf32, #tpu.memory_space<vmem>> -> memref<64x128xf32, #tpu.memory_space<vmem>>
    %dma_start3A_74 = arith.constant 0 : i32
    %dma_start3A_75 = tpu.memref_slice %arg4[%dma_start3A_74, %multiple_of3A_27] : memref<64x1000000xf32, #tpu.memory_space<hbm>> -> memref<64x128xf32, #tpu.memory_space<hbm>>
    tpu.enqueue_dma source(%dma_start3A_75 : memref<64x128xf32, #tpu.memory_space<hbm>>) target(%dma_start3A_73 : memref<64x128xf32, #tpu.memory_space<vmem>>) target_semaphore(%arg12 : memref<!tpu.dma_semaphore, #tpu.memory_space<semaphore_mem>>)
    %dma_start3A_76 = arith.constant 3 : i32
    %dma_start3A_77 = arith.constant 0 : i32
    %dma_start3A_78 = arith.constant 0 : i32
    %dma_start3A_79 = tpu.memref_slice %arg7[%dma_start3A_76, %dma_start3A_77, %dma_start3A_78] : memref<4x64x128xf32, #tpu.memory_space<vmem>> -> memref<1x64x128xf32, #tpu.memory_space<vmem>>
    %dma_start3A_80 = tpu.memref_squeeze %dma_start3A_79 : memref<1x64x128xf32, #tpu.memory_space<vmem>> -> memref<64x128xf32, #tpu.memory_space<vmem>>
    %dma_start3A_81 = arith.constant 0 : i32
    %dma_start3A_82 = tpu.memref_slice %arg4[%dma_start3A_81, %multiple_of3A_36] : memref<64x1000000xf32, #tpu.memory_space<hbm>> -> memref<64x128xf32, #tpu.memory_space<hbm>>
    %dma_start3A_83 = arith.constant 0 : i32
    %dma_start3A_84 = arith.constant 0 : i32
    %dma_start3A_85 = tpu.memref_slice %arg7[%dma_start3A_76, %dma_start3A_83, %dma_start3A_84] : memref<4x64x128xf32, #tpu.memory_space<vmem>> -> memref<1x64x128xf32, #tpu.memory_space<vmem>>
    %dma_start3A_86 = tpu.memref_squeeze %dma_start3A_85 : memref<1x64x128xf32, #tpu.memory_space<vmem>> -> memref<64x128xf32, #tpu.memory_space<vmem>>
    %dma_start3A_87 = arith.constant 0 : i32
    %dma_start3A_88 = tpu.memref_slice %arg4[%dma_start3A_87, %multiple_of3A_36] : memref<64x1000000xf32, #tpu.memory_space<hbm>> -> memref<64x128xf32, #tpu.memory_space<hbm>>
    tpu.enqueue_dma source(%dma_start3A_88 : memref<64x128xf32, #tpu.memory_space<hbm>>) target(%dma_start3A_86 : memref<64x128xf32, #tpu.memory_space<vmem>>) target_semaphore(%arg13 : memref<!tpu.dma_semaphore, #tpu.memory_space<semaphore_mem>>)
    %dma_wait3A = arith.constant 0 : i32
    %dma_wait3A_89 = tpu.memref_slice %arg3[%mul3A_2, %dma_wait3A] : memref<16384x64xf32, #tpu.memory_space<hbm>> -> memref<512x64xf32, #tpu.memory_space<hbm>>
    %dma_wait3A_90 = arith.constant 0 : i32
    %dma_wait3A_91 = tpu.memref_slice %arg3[%mul3A_2, %dma_wait3A_90] : memref<16384x64xf32, #tpu.memory_space<hbm>> -> memref<512x64xf32, #tpu.memory_space<hbm>>
    tpu.wait_dma2 semaphore(%arg14 : memref<!tpu.dma_semaphore, #tpu.memory_space<semaphore_mem>>) src(%dma_wait3A_91 : memref<512x64xf32, #tpu.memory_space<hbm>>) dst(%arg9 : memref<512x64xf32, #tpu.memory_space<vmem>>)
    %scan3A = arith.constant 0 : i32
    %scan3A_92 = arith.constant 0 : i32
    %scan3A_93 = arith.constant 32 : i32
    %scan3A_94 = arith.addi %scan3A_92, %scan3A_93 : i32
    %scan3A_95 = arith.constant 1 : i32
    scf.for %scan3A_97 = %scan3A_92 to %scan3A_94 step %scan3A_95  : i32 {
      %mul3A_98 = arith.constant 16 : i32
      %mul3A_99 = arith.muli %scan3A_97, %mul3A_98 : i32
      %get3A_100 = arith.index_cast %mul3A_99 : i32 to index
      %get3A_101 = tpu.vector_load %arg6[%get3A_100] {strides = array<i32>} : memref<512xi32, #tpu.memory_space<vmem>>, vector<16xi32>,
      %and3A = arith.constant 127 : i32
      %and3A_102 = vector.broadcast %and3A : i32 to vector<16xi32>
      %and3A_103 = arith.andi %get3A_101, %and3A_102 : vector<16xi32>
      %mul3A_104 = arith.constant 16 : i32
      %mul3A_105 = arith.muli %scan3A_97, %mul3A_104 : i32
      %get3A_106 = arith.index_cast %mul3A_105 : i32 to index
      %get3A_107 = tpu.vector_load %arg6[%get3A_106] {strides = array<i32>} : memref<512xi32, #tpu.memory_space<vmem>>, vector<16xi32>,
      %slice3A_108 = vector.extract_strided_slice %get3A_107 {offsets = [0], sizes = [1], strides = [1]} : vector<16xi32> to vector<1xi32>
      %squeeze3A_109 = vector.extract %slice3A_108[0] : i32 from vector<1xi32>
      %shift_right_logical3A_110 = arith.constant 7 : i32
      %shift_right_logical3A_111 = arith.shrui %squeeze3A_109, %shift_right_logical3A_110 : i32
      %mul3A_112 = arith.constant 128 : i32
      %mul3A_113 = arith.muli %shift_right_logical3A_111, %mul3A_112 : i32
      %multiple_of3A_114 = tpu.assume_multiple %mul3A_113, 128 : i32
      %dma_wait3A_115 = arith.constant 0 : i32
      %dma_wait3A_116 = arith.constant 0 : i32
      %dma_wait3A_117 = arith.constant 0 : i32
      %dma_wait3A_118 = tpu.memref_slice %arg7[%dma_wait3A_115, %dma_wait3A_116, %dma_wait3A_117] : memref<4x64x128xf32, #tpu.memory_space<vmem>> -> memref<1x64x128xf32, #tpu.memory_space<vmem>>
      %dma_wait3A_119 = tpu.memref_squeeze %dma_wait3A_118 : memref<1x64x128xf32, #tpu.memory_space<vmem>> -> memref<64x128xf32, #tpu.memory_space<vmem>>
      %dma_wait3A_120 = arith.constant 0 : i32
      %dma_wait3A_121 = tpu.memref_slice %arg4[%dma_wait3A_120, %multiple_of3A_114] : memref<64x1000000xf32, #tpu.memory_space<hbm>> -> memref<64x128xf32, #tpu.memory_space<hbm>>
      %dma_wait3A_122 = arith.constant 0 : i32
      %dma_wait3A_123 = arith.constant 0 : i32
      %dma_wait3A_124 = tpu.memref_slice %arg7[%dma_wait3A_115, %dma_wait3A_122, %dma_wait3A_123] : memref<4x64x128xf32, #tpu.memory_space<vmem>> -> memref<1x64x128xf32, #tpu.memory_space<vmem>>
      %dma_wait3A_125 = tpu.memref_squeeze %dma_wait3A_124 : memref<1x64x128xf32, #tpu.memory_space<vmem>> -> memref<64x128xf32, #tpu.memory_space<vmem>>
      %dma_wait3A_126 = arith.constant 0 : i32
      %dma_wait3A_127 = tpu.memref_slice %arg4[%dma_wait3A_126, %multiple_of3A_114] : memref<64x1000000xf32, #tpu.memory_space<hbm>> -> memref<64x128xf32, #tpu.memory_space<hbm>>
      tpu.wait_dma2 semaphore(%arg10 : memref<!tpu.dma_semaphore, #tpu.memory_space<semaphore_mem>>) src(%dma_wait3A_127 : memref<64x128xf32, #tpu.memory_space<hbm>>) dst(%dma_wait3A_125 : memref<64x128xf32, #tpu.memory_space<vmem>>)
      %slice3A_128 = vector.extract_strided_slice %and3A_103 {offsets = [0], sizes = [1], strides = [1]} : vector<16xi32> to vector<1xi32>
      %squeeze3A_129 = vector.extract %slice3A_128[0] : i32 from vector<1xi32>
      %add3A_130 = arith.constant 0 : i32
      %add3A_131 = vector.broadcast %add3A_130 : i32 to vector<16xi32>
      %add3A_132 = arith.addi %iota3A, %add3A_131 : vector<16xi32>
      %broadcast_in_dim3A = vector.broadcast %squeeze3A_129 : i32 to vector<16xi32>
      %gather3A = arith.constant 0 : i32
      %gather3A_133 = arith.constant 0 : i32
      %gather3A_134 = arith.constant 0 : i32
      %gather3A_135 = tpu.memref_slice %arg7[%gather3A, %gather3A_133, %gather3A_134] : memref<4x64x128xf32, #tpu.memory_space<vmem>> -> memref<1x64x128xf32, #tpu.memory_space<vmem>>
      %gather3A_136 = tpu.memref_squeeze %gather3A_135 : memref<1x64x128xf32, #tpu.memory_space<vmem>> -> memref<64x128xf32, #tpu.memory_space<vmem>>
      %gather3A_137 = tpu.vector_load_idx %gather3A_136[%add3A_132, %broadcast_in_dim3A] : memref<64x128xf32, #tpu.memory_space<vmem>>[vector<16xi32>, vector<16xi32>], vector<16xf32>,
      %mul3A_138 = arith.constant 16 : i32
      %mul3A_139 = arith.muli %scan3A_97, %mul3A_138 : i32
      %add3A_140 = arith.constant 0 : i32
      %add3A_141 = arith.addi %mul3A_139, %add3A_140 : i32
      %get3A_142 = arith.index_cast %add3A_141 : i32 to index
      %get3A_143 = arith.constant 0 : index
      %get3A_144 = tpu.vector_load %arg9[%get3A_142, %get3A_143] {strides = array<i32>} : memref<512x64xf32, #tpu.memory_space<vmem>>, vector<16xf32>,
      %add3A_145 = arith.addf %gather3A_137, %get3A_144 : vector<16xf32>
      %swap3A = arith.constant 0 : i32
      %swap3A_146 = arith.index_cast %swap3A : i32 to index
      %swap3A_147 = arith.constant 0 : index
      %swap3A_148 = tpu.vector_load %arg8[%swap3A_146, %swap3A_147] {strides = array<i32>} : memref<16x64xf32, #tpu.memory_space<vmem>>, vector<16xf32>,
      tpu.vector_store %arg8[%swap3A_146, %swap3A_147], %add3A_145 {strides = array<i32>} : memref<16x64xf32, #tpu.memory_space<vmem>>, vector<16xf32>,
      %add3A_149 = arith.constant 16 : i32
      %add3A_150 = vector.broadcast %add3A_149 : i32 to vector<16xi32>
      %add3A_151 = arith.addi %iota3A, %add3A_150 : vector<16xi32>
      %broadcast_in_dim3A_152 = vector.broadcast %squeeze3A_129 : i32 to vector<16xi32>
      %gather3A_153 = arith.constant 0 : i32
      %gather3A_154 = arith.constant 0 : i32
      %gather3A_155 = arith.constant 0 : i32
      %gather3A_156 = tpu.memref_slice %arg7[%gather3A_153, %gather3A_154, %gather3A_155] : memref<4x64x128xf32, #tpu.memory_space<vmem>> -> memref<1x64x128xf32, #tpu.memory_space<vmem>>
      %gather3A_157 = tpu.memref_squeeze %gather3A_156 : memref<1x64x128xf32, #tpu.memory_space<vmem>> -> memref<64x128xf32, #tpu.memory_space<vmem>>
      %gather3A_158 = tpu.vector_load_idx %gather3A_157[%add3A_151, %broadcast_in_dim3A_152] : memref<64x128xf32, #tpu.memory_space<vmem>>[vector<16xi32>, vector<16xi32>], vector<16xf32>,
      %mul3A_159 = arith.constant 16 : i32
      %mul3A_160 = arith.muli %scan3A_97, %mul3A_159 : i32
      %add3A_161 = arith.constant 0 : i32
      %add3A_162 = arith.addi %mul3A_160, %add3A_161 : i32
      %get3A_163 = arith.index_cast %add3A_162 : i32 to index
      %get3A_164 = arith.constant 16 : index
      %get3A_165 = tpu.vector_load %arg9[%get3A_163, %get3A_164] {strides = array<i32>} : memref<512x64xf32, #tpu.memory_space<vmem>>, vector<16xf32>,
      %add3A_166 = arith.addf %gather3A_158, %get3A_165 : vector<16xf32>
      %swap3A_167 = arith.constant 0 : i32
      %swap3A_168 = arith.index_cast %swap3A_167 : i32 to index
      %swap3A_169 = arith.constant 16 : index
      %swap3A_170 = tpu.vector_load %arg8[%swap3A_168, %swap3A_169] {strides = array<i32>} : memref<16x64xf32, #tpu.memory_space<vmem>>, vector<16xf32>,
      tpu.vector_store %arg8[%swap3A_168, %swap3A_169], %add3A_166 {strides = array<i32>} : memref<16x64xf32, #tpu.memory_space<vmem>>, vector<16xf32>,
      %add3A_171 = arith.constant 32 : i32
      %add3A_172 = vector.broadcast %add3A_171 : i32 to vector<16xi32>
      %add3A_173 = arith.addi %iota3A, %add3A_172 : vector<16xi32>
      %broadcast_in_dim3A_174 = vector.broadcast %squeeze3A_129 : i32 to vector<16xi32>
      %gather3A_175 = arith.constant 0 : i32
      %gather3A_176 = arith.constant 0 : i32
      %gather3A_177 = arith.constant 0 : i32
      %gather3A_178 = tpu.memref_slice %arg7[%gather3A_175, %gather3A_176, %gather3A_177] : memref<4x64x128xf32, #tpu.memory_space<vmem>> -> memref<1x64x128xf32, #tpu.memory_space<vmem>>
      %gather3A_179 = tpu.memref_squeeze %gather3A_178 : memref<1x64x128xf32, #tpu.memory_space<vmem>> -> memref<64x128xf32, #tpu.memory_space<vmem>>
      %gather3A_180 = tpu.vector_load_idx %gather3A_179[%add3A_173, %broadcast_in_dim3A_174] : memref<64x128xf32, #tpu.memory_space<vmem>>[vector<16xi32>, vector<16xi32>], vector<16xf32>,
      %mul3A_181 = arith.constant 16 : i32
      %mul3A_182 = arith.muli %scan3A_97, %mul3A_181 : i32
      %add3A_183 = arith.constant 0 : i32
      %add3A_184 = arith.addi %mul3A_182, %add3A_183 : i32
      %get3A_185 = arith.index_cast %add3A_184 : i32 to index
      %get3A_186 = arith.constant 32 : index
      %get3A_187 = tpu.vector_load %arg9[%get3A_185, %get3A_186] {strides = array<i32>} : memref<512x64xf32, #tpu.memory_space<vmem>>, vector<16xf32>,
      %add3A_188 = arith.addf %gather3A_180, %get3A_187 : vector<16xf32>
      %swap3A_189 = arith.constant 0 : i32
      %swap3A_190 = arith.index_cast %swap3A_189 : i32 to index
      %swap3A_191 = arith.constant 32 : index
      %swap3A_192 = tpu.vector_load %arg8[%swap3A_190, %swap3A_191] {strides = array<i32>} : memref<16x64xf32, #tpu.memory_space<vmem>>, vector<16xf32>,
      tpu.vector_store %arg8[%swap3A_190, %swap3A_191], %add3A_188 {strides = array<i32>} : memref<16x64xf32, #tpu.memory_space<vmem>>, vector<16xf32>,
      %add3A_193 = arith.constant 48 : i32
      %add3A_194 = vector.broadcast %add3A_193 : i32 to vector<16xi32>
      %add3A_195 = arith.addi %iota3A, %add3A_194 : vector<16xi32>
      %broadcast_in_dim3A_196 = vector.broadcast %squeeze3A_129 : i32 to vector<16xi32>
      %gather3A_197 = arith.constant 0 : i32
      %gather3A_198 = arith.constant 0 : i32
      %gather3A_199 = arith.constant 0 : i32
      %gather3A_200 = tpu.memref_slice %arg7[%gather3A_197, %gather3A_198, %gather3A_199] : memref<4x64x128xf32, #tpu.memory_space<vmem>> -> memref<1x64x128xf32, #tpu.memory_space<vmem>>
      %gather3A_201 = tpu.memref_squeeze %gather3A_200 : memref<1x64x128xf32, #tpu.memory_space<vmem>> -> memref<64x128xf32, #tpu.memory_space<vmem>>
      %gather3A_202 = tpu.vector_load_idx %gather3A_201[%add3A_195, %broadcast_in_dim3A_196] : memref<64x128xf32, #tpu.memory_space<vmem>>[vector<16xi32>, vector<16xi32>], vector<16xf32>,
      %mul3A_203 = arith.constant 16 : i32
      %mul3A_204 = arith.muli %scan3A_97, %mul3A_203 : i32
      %add3A_205 = arith.constant 0 : i32
      %add3A_206 = arith.addi %mul3A_204, %add3A_205 : i32
      %get3A_207 = arith.index_cast %add3A_206 : i32 to index
      %get3A_208 = arith.constant 48 : index
      %get3A_209 = tpu.vector_load %arg9[%get3A_207, %get3A_208] {strides = array<i32>} : memref<512x64xf32, #tpu.memory_space<vmem>>, vector<16xf32>,
      %add3A_210 = arith.addf %gather3A_202, %get3A_209 : vector<16xf32>
      %swap3A_211 = arith.constant 0 : i32
      %swap3A_212 = arith.index_cast %swap3A_211 : i32 to index
      %swap3A_213 = arith.constant 48 : index
      %swap3A_214 = tpu.vector_load %arg8[%swap3A_212, %swap3A_213] {strides = array<i32>} : memref<16x64xf32, #tpu.memory_space<vmem>>, vector<16xf32>,
      tpu.vector_store %arg8[%swap3A_212, %swap3A_213], %add3A_210 {strides = array<i32>} : memref<16x64xf32, #tpu.memory_space<vmem>>, vector<16xf32>,
      %add3A_215 = arith.constant 0 : i32
      %add3A_216 = arith.addi %scan3A_97, %add3A_215 : i32
      %mul3A_217 = arith.constant 16 : i32
      %mul3A_218 = arith.muli %add3A_216, %mul3A_217 : i32
      %add3A_219 = arith.constant 4 : i32
      %add3A_220 = arith.addi %mul3A_218, %add3A_219 : i32
      %lt3A = arith.constant 512 : i32
      %lt3A_221 = arith.cmpi slt, %add3A_220, %lt3A : i32
      %convert_element_type3A = arith.extui %lt3A_221 : i1 to i32
      %cond3A = arith.constant 0 : i32
      %cond3A_222 = arith.cmpi ne, %convert_element_type3A, %cond3A : i32
      scf.if %cond3A_222 {
        %mul3A_2101 = arith.constant 16 : i32
        %mul3A_2102 = arith.muli %add3A_216, %mul3A_2101 : i32
        %get3A_2103 = arith.index_cast %mul3A_2102 : i32 to index
        %get3A_2104 = tpu.vector_load %arg6[%get3A_2103] {strides = array<i32>} : memref<512xi32, #tpu.memory_space<vmem>>, vector<16xi32>,
        %slice3A_2105 = vector.extract_strided_slice %get3A_2104 {offsets = [4], sizes = [1], strides = [1]} : vector<16xi32> to vector<1xi32>
        %squeeze3A_2106 = vector.extract %slice3A_2105[0] : i32 from vector<1xi32>
        %shift_right_logical3A_2107 = arith.constant 7 : i32
        %shift_right_logical3A_2108 = arith.shrui %squeeze3A_2106, %shift_right_logical3A_2107 : i32
        %mul3A_2109 = arith.constant 128 : i32
        %mul3A_2110 = arith.muli %shift_right_logical3A_2108, %mul3A_2109 : i32
        %multiple_of3A_2111 = tpu.assume_multiple %mul3A_2110, 128 : i32
        %dma_start3A_2112 = arith.constant 0 : i32
        %dma_start3A_2113 = arith.constant 0 : i32
        %dma_start3A_2114 = arith.constant 0 : i32
        %dma_start3A_2115 = tpu.memref_slice %arg7[%dma_start3A_2112, %dma_start3A_2113, %dma_start3A_2114] : memref<4x64x128xf32, #tpu.memory_space<vmem>> -> memref<1x64x128xf32, #tpu.memory_space<vmem>>
        %dma_start3A_2116 = tpu.memref_squeeze %dma_start3A_2115 : memref<1x64x128xf32, #tpu.memory_space<vmem>> -> memref<64x128xf32, #tpu.memory_space<vmem>>
        %dma_start3A_2117 = arith.constant 0 : i32
        %dma_start3A_2118 = tpu.memref_slice %arg4[%dma_start3A_2117, %multiple_of3A_2111] : memref<64x1000000xf32, #tpu.memory_space<hbm>> -> memref<64x128xf32, #tpu.memory_space<hbm>>
        %dma_start3A_2119 = arith.constant 0 : i32
        %dma_start3A_2120 = arith.constant 0 : i32
        %dma_start3A_2121 = tpu.memref_slice %arg7[%dma_start3A_2112, %dma_start3A_2119, %dma_start3A_2120] : memref<4x64x128xf32, #tpu.memory_space<vmem>> -> memref<1x64x128xf32, #tpu.memory_space<vmem>>
        %dma_start3A_2122 = tpu.memref_squeeze %dma_start3A_2121 : memref<1x64x128xf32, #tpu.memory_space<vmem>> -> memref<64x128xf32, #tpu.memory_space<vmem>>
        %dma_start3A_2123 = arith.constant 0 : i32
        %dma_start3A_2124 = tpu.memref_slice %arg4[%dma_start3A_2123, %multiple_of3A_2111] : memref<64x1000000xf32, #tpu.memory_space<hbm>> -> memref<64x128xf32, #tpu.memory_space<hbm>>
        tpu.enqueue_dma source(%dma_start3A_2124 : memref<64x128xf32, #tpu.memory_space<hbm>>) target(%dma_start3A_2122 : memref<64x128xf32, #tpu.memory_space<vmem>>) target_semaphore(%arg10 : memref<!tpu.dma_semaphore, #tpu.memory_space<semaphore_mem>>)
      } else {
      }
      %mul3A_223 = arith.constant 16 : i32
      %mul3A_224 = arith.muli %scan3A_97, %mul3A_223 : i32
      %get3A_225 = arith.index_cast %mul3A_224 : i32 to index
      %get3A_226 = tpu.vector_load %arg6[%get3A_225] {strides = array<i32>} : memref<512xi32, #tpu.memory_space<vmem>>, vector<16xi32>,
      %slice3A_227 = vector.extract_strided_slice %get3A_226 {offsets = [1], sizes = [1], strides = [1]} : vector<16xi32> to vector<1xi32>
      %squeeze3A_228 = vector.extract %slice3A_227[0] : i32 from vector<1xi32>
      %shift_right_logical3A_229 = arith.constant 7 : i32
      %shift_right_logical3A_230 = arith.shrui %squeeze3A_228, %shift_right_logical3A_229 : i32
      %mul3A_231 = arith.constant 128 : i32
      %mul3A_232 = arith.muli %shift_right_logical3A_230, %mul3A_231 : i32
      %multiple_of3A_233 = tpu.assume_multiple %mul3A_232, 128 : i32
      %dma_wait3A_234 = arith.constant 1 : i32
      %dma_wait3A_235 = arith.constant 0 : i32
      %dma_wait3A_236 = arith.constant 0 : i32
      %dma_wait3A_237 = tpu.memref_slice %arg7[%dma_wait3A_234, %dma_wait3A_235, %dma_wait3A_236] : memref<4x64x128xf32, #tpu.memory_space<vmem>> -> memref<1x64x128xf32, #tpu.memory_space<vmem>>
      %dma_wait3A_238 = tpu.memref_squeeze %dma_wait3A_237 : memref<1x64x128xf32, #tpu.memory_space<vmem>> -> memref<64x128xf32, #tpu.memory_space<vmem>>
      %dma_wait3A_239 = arith.constant 0 : i32
      %dma_wait3A_240 = tpu.memref_slice %arg4[%dma_wait3A_239, %multiple_of3A_233] : memref<64x1000000xf32, #tpu.memory_space<hbm>> -> memref<64x128xf32, #tpu.memory_space<hbm>>
      %dma_wait3A_241 = arith.constant 0 : i32
      %dma_wait3A_242 = arith.constant 0 : i32
      %dma_wait3A_243 = tpu.memref_slice %arg7[%dma_wait3A_234, %dma_wait3A_241, %dma_wait3A_242] : memref<4x64x128xf32, #tpu.memory_space<vmem>> -> memref<1x64x128xf32, #tpu.memory_space<vmem>>
      %dma_wait3A_244 = tpu.memref_squeeze %dma_wait3A_243 : memref<1x64x128xf32, #tpu.memory_space<vmem>> -> memref<64x128xf32, #tpu.memory_space<vmem>>
      %dma_wait3A_245 = arith.constant 0 : i32
      %dma_wait3A_246 = tpu.memref_slice %arg4[%dma_wait3A_245, %multiple_of3A_233] : memref<64x1000000xf32, #tpu.memory_space<hbm>> -> memref<64x128xf32, #tpu.memory_space<hbm>>
      tpu.wait_dma2 semaphore(%arg11 : memref<!tpu.dma_semaphore, #tpu.memory_space<semaphore_mem>>) src(%dma_wait3A_246 : memref<64x128xf32, #tpu.memory_space<hbm>>) dst(%dma_wait3A_244 : memref<64x128xf32, #tpu.memory_space<vmem>>)
      %slice3A_247 = vector.extract_strided_slice %and3A_103 {offsets = [1], sizes = [1], strides = [1]} : vector<16xi32> to vector<1xi32>
      %squeeze3A_248 = vector.extract %slice3A_247[0] : i32 from vector<1xi32>
      %add3A_249 = arith.constant 0 : i32
      %add3A_250 = vector.broadcast %add3A_249 : i32 to vector<16xi32>
      %add3A_251 = arith.addi %iota3A, %add3A_250 : vector<16xi32>
      %broadcast_in_dim3A_252 = vector.broadcast %squeeze3A_248 : i32 to vector<16xi32>
      %gather3A_253 = arith.constant 1 : i32
      %gather3A_254 = arith.constant 0 : i32
      %gather3A_255 = arith.constant 0 : i32
      %gather3A_256 = tpu.memref_slice %arg7[%gather3A_253, %gather3A_254, %gather3A_255] : memref<4x64x128xf32, #tpu.memory_space<vmem>> -> memref<1x64x128xf32, #tpu.memory_space<vmem>>
      %gather3A_257 = tpu.memref_squeeze %gather3A_256 : memref<1x64x128xf32, #tpu.memory_space<vmem>> -> memref<64x128xf32, #tpu.memory_space<vmem>>
      %gather3A_258 = tpu.vector_load_idx %gather3A_257[%add3A_251, %broadcast_in_dim3A_252] : memref<64x128xf32, #tpu.memory_space<vmem>>[vector<16xi32>, vector<16xi32>], vector<16xf32>,
      %mul3A_259 = arith.constant 16 : i32
      %mul3A_260 = arith.muli %scan3A_97, %mul3A_259 : i32
      %add3A_261 = arith.constant 1 : i32
      %add3A_262 = arith.addi %mul3A_260, %add3A_261 : i32
      %get3A_263 = arith.index_cast %add3A_262 : i32 to index
      %get3A_264 = arith.constant 0 : index
      %get3A_265 = tpu.vector_load %arg9[%get3A_263, %get3A_264] {strides = array<i32>} : memref<512x64xf32, #tpu.memory_space<vmem>>, vector<16xf32>,
      %add3A_266 = arith.addf %gather3A_258, %get3A_265 : vector<16xf32>
      %swap3A_267 = arith.constant 1 : i32
      %swap3A_268 = arith.index_cast %swap3A_267 : i32 to index
      %swap3A_269 = arith.constant 0 : index
      %swap3A_270 = tpu.vector_load %arg8[%swap3A_268, %swap3A_269] {strides = array<i32>} : memref<16x64xf32, #tpu.memory_space<vmem>>, vector<16xf32>,
      tpu.vector_store %arg8[%swap3A_268, %swap3A_269], %add3A_266 {strides = array<i32>} : memref<16x64xf32, #tpu.memory_space<vmem>>, vector<16xf32>,
      %add3A_271 = arith.constant 16 : i32
      %add3A_272 = vector.broadcast %add3A_271 : i32 to vector<16xi32>
      %add3A_273 = arith.addi %iota3A, %add3A_272 : vector<16xi32>
      %broadcast_in_dim3A_274 = vector.broadcast %squeeze3A_248 : i32 to vector<16xi32>
      %gather3A_275 = arith.constant 1 : i32
      %gather3A_276 = arith.constant 0 : i32
      %gather3A_277 = arith.constant 0 : i32
      %gather3A_278 = tpu.memref_slice %arg7[%gather3A_275, %gather3A_276, %gather3A_277] : memref<4x64x128xf32, #tpu.memory_space<vmem>> -> memref<1x64x128xf32, #tpu.memory_space<vmem>>
      %gather3A_279 = tpu.memref_squeeze %gather3A_278 : memref<1x64x128xf32, #tpu.memory_space<vmem>> -> memref<64x128xf32, #tpu.memory_space<vmem>>
      %gather3A_280 = tpu.vector_load_idx %gather3A_279[%add3A_273, %broadcast_in_dim3A_274] : memref<64x128xf32, #tpu.memory_space<vmem>>[vector<16xi32>, vector<16xi32>], vector<16xf32>,
      %mul3A_281 = arith.constant 16 : i32
      %mul3A_282 = arith.muli %scan3A_97, %mul3A_281 : i32
      %add3A_283 = arith.constant 1 : i32
      %add3A_284 = arith.addi %mul3A_282, %add3A_283 : i32
      %get3A_285 = arith.index_cast %add3A_284 : i32 to index
      %get3A_286 = arith.constant 16 : index
      %get3A_287 = tpu.vector_load %arg9[%get3A_285, %get3A_286] {strides = array<i32>} : memref<512x64xf32, #tpu.memory_space<vmem>>, vector<16xf32>,
      %add3A_288 = arith.addf %gather3A_280, %get3A_287 : vector<16xf32>
      %swap3A_289 = arith.constant 1 : i32
      %swap3A_290 = arith.index_cast %swap3A_289 : i32 to index
      %swap3A_291 = arith.constant 16 : index
      %swap3A_292 = tpu.vector_load %arg8[%swap3A_290, %swap3A_291] {strides = array<i32>} : memref<16x64xf32, #tpu.memory_space<vmem>>, vector<16xf32>,
      tpu.vector_store %arg8[%swap3A_290, %swap3A_291], %add3A_288 {strides = array<i32>} : memref<16x64xf32, #tpu.memory_space<vmem>>, vector<16xf32>,
      %add3A_293 = arith.constant 32 : i32
      %add3A_294 = vector.broadcast %add3A_293 : i32 to vector<16xi32>
      %add3A_295 = arith.addi %iota3A, %add3A_294 : vector<16xi32>
      %broadcast_in_dim3A_296 = vector.broadcast %squeeze3A_248 : i32 to vector<16xi32>
      %gather3A_297 = arith.constant 1 : i32
      %gather3A_298 = arith.constant 0 : i32
      %gather3A_299 = arith.constant 0 : i32
      %gather3A_300 = tpu.memref_slice %arg7[%gather3A_297, %gather3A_298, %gather3A_299] : memref<4x64x128xf32, #tpu.memory_space<vmem>> -> memref<1x64x128xf32, #tpu.memory_space<vmem>>
      %gather3A_301 = tpu.memref_squeeze %gather3A_300 : memref<1x64x128xf32, #tpu.memory_space<vmem>> -> memref<64x128xf32, #tpu.memory_space<vmem>>
      %gather3A_302 = tpu.vector_load_idx %gather3A_301[%add3A_295, %broadcast_in_dim3A_296] : memref<64x128xf32, #tpu.memory_space<vmem>>[vector<16xi32>, vector<16xi32>], vector<16xf32>,
      %mul3A_303 = arith.constant 16 : i32
      %mul3A_304 = arith.muli %scan3A_97, %mul3A_303 : i32
      %add3A_305 = arith.constant 1 : i32
      %add3A_306 = arith.addi %mul3A_304, %add3A_305 : i32
      %get3A_307 = arith.index_cast %add3A_306 : i32 to index
      %get3A_308 = arith.constant 32 : index
      %get3A_309 = tpu.vector_load %arg9[%get3A_307, %get3A_308] {strides = array<i32>} : memref<512x64xf32, #tpu.memory_space<vmem>>, vector<16xf32>,
      %add3A_310 = arith.addf %gather3A_302, %get3A_309 : vector<16xf32>
      %swap3A_311 = arith.constant 1 : i32
      %swap3A_312 = arith.index_cast %swap3A_311 : i32 to index
      %swap3A_313 = arith.constant 32 : index
      %swap3A_314 = tpu.vector_load %arg8[%swap3A_312, %swap3A_313] {strides = array<i32>} : memref<16x64xf32, #tpu.memory_space<vmem>>, vector<16xf32>,
      tpu.vector_store %arg8[%swap3A_312, %swap3A_313], %add3A_310 {strides = array<i32>} : memref<16x64xf32, #tpu.memory_space<vmem>>, vector<16xf32>,
      %add3A_315 = arith.constant 48 : i32
      %add3A_316 = vector.broadcast %add3A_315 : i32 to vector<16xi32>
      %add3A_317 = arith.addi %iota3A, %add3A_316 : vector<16xi32>
      %broadcast_in_dim3A_318 = vector.broadcast %squeeze3A_248 : i32 to vector<16xi32>
      %gather3A_319 = arith.constant 1 : i32
      %gather3A_320 = arith.constant 0 : i32
      %gather3A_321 = arith.constant 0 : i32
      %gather3A_322 = tpu.memref_slice %arg7[%gather3A_319, %gather3A_320, %gather3A_321] : memref<4x64x128xf32, #tpu.memory_space<vmem>> -> memref<1x64x128xf32, #tpu.memory_space<vmem>>
      %gather3A_323 = tpu.memref_squeeze %gather3A_322 : memref<1x64x128xf32, #tpu.memory_space<vmem>> -> memref<64x128xf32, #tpu.memory_space<vmem>>
      %gather3A_324 = tpu.vector_load_idx %gather3A_323[%add3A_317, %broadcast_in_dim3A_318] : memref<64x128xf32, #tpu.memory_space<vmem>>[vector<16xi32>, vector<16xi32>], vector<16xf32>,
      %mul3A_325 = arith.constant 16 : i32
      %mul3A_326 = arith.muli %scan3A_97, %mul3A_325 : i32
      %add3A_327 = arith.constant 1 : i32
      %add3A_328 = arith.addi %mul3A_326, %add3A_327 : i32
      %get3A_329 = arith.index_cast %add3A_328 : i32 to index
      %get3A_330 = arith.constant 48 : index
      %get3A_331 = tpu.vector_load %arg9[%get3A_329, %get3A_330] {strides = array<i32>} : memref<512x64xf32, #tpu.memory_space<vmem>>, vector<16xf32>,
      %add3A_332 = arith.addf %gather3A_324, %get3A_331 : vector<16xf32>
      %swap3A_333 = arith.constant 1 : i32
      %swap3A_334 = arith.index_cast %swap3A_333 : i32 to index
      %swap3A_335 = arith.constant 48 : index
      %swap3A_336 = tpu.vector_load %arg8[%swap3A_334, %swap3A_335] {strides = array<i32>} : memref<16x64xf32, #tpu.memory_space<vmem>>, vector<16xf32>,
      tpu.vector_store %arg8[%swap3A_334, %swap3A_335], %add3A_332 {strides = array<i32>} : memref<16x64xf32, #tpu.memory_space<vmem>>, vector<16xf32>,
      %add3A_337 = arith.constant 0 : i32
      %add3A_338 = arith.addi %scan3A_97, %add3A_337 : i32
      %mul3A_339 = arith.constant 16 : i32
      %mul3A_340 = arith.muli %add3A_338, %mul3A_339 : i32
      %add3A_341 = arith.constant 5 : i32
      %add3A_342 = arith.addi %mul3A_340, %add3A_341 : i32
      %lt3A_343 = arith.constant 512 : i32
      %lt3A_344 = arith.cmpi slt, %add3A_342, %lt3A_343 : i32
      %convert_element_type3A_345 = arith.extui %lt3A_344 : i1 to i32
      %cond3A_346 = arith.constant 0 : i32
      %cond3A_347 = arith.cmpi ne, %convert_element_type3A_345, %cond3A_346 : i32
      scf.if %cond3A_347 {
        %mul3A_2101 = arith.constant 16 : i32
        %mul3A_2102 = arith.muli %add3A_338, %mul3A_2101 : i32
        %get3A_2103 = arith.index_cast %mul3A_2102 : i32 to index
        %get3A_2104 = tpu.vector_load %arg6[%get3A_2103] {strides = array<i32>} : memref<512xi32, #tpu.memory_space<vmem>>, vector<16xi32>,
        %slice3A_2105 = vector.extract_strided_slice %get3A_2104 {offsets = [5], sizes = [1], strides = [1]} : vector<16xi32> to vector<1xi32>
        %squeeze3A_2106 = vector.extract %slice3A_2105[0] : i32 from vector<1xi32>
        %shift_right_logical3A_2107 = arith.constant 7 : i32
        %shift_right_logical3A_2108 = arith.shrui %squeeze3A_2106, %shift_right_logical3A_2107 : i32
        %mul3A_2109 = arith.constant 128 : i32
        %mul3A_2110 = arith.muli %shift_right_logical3A_2108, %mul3A_2109 : i32
        %multiple_of3A_2111 = tpu.assume_multiple %mul3A_2110, 128 : i32
        %dma_start3A_2112 = arith.constant 1 : i32
        %dma_start3A_2113 = arith.constant 0 : i32
        %dma_start3A_2114 = arith.constant 0 : i32
        %dma_start3A_2115 = tpu.memref_slice %arg7[%dma_start3A_2112, %dma_start3A_2113, %dma_start3A_2114] : memref<4x64x128xf32, #tpu.memory_space<vmem>> -> memref<1x64x128xf32, #tpu.memory_space<vmem>>
        %dma_start3A_2116 = tpu.memref_squeeze %dma_start3A_2115 : memref<1x64x128xf32, #tpu.memory_space<vmem>> -> memref<64x128xf32, #tpu.memory_space<vmem>>
        %dma_start3A_2117 = arith.constant 0 : i32
        %dma_start3A_2118 = tpu.memref_slice %arg4[%dma_start3A_2117, %multiple_of3A_2111] : memref<64x1000000xf32, #tpu.memory_space<hbm>> -> memref<64x128xf32, #tpu.memory_space<hbm>>
        %dma_start3A_2119 = arith.constant 0 : i32
        %dma_start3A_2120 = arith.constant 0 : i32
        %dma_start3A_2121 = tpu.memref_slice %arg7[%dma_start3A_2112, %dma_start3A_2119, %dma_start3A_2120] : memref<4x64x128xf32, #tpu.memory_space<vmem>> -> memref<1x64x128xf32, #tpu.memory_space<vmem>>
        %dma_start3A_2122 = tpu.memref_squeeze %dma_start3A_2121 : memref<1x64x128xf32, #tpu.memory_space<vmem>> -> memref<64x128xf32, #tpu.memory_space<vmem>>
        %dma_start3A_2123 = arith.constant 0 : i32
        %dma_start3A_2124 = tpu.memref_slice %arg4[%dma_start3A_2123, %multiple_of3A_2111] : memref<64x1000000xf32, #tpu.memory_space<hbm>> -> memref<64x128xf32, #tpu.memory_space<hbm>>
        tpu.enqueue_dma source(%dma_start3A_2124 : memref<64x128xf32, #tpu.memory_space<hbm>>) target(%dma_start3A_2122 : memref<64x128xf32, #tpu.memory_space<vmem>>) target_semaphore(%arg11 : memref<!tpu.dma_semaphore, #tpu.memory_space<semaphore_mem>>)
      } else {
      }
      %mul3A_348 = arith.constant 16 : i32
      %mul3A_349 = arith.muli %scan3A_97, %mul3A_348 : i32
      %get3A_350 = arith.index_cast %mul3A_349 : i32 to index
      %get3A_351 = tpu.vector_load %arg6[%get3A_350] {strides = array<i32>} : memref<512xi32, #tpu.memory_space<vmem>>, vector<16xi32>,
      %slice3A_352 = vector.extract_strided_slice %get3A_351 {offsets = [2], sizes = [1], strides = [1]} : vector<16xi32> to vector<1xi32>
      %squeeze3A_353 = vector.extract %slice3A_352[0] : i32 from vector<1xi32>
      %shift_right_logical3A_354 = arith.constant 7 : i32
      %shift_right_logical3A_355 = arith.shrui %squeeze3A_353, %shift_right_logical3A_354 : i32
      %mul3A_356 = arith.constant 128 : i32
      %mul3A_357 = arith.muli %shift_right_logical3A_355, %mul3A_356 : i32
      %multiple_of3A_358 = tpu.assume_multiple %mul3A_357, 128 : i32
      %dma_wait3A_359 = arith.constant 2 : i32
      %dma_wait3A_360 = arith.constant 0 : i32
      %dma_wait3A_361 = arith.constant 0 : i32
      %dma_wait3A_362 = tpu.memref_slice %arg7[%dma_wait3A_359, %dma_wait3A_360, %dma_wait3A_361] : memref<4x64x128xf32, #tpu.memory_space<vmem>> -> memref<1x64x128xf32, #tpu.memory_space<vmem>>
      %dma_wait3A_363 = tpu.memref_squeeze %dma_wait3A_362 : memref<1x64x128xf32, #tpu.memory_space<vmem>> -> memref<64x128xf32, #tpu.memory_space<vmem>>
      %dma_wait3A_364 = arith.constant 0 : i32
      %dma_wait3A_365 = tpu.memref_slice %arg4[%dma_wait3A_364, %multiple_of3A_358] : memref<64x1000000xf32, #tpu.memory_space<hbm>> -> memref<64x128xf32, #tpu.memory_space<hbm>>
      %dma_wait3A_366 = arith.constant 0 : i32
      %dma_wait3A_367 = arith.constant 0 : i32
      %dma_wait3A_368 = tpu.memref_slice %arg7[%dma_wait3A_359, %dma_wait3A_366, %dma_wait3A_367] : memref<4x64x128xf32, #tpu.memory_space<vmem>> -> memref<1x64x128xf32, #tpu.memory_space<vmem>>
      %dma_wait3A_369 = tpu.memref_squeeze %dma_wait3A_368 : memref<1x64x128xf32, #tpu.memory_space<vmem>> -> memref<64x128xf32, #tpu.memory_space<vmem>>
      %dma_wait3A_370 = arith.constant 0 : i32
      %dma_wait3A_371 = tpu.memref_slice %arg4[%dma_wait3A_370, %multiple_of3A_358] : memref<64x1000000xf32, #tpu.memory_space<hbm>> -> memref<64x128xf32, #tpu.memory_space<hbm>>
      tpu.wait_dma2 semaphore(%arg12 : memref<!tpu.dma_semaphore, #tpu.memory_space<semaphore_mem>>) src(%dma_wait3A_371 : memref<64x128xf32, #tpu.memory_space<hbm>>) dst(%dma_wait3A_369 : memref<64x128xf32, #tpu.memory_space<vmem>>)
      %slice3A_372 = vector.extract_strided_slice %and3A_103 {offsets = [2], sizes = [1], strides = [1]} : vector<16xi32> to vector<1xi32>
      %squeeze3A_373 = vector.extract %slice3A_372[0] : i32 from vector<1xi32>
      %add3A_374 = arith.constant 0 : i32
      %add3A_375 = vector.broadcast %add3A_374 : i32 to vector<16xi32>
      %add3A_376 = arith.addi %iota3A, %add3A_375 : vector<16xi32>
      %broadcast_in_dim3A_377 = vector.broadcast %squeeze3A_373 : i32 to vector<16xi32>
      %gather3A_378 = arith.constant 2 : i32
      %gather3A_379 = arith.constant 0 : i32
      %gather3A_380 = arith.constant 0 : i32
      %gather3A_381 = tpu.memref_slice %arg7[%gather3A_378, %gather3A_379, %gather3A_380] : memref<4x64x128xf32, #tpu.memory_space<vmem>> -> memref<1x64x128xf32, #tpu.memory_space<vmem>>
      %gather3A_382 = tpu.memref_squeeze %gather3A_381 : memref<1x64x128xf32, #tpu.memory_space<vmem>> -> memref<64x128xf32, #tpu.memory_space<vmem>>
      %gather3A_383 = tpu.vector_load_idx %gather3A_382[%add3A_376, %broadcast_in_dim3A_377] : memref<64x128xf32, #tpu.memory_space<vmem>>[vector<16xi32>, vector<16xi32>], vector<16xf32>,
      %mul3A_384 = arith.constant 16 : i32
      %mul3A_385 = arith.muli %scan3A_97, %mul3A_384 : i32
      %add3A_386 = arith.constant 2 : i32
      %add3A_387 = arith.addi %mul3A_385, %add3A_386 : i32
      %get3A_388 = arith.index_cast %add3A_387 : i32 to index
      %get3A_389 = arith.constant 0 : index
      %get3A_390 = tpu.vector_load %arg9[%get3A_388, %get3A_389] {strides = array<i32>} : memref<512x64xf32, #tpu.memory_space<vmem>>, vector<16xf32>,
      %add3A_391 = arith.addf %gather3A_383, %get3A_390 : vector<16xf32>
      %swap3A_392 = arith.constant 2 : i32
      %swap3A_393 = arith.index_cast %swap3A_392 : i32 to index
      %swap3A_394 = arith.constant 0 : index
      %swap3A_395 = tpu.vector_load %arg8[%swap3A_393, %swap3A_394] {strides = array<i32>} : memref<16x64xf32, #tpu.memory_space<vmem>>, vector<16xf32>,
      tpu.vector_store %arg8[%swap3A_393, %swap3A_394], %add3A_391 {strides = array<i32>} : memref<16x64xf32, #tpu.memory_space<vmem>>, vector<16xf32>,
      %add3A_396 = arith.constant 16 : i32
      %add3A_397 = vector.broadcast %add3A_396 : i32 to vector<16xi32>
      %add3A_398 = arith.addi %iota3A, %add3A_397 : vector<16xi32>
      %broadcast_in_dim3A_399 = vector.broadcast %squeeze3A_373 : i32 to vector<16xi32>
      %gather3A_400 = arith.constant 2 : i32
      %gather3A_401 = arith.constant 0 : i32
      %gather3A_402 = arith.constant 0 : i32
      %gather3A_403 = tpu.memref_slice %arg7[%gather3A_400, %gather3A_401, %gather3A_402] : memref<4x64x128xf32, #tpu.memory_space<vmem>> -> memref<1x64x128xf32, #tpu.memory_space<vmem>>
      %gather3A_404 = tpu.memref_squeeze %gather3A_403 : memref<1x64x128xf32, #tpu.memory_space<vmem>> -> memref<64x128xf32, #tpu.memory_space<vmem>>
      %gather3A_405 = tpu.vector_load_idx %gather3A_404[%add3A_398, %broadcast_in_dim3A_399] : memref<64x128xf32, #tpu.memory_space<vmem>>[vector<16xi32>, vector<16xi32>], vector<16xf32>,
      %mul3A_406 = arith.constant 16 : i32
      %mul3A_407 = arith.muli %scan3A_97, %mul3A_406 : i32
      %add3A_408 = arith.constant 2 : i32
      %add3A_409 = arith.addi %mul3A_407, %add3A_408 : i32
      %get3A_410 = arith.index_cast %add3A_409 : i32 to index
      %get3A_411 = arith.constant 16 : index
      %get3A_412 = tpu.vector_load %arg9[%get3A_410, %get3A_411] {strides = array<i32>} : memref<512x64xf32, #tpu.memory_space<vmem>>, vector<16xf32>,
      %add3A_413 = arith.addf %gather3A_405, %get3A_412 : vector<16xf32>
      %swap3A_414 = arith.constant 2 : i32
      %swap3A_415 = arith.index_cast %swap3A_414 : i32 to index
      %swap3A_416 = arith.constant 16 : index
      %swap3A_417 = tpu.vector_load %arg8[%swap3A_415, %swap3A_416] {strides = array<i32>} : memref<16x64xf32, #tpu.memory_space<vmem>>, vector<16xf32>,
      tpu.vector_store %arg8[%swap3A_415, %swap3A_416], %add3A_413 {strides = array<i32>} : memref<16x64xf32, #tpu.memory_space<vmem>>, vector<16xf32>,
      %add3A_418 = arith.constant 32 : i32
      %add3A_419 = vector.broadcast %add3A_418 : i32 to vector<16xi32>
      %add3A_420 = arith.addi %iota3A, %add3A_419 : vector<16xi32>
      %broadcast_in_dim3A_421 = vector.broadcast %squeeze3A_373 : i32 to vector<16xi32>
      %gather3A_422 = arith.constant 2 : i32
      %gather3A_423 = arith.constant 0 : i32
      %gather3A_424 = arith.constant 0 : i32
      %gather3A_425 = tpu.memref_slice %arg7[%gather3A_422, %gather3A_423, %gather3A_424] : memref<4x64x128xf32, #tpu.memory_space<vmem>> -> memref<1x64x128xf32, #tpu.memory_space<vmem>>
      %gather3A_426 = tpu.memref_squeeze %gather3A_425 : memref<1x64x128xf32, #tpu.memory_space<vmem>> -> memref<64x128xf32, #tpu.memory_space<vmem>>
      %gather3A_427 = tpu.vector_load_idx %gather3A_426[%add3A_420, %broadcast_in_dim3A_421] : memref<64x128xf32, #tpu.memory_space<vmem>>[vector<16xi32>, vector<16xi32>], vector<16xf32>,
      %mul3A_428 = arith.constant 16 : i32
      %mul3A_429 = arith.muli %scan3A_97, %mul3A_428 : i32
      %add3A_430 = arith.constant 2 : i32
      %add3A_431 = arith.addi %mul3A_429, %add3A_430 : i32
      %get3A_432 = arith.index_cast %add3A_431 : i32 to index
      %get3A_433 = arith.constant 32 : index
      %get3A_434 = tpu.vector_load %arg9[%get3A_432, %get3A_433] {strides = array<i32>} : memref<512x64xf32, #tpu.memory_space<vmem>>, vector<16xf32>,
      %add3A_435 = arith.addf %gather3A_427, %get3A_434 : vector<16xf32>
      %swap3A_436 = arith.constant 2 : i32
      %swap3A_437 = arith.index_cast %swap3A_436 : i32 to index
      %swap3A_438 = arith.constant 32 : index
      %swap3A_439 = tpu.vector_load %arg8[%swap3A_437, %swap3A_438] {strides = array<i32>} : memref<16x64xf32, #tpu.memory_space<vmem>>, vector<16xf32>,
      tpu.vector_store %arg8[%swap3A_437, %swap3A_438], %add3A_435 {strides = array<i32>} : memref<16x64xf32, #tpu.memory_space<vmem>>, vector<16xf32>,
      %add3A_440 = arith.constant 48 : i32
      %add3A_441 = vector.broadcast %add3A_440 : i32 to vector<16xi32>
      %add3A_442 = arith.addi %iota3A, %add3A_441 : vector<16xi32>
      %broadcast_in_dim3A_443 = vector.broadcast %squeeze3A_373 : i32 to vector<16xi32>
      %gather3A_444 = arith.constant 2 : i32
      %gather3A_445 = arith.constant 0 : i32
      %gather3A_446 = arith.constant 0 : i32
      %gather3A_447 = tpu.memref_slice %arg7[%gather3A_444, %gather3A_445, %gather3A_446] : memref<4x64x128xf32, #tpu.memory_space<vmem>> -> memref<1x64x128xf32, #tpu.memory_space<vmem>>
      %gather3A_448 = tpu.memref_squeeze %gather3A_447 : memref<1x64x128xf32, #tpu.memory_space<vmem>> -> memref<64x128xf32, #tpu.memory_space<vmem>>
      %gather3A_449 = tpu.vector_load_idx %gather3A_448[%add3A_442, %broadcast_in_dim3A_443] : memref<64x128xf32, #tpu.memory_space<vmem>>[vector<16xi32>, vector<16xi32>], vector<16xf32>,
      %mul3A_450 = arith.constant 16 : i32
      %mul3A_451 = arith.muli %scan3A_97, %mul3A_450 : i32
      %add3A_452 = arith.constant 2 : i32
      %add3A_453 = arith.addi %mul3A_451, %add3A_452 : i32
      %get3A_454 = arith.index_cast %add3A_453 : i32 to index
      %get3A_455 = arith.constant 48 : index
      %get3A_456 = tpu.vector_load %arg9[%get3A_454, %get3A_455] {strides = array<i32>} : memref<512x64xf32, #tpu.memory_space<vmem>>, vector<16xf32>,
      %add3A_457 = arith.addf %gather3A_449, %get3A_456 : vector<16xf32>
      %swap3A_458 = arith.constant 2 : i32
      %swap3A_459 = arith.index_cast %swap3A_458 : i32 to index
      %swap3A_460 = arith.constant 48 : index
      %swap3A_461 = tpu.vector_load %arg8[%swap3A_459, %swap3A_460] {strides = array<i32>} : memref<16x64xf32, #tpu.memory_space<vmem>>, vector<16xf32>,
      tpu.vector_store %arg8[%swap3A_459, %swap3A_460], %add3A_457 {strides = array<i32>} : memref<16x64xf32, #tpu.memory_space<vmem>>, vector<16xf32>,
      %add3A_462 = arith.constant 0 : i32
      %add3A_463 = arith.addi %scan3A_97, %add3A_462 : i32
      %mul3A_464 = arith.constant 16 : i32
      %mul3A_465 = arith.muli %add3A_463, %mul3A_464 : i32
      %add3A_466 = arith.constant 6 : i32
      %add3A_467 = arith.addi %mul3A_465, %add3A_466 : i32
      %lt3A_468 = arith.constant 512 : i32
      %lt3A_469 = arith.cmpi slt, %add3A_467, %lt3A_468 : i32
      %convert_element_type3A_470 = arith.extui %lt3A_469 : i1 to i32
      %cond3A_471 = arith.constant 0 : i32
      %cond3A_472 = arith.cmpi ne, %convert_element_type3A_470, %cond3A_471 : i32
      scf.if %cond3A_472 {
        %mul3A_2101 = arith.constant 16 : i32
        %mul3A_2102 = arith.muli %add3A_463, %mul3A_2101 : i32
        %get3A_2103 = arith.index_cast %mul3A_2102 : i32 to index
        %get3A_2104 = tpu.vector_load %arg6[%get3A_2103] {strides = array<i32>} : memref<512xi32, #tpu.memory_space<vmem>>, vector<16xi32>,
        %slice3A_2105 = vector.extract_strided_slice %get3A_2104 {offsets = [6], sizes = [1], strides = [1]} : vector<16xi32> to vector<1xi32>
        %squeeze3A_2106 = vector.extract %slice3A_2105[0] : i32 from vector<1xi32>
        %shift_right_logical3A_2107 = arith.constant 7 : i32
        %shift_right_logical3A_2108 = arith.shrui %squeeze3A_2106, %shift_right_logical3A_2107 : i32
        %mul3A_2109 = arith.constant 128 : i32
        %mul3A_2110 = arith.muli %shift_right_logical3A_2108, %mul3A_2109 : i32
        %multiple_of3A_2111 = tpu.assume_multiple %mul3A_2110, 128 : i32
        %dma_start3A_2112 = arith.constant 2 : i32
        %dma_start3A_2113 = arith.constant 0 : i32
        %dma_start3A_2114 = arith.constant 0 : i32
        %dma_start3A_2115 = tpu.memref_slice %arg7[%dma_start3A_2112, %dma_start3A_2113, %dma_start3A_2114] : memref<4x64x128xf32, #tpu.memory_space<vmem>> -> memref<1x64x128xf32, #tpu.memory_space<vmem>>
        %dma_start3A_2116 = tpu.memref_squeeze %dma_start3A_2115 : memref<1x64x128xf32, #tpu.memory_space<vmem>> -> memref<64x128xf32, #tpu.memory_space<vmem>>
        %dma_start3A_2117 = arith.constant 0 : i32
        %dma_start3A_2118 = tpu.memref_slice %arg4[%dma_start3A_2117, %multiple_of3A_2111] : memref<64x1000000xf32, #tpu.memory_space<hbm>> -> memref<64x128xf32, #tpu.memory_space<hbm>>
        %dma_start3A_2119 = arith.constant 0 : i32
        %dma_start3A_2120 = arith.constant 0 : i32
        %dma_start3A_2121 = tpu.memref_slice %arg7[%dma_start3A_2112, %dma_start3A_2119, %dma_start3A_2120] : memref<4x64x128xf32, #tpu.memory_space<vmem>> -> memref<1x64x128xf32, #tpu.memory_space<vmem>>
        %dma_start3A_2122 = tpu.memref_squeeze %dma_start3A_2121 : memref<1x64x128xf32, #tpu.memory_space<vmem>> -> memref<64x128xf32, #tpu.memory_space<vmem>>
        %dma_start3A_2123 = arith.constant 0 : i32
        %dma_start3A_2124 = tpu.memref_slice %arg4[%dma_start3A_2123, %multiple_of3A_2111] : memref<64x1000000xf32, #tpu.memory_space<hbm>> -> memref<64x128xf32, #tpu.memory_space<hbm>>
        tpu.enqueue_dma source(%dma_start3A_2124 : memref<64x128xf32, #tpu.memory_space<hbm>>) target(%dma_start3A_2122 : memref<64x128xf32, #tpu.memory_space<vmem>>) target_semaphore(%arg12 : memref<!tpu.dma_semaphore, #tpu.memory_space<semaphore_mem>>)
      } else {
      }
      %mul3A_473 = arith.constant 16 : i32
      %mul3A_474 = arith.muli %scan3A_97, %mul3A_473 : i32
      %get3A_475 = arith.index_cast %mul3A_474 : i32 to index
      %get3A_476 = tpu.vector_load %arg6[%get3A_475] {strides = array<i32>} : memref<512xi32, #tpu.memory_space<vmem>>, vector<16xi32>,
      %slice3A_477 = vector.extract_strided_slice %get3A_476 {offsets = [3], sizes = [1], strides = [1]} : vector<16xi32> to vector<1xi32>
      %squeeze3A_478 = vector.extract %slice3A_477[0] : i32 from vector<1xi32>
      %shift_right_logical3A_479 = arith.constant 7 : i32
      %shift_right_logical3A_480 = arith.shrui %squeeze3A_478, %shift_right_logical3A_479 : i32
      %mul3A_481 = arith.constant 128 : i32
      %mul3A_482 = arith.muli %shift_right_logical3A_480, %mul3A_481 : i32
      %multiple_of3A_483 = tpu.assume_multiple %mul3A_482, 128 : i32
      %dma_wait3A_484 = arith.constant 3 : i32
      %dma_wait3A_485 = arith.constant 0 : i32
      %dma_wait3A_486 = arith.constant 0 : i32
      %dma_wait3A_487 = tpu.memref_slice %arg7[%dma_wait3A_484, %dma_wait3A_485, %dma_wait3A_486] : memref<4x64x128xf32, #tpu.memory_space<vmem>> -> memref<1x64x128xf32, #tpu.memory_space<vmem>>
      %dma_wait3A_488 = tpu.memref_squeeze %dma_wait3A_487 : memref<1x64x128xf32, #tpu.memory_space<vmem>> -> memref<64x128xf32, #tpu.memory_space<vmem>>
      %dma_wait3A_489 = arith.constant 0 : i32
      %dma_wait3A_490 = tpu.memref_slice %arg4[%dma_wait3A_489, %multiple_of3A_483] : memref<64x1000000xf32, #tpu.memory_space<hbm>> -> memref<64x128xf32, #tpu.memory_space<hbm>>
      %dma_wait3A_491 = arith.constant 0 : i32
      %dma_wait3A_492 = arith.constant 0 : i32
      %dma_wait3A_493 = tpu.memref_slice %arg7[%dma_wait3A_484, %dma_wait3A_491, %dma_wait3A_492] : memref<4x64x128xf32, #tpu.memory_space<vmem>> -> memref<1x64x128xf32, #tpu.memory_space<vmem>>
      %dma_wait3A_494 = tpu.memref_squeeze %dma_wait3A_493 : memref<1x64x128xf32, #tpu.memory_space<vmem>> -> memref<64x128xf32, #tpu.memory_space<vmem>>
      %dma_wait3A_495 = arith.constant 0 : i32
      %dma_wait3A_496 = tpu.memref_slice %arg4[%dma_wait3A_495, %multiple_of3A_483] : memref<64x1000000xf32, #tpu.memory_space<hbm>> -> memref<64x128xf32, #tpu.memory_space<hbm>>
      tpu.wait_dma2 semaphore(%arg13 : memref<!tpu.dma_semaphore, #tpu.memory_space<semaphore_mem>>) src(%dma_wait3A_496 : memref<64x128xf32, #tpu.memory_space<hbm>>) dst(%dma_wait3A_494 : memref<64x128xf32, #tpu.memory_space<vmem>>)
      %slice3A_497 = vector.extract_strided_slice %and3A_103 {offsets = [3], sizes = [1], strides = [1]} : vector<16xi32> to vector<1xi32>
      %squeeze3A_498 = vector.extract %slice3A_497[0] : i32 from vector<1xi32>
      %add3A_499 = arith.constant 0 : i32
      %add3A_500 = vector.broadcast %add3A_499 : i32 to vector<16xi32>
      %add3A_501 = arith.addi %iota3A, %add3A_500 : vector<16xi32>
      %broadcast_in_dim3A_502 = vector.broadcast %squeeze3A_498 : i32 to vector<16xi32>
      %gather3A_503 = arith.constant 3 : i32
      %gather3A_504 = arith.constant 0 : i32
      %gather3A_505 = arith.constant 0 : i32
      %gather3A_506 = tpu.memref_slice %arg7[%gather3A_503, %gather3A_504, %gather3A_505] : memref<4x64x128xf32, #tpu.memory_space<vmem>> -> memref<1x64x128xf32, #tpu.memory_space<vmem>>
      %gather3A_507 = tpu.memref_squeeze %gather3A_506 : memref<1x64x128xf32, #tpu.memory_space<vmem>> -> memref<64x128xf32, #tpu.memory_space<vmem>>
      %gather3A_508 = tpu.vector_load_idx %gather3A_507[%add3A_501, %broadcast_in_dim3A_502] : memref<64x128xf32, #tpu.memory_space<vmem>>[vector<16xi32>, vector<16xi32>], vector<16xf32>,
      %mul3A_509 = arith.constant 16 : i32
      %mul3A_510 = arith.muli %scan3A_97, %mul3A_509 : i32
      %add3A_511 = arith.constant 3 : i32
      %add3A_512 = arith.addi %mul3A_510, %add3A_511 : i32
      %get3A_513 = arith.index_cast %add3A_512 : i32 to index
      %get3A_514 = arith.constant 0 : index
      %get3A_515 = tpu.vector_load %arg9[%get3A_513, %get3A_514] {strides = array<i32>} : memref<512x64xf32, #tpu.memory_space<vmem>>, vector<16xf32>,
      %add3A_516 = arith.addf %gather3A_508, %get3A_515 : vector<16xf32>
      %swap3A_517 = arith.constant 3 : i32
      %swap3A_518 = arith.index_cast %swap3A_517 : i32 to index
      %swap3A_519 = arith.constant 0 : index
      %swap3A_520 = tpu.vector_load %arg8[%swap3A_518, %swap3A_519] {strides = array<i32>} : memref<16x64xf32, #tpu.memory_space<vmem>>, vector<16xf32>,
      tpu.vector_store %arg8[%swap3A_518, %swap3A_519], %add3A_516 {strides = array<i32>} : memref<16x64xf32, #tpu.memory_space<vmem>>, vector<16xf32>,
      %add3A_521 = arith.constant 16 : i32
      %add3A_522 = vector.broadcast %add3A_521 : i32 to vector<16xi32>
      %add3A_523 = arith.addi %iota3A, %add3A_522 : vector<16xi32>
      %broadcast_in_dim3A_524 = vector.broadcast %squeeze3A_498 : i32 to vector<16xi32>
      %gather3A_525 = arith.constant 3 : i32
      %gather3A_526 = arith.constant 0 : i32
      %gather3A_527 = arith.constant 0 : i32
      %gather3A_528 = tpu.memref_slice %arg7[%gather3A_525, %gather3A_526, %gather3A_527] : memref<4x64x128xf32, #tpu.memory_space<vmem>> -> memref<1x64x128xf32, #tpu.memory_space<vmem>>
      %gather3A_529 = tpu.memref_squeeze %gather3A_528 : memref<1x64x128xf32, #tpu.memory_space<vmem>> -> memref<64x128xf32, #tpu.memory_space<vmem>>
      %gather3A_530 = tpu.vector_load_idx %gather3A_529[%add3A_523, %broadcast_in_dim3A_524] : memref<64x128xf32, #tpu.memory_space<vmem>>[vector<16xi32>, vector<16xi32>], vector<16xf32>,
      %mul3A_531 = arith.constant 16 : i32
      %mul3A_532 = arith.muli %scan3A_97, %mul3A_531 : i32
      %add3A_533 = arith.constant 3 : i32
      %add3A_534 = arith.addi %mul3A_532, %add3A_533 : i32
      %get3A_535 = arith.index_cast %add3A_534 : i32 to index
      %get3A_536 = arith.constant 16 : index
      %get3A_537 = tpu.vector_load %arg9[%get3A_535, %get3A_536] {strides = array<i32>} : memref<512x64xf32, #tpu.memory_space<vmem>>, vector<16xf32>,
      %add3A_538 = arith.addf %gather3A_530, %get3A_537 : vector<16xf32>
      %swap3A_539 = arith.constant 3 : i32
      %swap3A_540 = arith.index_cast %swap3A_539 : i32 to index
      %swap3A_541 = arith.constant 16 : index
      %swap3A_542 = tpu.vector_load %arg8[%swap3A_540, %swap3A_541] {strides = array<i32>} : memref<16x64xf32, #tpu.memory_space<vmem>>, vector<16xf32>,
      tpu.vector_store %arg8[%swap3A_540, %swap3A_541], %add3A_538 {strides = array<i32>} : memref<16x64xf32, #tpu.memory_space<vmem>>, vector<16xf32>,
      %add3A_543 = arith.constant 32 : i32
      %add3A_544 = vector.broadcast %add3A_543 : i32 to vector<16xi32>
      %add3A_545 = arith.addi %iota3A, %add3A_544 : vector<16xi32>
      %broadcast_in_dim3A_546 = vector.broadcast %squeeze3A_498 : i32 to vector<16xi32>
      %gather3A_547 = arith.constant 3 : i32
      %gather3A_548 = arith.constant 0 : i32
      %gather3A_549 = arith.constant 0 : i32
      %gather3A_550 = tpu.memref_slice %arg7[%gather3A_547, %gather3A_548, %gather3A_549] : memref<4x64x128xf32, #tpu.memory_space<vmem>> -> memref<1x64x128xf32, #tpu.memory_space<vmem>>
      %gather3A_551 = tpu.memref_squeeze %gather3A_550 : memref<1x64x128xf32, #tpu.memory_space<vmem>> -> memref<64x128xf32, #tpu.memory_space<vmem>>
      %gather3A_552 = tpu.vector_load_idx %gather3A_551[%add3A_545, %broadcast_in_dim3A_546] : memref<64x128xf32, #tpu.memory_space<vmem>>[vector<16xi32>, vector<16xi32>], vector<16xf32>,
      %mul3A_553 = arith.constant 16 : i32
      %mul3A_554 = arith.muli %scan3A_97, %mul3A_553 : i32
      %add3A_555 = arith.constant 3 : i32
      %add3A_556 = arith.addi %mul3A_554, %add3A_555 : i32
      %get3A_557 = arith.index_cast %add3A_556 : i32 to index
      %get3A_558 = arith.constant 32 : index
      %get3A_559 = tpu.vector_load %arg9[%get3A_557, %get3A_558] {strides = array<i32>} : memref<512x64xf32, #tpu.memory_space<vmem>>, vector<16xf32>,
      %add3A_560 = arith.addf %gather3A_552, %get3A_559 : vector<16xf32>
      %swap3A_561 = arith.constant 3 : i32
      %swap3A_562 = arith.index_cast %swap3A_561 : i32 to index
      %swap3A_563 = arith.constant 32 : index
      %swap3A_564 = tpu.vector_load %arg8[%swap3A_562, %swap3A_563] {strides = array<i32>} : memref<16x64xf32, #tpu.memory_space<vmem>>, vector<16xf32>,
      tpu.vector_store %arg8[%swap3A_562, %swap3A_563], %add3A_560 {strides = array<i32>} : memref<16x64xf32, #tpu.memory_space<vmem>>, vector<16xf32>,
      %add3A_565 = arith.constant 48 : i32
      %add3A_566 = vector.broadcast %add3A_565 : i32 to vector<16xi32>
      %add3A_567 = arith.addi %iota3A, %add3A_566 : vector<16xi32>
      %broadcast_in_dim3A_568 = vector.broadcast %squeeze3A_498 : i32 to vector<16xi32>
      %gather3A_569 = arith.constant 3 : i32
      %gather3A_570 = arith.constant 0 : i32
      %gather3A_571 = arith.constant 0 : i32
      %gather3A_572 = tpu.memref_slice %arg7[%gather3A_569, %gather3A_570, %gather3A_571] : memref<4x64x128xf32, #tpu.memory_space<vmem>> -> memref<1x64x128xf32, #tpu.memory_space<vmem>>
      %gather3A_573 = tpu.memref_squeeze %gather3A_572 : memref<1x64x128xf32, #tpu.memory_space<vmem>> -> memref<64x128xf32, #tpu.memory_space<vmem>>
      %gather3A_574 = tpu.vector_load_idx %gather3A_573[%add3A_567, %broadcast_in_dim3A_568] : memref<64x128xf32, #tpu.memory_space<vmem>>[vector<16xi32>, vector<16xi32>], vector<16xf32>,
      %mul3A_575 = arith.constant 16 : i32
      %mul3A_576 = arith.muli %scan3A_97, %mul3A_575 : i32
      %add3A_577 = arith.constant 3 : i32
      %add3A_578 = arith.addi %mul3A_576, %add3A_577 : i32
      %get3A_579 = arith.index_cast %add3A_578 : i32 to index
      %get3A_580 = arith.constant 48 : index
      %get3A_581 = tpu.vector_load %arg9[%get3A_579, %get3A_580] {strides = array<i32>} : memref<512x64xf32, #tpu.memory_space<vmem>>, vector<16xf32>,
      %add3A_582 = arith.addf %gather3A_574, %get3A_581 : vector<16xf32>
      %swap3A_583 = arith.constant 3 : i32
      %swap3A_584 = arith.index_cast %swap3A_583 : i32 to index
      %swap3A_585 = arith.constant 48 : index
      %swap3A_586 = tpu.vector_load %arg8[%swap3A_584, %swap3A_585] {strides = array<i32>} : memref<16x64xf32, #tpu.memory_space<vmem>>, vector<16xf32>,
      tpu.vector_store %arg8[%swap3A_584, %swap3A_585], %add3A_582 {strides = array<i32>} : memref<16x64xf32, #tpu.memory_space<vmem>>, vector<16xf32>,
      %add3A_587 = arith.constant 0 : i32
      %add3A_588 = arith.addi %scan3A_97, %add3A_587 : i32
      %mul3A_589 = arith.constant 16 : i32
      %mul3A_590 = arith.muli %add3A_588, %mul3A_589 : i32
      %add3A_591 = arith.constant 7 : i32
      %add3A_592 = arith.addi %mul3A_590, %add3A_591 : i32
      %lt3A_593 = arith.constant 512 : i32
      %lt3A_594 = arith.cmpi slt, %add3A_592, %lt3A_593 : i32
      %convert_element_type3A_595 = arith.extui %lt3A_594 : i1 to i32
      %cond3A_596 = arith.constant 0 : i32
      %cond3A_597 = arith.cmpi ne, %convert_element_type3A_595, %cond3A_596 : i32
      scf.if %cond3A_597 {
        %mul3A_2101 = arith.constant 16 : i32
        %mul3A_2102 = arith.muli %add3A_588, %mul3A_2101 : i32
        %get3A_2103 = arith.index_cast %mul3A_2102 : i32 to index
        %get3A_2104 = tpu.vector_load %arg6[%get3A_2103] {strides = array<i32>} : memref<512xi32, #tpu.memory_space<vmem>>, vector<16xi32>,
        %slice3A_2105 = vector.extract_strided_slice %get3A_2104 {offsets = [7], sizes = [1], strides = [1]} : vector<16xi32> to vector<1xi32>
        %squeeze3A_2106 = vector.extract %slice3A_2105[0] : i32 from vector<1xi32>
        %shift_right_logical3A_2107 = arith.constant 7 : i32
        %shift_right_logical3A_2108 = arith.shrui %squeeze3A_2106, %shift_right_logical3A_2107 : i32
        %mul3A_2109 = arith.constant 128 : i32
        %mul3A_2110 = arith.muli %shift_right_logical3A_2108, %mul3A_2109 : i32
        %multiple_of3A_2111 = tpu.assume_multiple %mul3A_2110, 128 : i32
        %dma_start3A_2112 = arith.constant 3 : i32
        %dma_start3A_2113 = arith.constant 0 : i32
        %dma_start3A_2114 = arith.constant 0 : i32
        %dma_start3A_2115 = tpu.memref_slice %arg7[%dma_start3A_2112, %dma_start3A_2113, %dma_start3A_2114] : memref<4x64x128xf32, #tpu.memory_space<vmem>> -> memref<1x64x128xf32, #tpu.memory_space<vmem>>
        %dma_start3A_2116 = tpu.memref_squeeze %dma_start3A_2115 : memref<1x64x128xf32, #tpu.memory_space<vmem>> -> memref<64x128xf32, #tpu.memory_space<vmem>>
        %dma_start3A_2117 = arith.constant 0 : i32
        %dma_start3A_2118 = tpu.memref_slice %arg4[%dma_start3A_2117, %multiple_of3A_2111] : memref<64x1000000xf32, #tpu.memory_space<hbm>> -> memref<64x128xf32, #tpu.memory_space<hbm>>
        %dma_start3A_2119 = arith.constant 0 : i32
        %dma_start3A_2120 = arith.constant 0 : i32
        %dma_start3A_2121 = tpu.memref_slice %arg7[%dma_start3A_2112, %dma_start3A_2119, %dma_start3A_2120] : memref<4x64x128xf32, #tpu.memory_space<vmem>> -> memref<1x64x128xf32, #tpu.memory_space<vmem>>
        %dma_start3A_2122 = tpu.memref_squeeze %dma_start3A_2121 : memref<1x64x128xf32, #tpu.memory_space<vmem>> -> memref<64x128xf32, #tpu.memory_space<vmem>>
        %dma_start3A_2123 = arith.constant 0 : i32
        %dma_start3A_2124 = tpu.memref_slice %arg4[%dma_start3A_2123, %multiple_of3A_2111] : memref<64x1000000xf32, #tpu.memory_space<hbm>> -> memref<64x128xf32, #tpu.memory_space<hbm>>
        tpu.enqueue_dma source(%dma_start3A_2124 : memref<64x128xf32, #tpu.memory_space<hbm>>) target(%dma_start3A_2122 : memref<64x128xf32, #tpu.memory_space<vmem>>) target_semaphore(%arg13 : memref<!tpu.dma_semaphore, #tpu.memory_space<semaphore_mem>>)
      } else {
      }
      %mul3A_598 = arith.constant 16 : i32
      %mul3A_599 = arith.muli %scan3A_97, %mul3A_598 : i32
      %get3A_600 = arith.index_cast %mul3A_599 : i32 to index
      %get3A_601 = tpu.vector_load %arg6[%get3A_600] {strides = array<i32>} : memref<512xi32, #tpu.memory_space<vmem>>, vector<16xi32>,
      %slice3A_602 = vector.extract_strided_slice %get3A_601 {offsets = [4], sizes = [1], strides = [1]} : vector<16xi32> to vector<1xi32>
      %squeeze3A_603 = vector.extract %slice3A_602[0] : i32 from vector<1xi32>
      %shift_right_logical3A_604 = arith.constant 7 : i32
      %shift_right_logical3A_605 = arith.shrui %squeeze3A_603, %shift_right_logical3A_604 : i32
      %mul3A_606 = arith.constant 128 : i32
      %mul3A_607 = arith.muli %shift_right_logical3A_605, %mul3A_606 : i32
      %multiple_of3A_608 = tpu.assume_multiple %mul3A_607, 128 : i32
      %dma_wait3A_609 = arith.constant 0 : i32
      %dma_wait3A_610 = arith.constant 0 : i32
      %dma_wait3A_611 = arith.constant 0 : i32
      %dma_wait3A_612 = tpu.memref_slice %arg7[%dma_wait3A_609, %dma_wait3A_610, %dma_wait3A_611] : memref<4x64x128xf32, #tpu.memory_space<vmem>> -> memref<1x64x128xf32, #tpu.memory_space<vmem>>
      %dma_wait3A_613 = tpu.memref_squeeze %dma_wait3A_612 : memref<1x64x128xf32, #tpu.memory_space<vmem>> -> memref<64x128xf32, #tpu.memory_space<vmem>>
      %dma_wait3A_614 = arith.constant 0 : i32
      %dma_wait3A_615 = tpu.memref_slice %arg4[%dma_wait3A_614, %multiple_of3A_608] : memref<64x1000000xf32, #tpu.memory_space<hbm>> -> memref<64x128xf32, #tpu.memory_space<hbm>>
      %dma_wait3A_616 = arith.constant 0 : i32
      %dma_wait3A_617 = arith.constant 0 : i32
      %dma_wait3A_618 = tpu.memref_slice %arg7[%dma_wait3A_609, %dma_wait3A_616, %dma_wait3A_617] : memref<4x64x128xf32, #tpu.memory_space<vmem>> -> memref<1x64x128xf32, #tpu.memory_space<vmem>>
      %dma_wait3A_619 = tpu.memref_squeeze %dma_wait3A_618 : memref<1x64x128xf32, #tpu.memory_space<vmem>> -> memref<64x128xf32, #tpu.memory_space<vmem>>
      %dma_wait3A_620 = arith.constant 0 : i32
      %dma_wait3A_621 = tpu.memref_slice %arg4[%dma_wait3A_620, %multiple_of3A_608] : memref<64x1000000xf32, #tpu.memory_space<hbm>> -> memref<64x128xf32, #tpu.memory_space<hbm>>
      tpu.wait_dma2 semaphore(%arg10 : memref<!tpu.dma_semaphore, #tpu.memory_space<semaphore_mem>>) src(%dma_wait3A_621 : memref<64x128xf32, #tpu.memory_space<hbm>>) dst(%dma_wait3A_619 : memref<64x128xf32, #tpu.memory_space<vmem>>)
      %slice3A_622 = vector.extract_strided_slice %and3A_103 {offsets = [4], sizes = [1], strides = [1]} : vector<16xi32> to vector<1xi32>
      %squeeze3A_623 = vector.extract %slice3A_622[0] : i32 from vector<1xi32>
      %add3A_624 = arith.constant 0 : i32
      %add3A_625 = vector.broadcast %add3A_624 : i32 to vector<16xi32>
      %add3A_626 = arith.addi %iota3A, %add3A_625 : vector<16xi32>
      %broadcast_in_dim3A_627 = vector.broadcast %squeeze3A_623 : i32 to vector<16xi32>
      %gather3A_628 = arith.constant 0 : i32
      %gather3A_629 = arith.constant 0 : i32
      %gather3A_630 = arith.constant 0 : i32
      %gather3A_631 = tpu.memref_slice %arg7[%gather3A_628, %gather3A_629, %gather3A_630] : memref<4x64x128xf32, #tpu.memory_space<vmem>> -> memref<1x64x128xf32, #tpu.memory_space<vmem>>
      %gather3A_632 = tpu.memref_squeeze %gather3A_631 : memref<1x64x128xf32, #tpu.memory_space<vmem>> -> memref<64x128xf32, #tpu.memory_space<vmem>>
      %gather3A_633 = tpu.vector_load_idx %gather3A_632[%add3A_626, %broadcast_in_dim3A_627] : memref<64x128xf32, #tpu.memory_space<vmem>>[vector<16xi32>, vector<16xi32>], vector<16xf32>,
      %mul3A_634 = arith.constant 16 : i32
      %mul3A_635 = arith.muli %scan3A_97, %mul3A_634 : i32
      %add3A_636 = arith.constant 4 : i32
      %add3A_637 = arith.addi %mul3A_635, %add3A_636 : i32
      %get3A_638 = arith.index_cast %add3A_637 : i32 to index
      %get3A_639 = arith.constant 0 : index
      %get3A_640 = tpu.vector_load %arg9[%get3A_638, %get3A_639] {strides = array<i32>} : memref<512x64xf32, #tpu.memory_space<vmem>>, vector<16xf32>,
      %add3A_641 = arith.addf %gather3A_633, %get3A_640 : vector<16xf32>
      %swap3A_642 = arith.constant 4 : i32
      %swap3A_643 = arith.index_cast %swap3A_642 : i32 to index
      %swap3A_644 = arith.constant 0 : index
      %swap3A_645 = tpu.vector_load %arg8[%swap3A_643, %swap3A_644] {strides = array<i32>} : memref<16x64xf32, #tpu.memory_space<vmem>>, vector<16xf32>,
      tpu.vector_store %arg8[%swap3A_643, %swap3A_644], %add3A_641 {strides = array<i32>} : memref<16x64xf32, #tpu.memory_space<vmem>>, vector<16xf32>,
      %add3A_646 = arith.constant 16 : i32
      %add3A_647 = vector.broadcast %add3A_646 : i32 to vector<16xi32>
      %add3A_648 = arith.addi %iota3A, %add3A_647 : vector<16xi32>
      %broadcast_in_dim3A_649 = vector.broadcast %squeeze3A_623 : i32 to vector<16xi32>
      %gather3A_650 = arith.constant 0 : i32
      %gather3A_651 = arith.constant 0 : i32
      %gather3A_652 = arith.constant 0 : i32
      %gather3A_653 = tpu.memref_slice %arg7[%gather3A_650, %gather3A_651, %gather3A_652] : memref<4x64x128xf32, #tpu.memory_space<vmem>> -> memref<1x64x128xf32, #tpu.memory_space<vmem>>
      %gather3A_654 = tpu.memref_squeeze %gather3A_653 : memref<1x64x128xf32, #tpu.memory_space<vmem>> -> memref<64x128xf32, #tpu.memory_space<vmem>>
      %gather3A_655 = tpu.vector_load_idx %gather3A_654[%add3A_648, %broadcast_in_dim3A_649] : memref<64x128xf32, #tpu.memory_space<vmem>>[vector<16xi32>, vector<16xi32>], vector<16xf32>,
      %mul3A_656 = arith.constant 16 : i32
      %mul3A_657 = arith.muli %scan3A_97, %mul3A_656 : i32
      %add3A_658 = arith.constant 4 : i32
      %add3A_659 = arith.addi %mul3A_657, %add3A_658 : i32
      %get3A_660 = arith.index_cast %add3A_659 : i32 to index
      %get3A_661 = arith.constant 16 : index
      %get3A_662 = tpu.vector_load %arg9[%get3A_660, %get3A_661] {strides = array<i32>} : memref<512x64xf32, #tpu.memory_space<vmem>>, vector<16xf32>,
      %add3A_663 = arith.addf %gather3A_655, %get3A_662 : vector<16xf32>
      %swap3A_664 = arith.constant 4 : i32
      %swap3A_665 = arith.index_cast %swap3A_664 : i32 to index
      %swap3A_666 = arith.constant 16 : index
      %swap3A_667 = tpu.vector_load %arg8[%swap3A_665, %swap3A_666] {strides = array<i32>} : memref<16x64xf32, #tpu.memory_space<vmem>>, vector<16xf32>,
      tpu.vector_store %arg8[%swap3A_665, %swap3A_666], %add3A_663 {strides = array<i32>} : memref<16x64xf32, #tpu.memory_space<vmem>>, vector<16xf32>,
      %add3A_668 = arith.constant 32 : i32
      %add3A_669 = vector.broadcast %add3A_668 : i32 to vector<16xi32>
      %add3A_670 = arith.addi %iota3A, %add3A_669 : vector<16xi32>
      %broadcast_in_dim3A_671 = vector.broadcast %squeeze3A_623 : i32 to vector<16xi32>
      %gather3A_672 = arith.constant 0 : i32
      %gather3A_673 = arith.constant 0 : i32
      %gather3A_674 = arith.constant 0 : i32
      %gather3A_675 = tpu.memref_slice %arg7[%gather3A_672, %gather3A_673, %gather3A_674] : memref<4x64x128xf32, #tpu.memory_space<vmem>> -> memref<1x64x128xf32, #tpu.memory_space<vmem>>
      %gather3A_676 = tpu.memref_squeeze %gather3A_675 : memref<1x64x128xf32, #tpu.memory_space<vmem>> -> memref<64x128xf32, #tpu.memory_space<vmem>>
      %gather3A_677 = tpu.vector_load_idx %gather3A_676[%add3A_670, %broadcast_in_dim3A_671] : memref<64x128xf32, #tpu.memory_space<vmem>>[vector<16xi32>, vector<16xi32>], vector<16xf32>,
      %mul3A_678 = arith.constant 16 : i32
      %mul3A_679 = arith.muli %scan3A_97, %mul3A_678 : i32
      %add3A_680 = arith.constant 4 : i32
      %add3A_681 = arith.addi %mul3A_679, %add3A_680 : i32
      %get3A_682 = arith.index_cast %add3A_681 : i32 to index
      %get3A_683 = arith.constant 32 : index
      %get3A_684 = tpu.vector_load %arg9[%get3A_682, %get3A_683] {strides = array<i32>} : memref<512x64xf32, #tpu.memory_space<vmem>>, vector<16xf32>,
      %add3A_685 = arith.addf %gather3A_677, %get3A_684 : vector<16xf32>
      %swap3A_686 = arith.constant 4 : i32
      %swap3A_687 = arith.index_cast %swap3A_686 : i32 to index
      %swap3A_688 = arith.constant 32 : index
      %swap3A_689 = tpu.vector_load %arg8[%swap3A_687, %swap3A_688] {strides = array<i32>} : memref<16x64xf32, #tpu.memory_space<vmem>>, vector<16xf32>,
      tpu.vector_store %arg8[%swap3A_687, %swap3A_688], %add3A_685 {strides = array<i32>} : memref<16x64xf32, #tpu.memory_space<vmem>>, vector<16xf32>,
      %add3A_690 = arith.constant 48 : i32
      %add3A_691 = vector.broadcast %add3A_690 : i32 to vector<16xi32>
      %add3A_692 = arith.addi %iota3A, %add3A_691 : vector<16xi32>
      %broadcast_in_dim3A_693 = vector.broadcast %squeeze3A_623 : i32 to vector<16xi32>
      %gather3A_694 = arith.constant 0 : i32
      %gather3A_695 = arith.constant 0 : i32
      %gather3A_696 = arith.constant 0 : i32
      %gather3A_697 = tpu.memref_slice %arg7[%gather3A_694, %gather3A_695, %gather3A_696] : memref<4x64x128xf32, #tpu.memory_space<vmem>> -> memref<1x64x128xf32, #tpu.memory_space<vmem>>
      %gather3A_698 = tpu.memref_squeeze %gather3A_697 : memref<1x64x128xf32, #tpu.memory_space<vmem>> -> memref<64x128xf32, #tpu.memory_space<vmem>>
      %gather3A_699 = tpu.vector_load_idx %gather3A_698[%add3A_692, %broadcast_in_dim3A_693] : memref<64x128xf32, #tpu.memory_space<vmem>>[vector<16xi32>, vector<16xi32>], vector<16xf32>,
      %mul3A_700 = arith.constant 16 : i32
      %mul3A_701 = arith.muli %scan3A_97, %mul3A_700 : i32
      %add3A_702 = arith.constant 4 : i32
      %add3A_703 = arith.addi %mul3A_701, %add3A_702 : i32
      %get3A_704 = arith.index_cast %add3A_703 : i32 to index
      %get3A_705 = arith.constant 48 : index
      %get3A_706 = tpu.vector_load %arg9[%get3A_704, %get3A_705] {strides = array<i32>} : memref<512x64xf32, #tpu.memory_space<vmem>>, vector<16xf32>,
      %add3A_707 = arith.addf %gather3A_699, %get3A_706 : vector<16xf32>
      %swap3A_708 = arith.constant 4 : i32
      %swap3A_709 = arith.index_cast %swap3A_708 : i32 to index
      %swap3A_710 = arith.constant 48 : index
      %swap3A_711 = tpu.vector_load %arg8[%swap3A_709, %swap3A_710] {strides = array<i32>} : memref<16x64xf32, #tpu.memory_space<vmem>>, vector<16xf32>,
      tpu.vector_store %arg8[%swap3A_709, %swap3A_710], %add3A_707 {strides = array<i32>} : memref<16x64xf32, #tpu.memory_space<vmem>>, vector<16xf32>,
      %add3A_712 = arith.constant 0 : i32
      %add3A_713 = arith.addi %scan3A_97, %add3A_712 : i32
      %mul3A_714 = arith.constant 16 : i32
      %mul3A_715 = arith.muli %add3A_713, %mul3A_714 : i32
      %add3A_716 = arith.constant 8 : i32
      %add3A_717 = arith.addi %mul3A_715, %add3A_716 : i32
      %lt3A_718 = arith.constant 512 : i32
      %lt3A_719 = arith.cmpi slt, %add3A_717, %lt3A_718 : i32
      %convert_element_type3A_720 = arith.extui %lt3A_719 : i1 to i32
      %cond3A_721 = arith.constant 0 : i32
      %cond3A_722 = arith.cmpi ne, %convert_element_type3A_720, %cond3A_721 : i32
      scf.if %cond3A_722 {
        %mul3A_2101 = arith.constant 16 : i32
        %mul3A_2102 = arith.muli %add3A_713, %mul3A_2101 : i32
        %get3A_2103 = arith.index_cast %mul3A_2102 : i32 to index
        %get3A_2104 = tpu.vector_load %arg6[%get3A_2103] {strides = array<i32>} : memref<512xi32, #tpu.memory_space<vmem>>, vector<16xi32>,
        %slice3A_2105 = vector.extract_strided_slice %get3A_2104 {offsets = [8], sizes = [1], strides = [1]} : vector<16xi32> to vector<1xi32>
        %squeeze3A_2106 = vector.extract %slice3A_2105[0] : i32 from vector<1xi32>
        %shift_right_logical3A_2107 = arith.constant 7 : i32
        %shift_right_logical3A_2108 = arith.shrui %squeeze3A_2106, %shift_right_logical3A_2107 : i32
        %mul3A_2109 = arith.constant 128 : i32
        %mul3A_2110 = arith.muli %shift_right_logical3A_2108, %mul3A_2109 : i32
        %multiple_of3A_2111 = tpu.assume_multiple %mul3A_2110, 128 : i32
        %dma_start3A_2112 = arith.constant 0 : i32
        %dma_start3A_2113 = arith.constant 0 : i32
        %dma_start3A_2114 = arith.constant 0 : i32
        %dma_start3A_2115 = tpu.memref_slice %arg7[%dma_start3A_2112, %dma_start3A_2113, %dma_start3A_2114] : memref<4x64x128xf32, #tpu.memory_space<vmem>> -> memref<1x64x128xf32, #tpu.memory_space<vmem>>
        %dma_start3A_2116 = tpu.memref_squeeze %dma_start3A_2115 : memref<1x64x128xf32, #tpu.memory_space<vmem>> -> memref<64x128xf32, #tpu.memory_space<vmem>>
        %dma_start3A_2117 = arith.constant 0 : i32
        %dma_start3A_2118 = tpu.memref_slice %arg4[%dma_start3A_2117, %multiple_of3A_2111] : memref<64x1000000xf32, #tpu.memory_space<hbm>> -> memref<64x128xf32, #tpu.memory_space<hbm>>
        %dma_start3A_2119 = arith.constant 0 : i32
        %dma_start3A_2120 = arith.constant 0 : i32
        %dma_start3A_2121 = tpu.memref_slice %arg7[%dma_start3A_2112, %dma_start3A_2119, %dma_start3A_2120] : memref<4x64x128xf32, #tpu.memory_space<vmem>> -> memref<1x64x128xf32, #tpu.memory_space<vmem>>
        %dma_start3A_2122 = tpu.memref_squeeze %dma_start3A_2121 : memref<1x64x128xf32, #tpu.memory_space<vmem>> -> memref<64x128xf32, #tpu.memory_space<vmem>>
        %dma_start3A_2123 = arith.constant 0 : i32
        %dma_start3A_2124 = tpu.memref_slice %arg4[%dma_start3A_2123, %multiple_of3A_2111] : memref<64x1000000xf32, #tpu.memory_space<hbm>> -> memref<64x128xf32, #tpu.memory_space<hbm>>
        tpu.enqueue_dma source(%dma_start3A_2124 : memref<64x128xf32, #tpu.memory_space<hbm>>) target(%dma_start3A_2122 : memref<64x128xf32, #tpu.memory_space<vmem>>) target_semaphore(%arg10 : memref<!tpu.dma_semaphore, #tpu.memory_space<semaphore_mem>>)
      } else {
      }
      %mul3A_723 = arith.constant 16 : i32
      %mul3A_724 = arith.muli %scan3A_97, %mul3A_723 : i32
      %get3A_725 = arith.index_cast %mul3A_724 : i32 to index
      %get3A_726 = tpu.vector_load %arg6[%get3A_725] {strides = array<i32>} : memref<512xi32, #tpu.memory_space<vmem>>, vector<16xi32>,
      %slice3A_727 = vector.extract_strided_slice %get3A_726 {offsets = [5], sizes = [1], strides = [1]} : vector<16xi32> to vector<1xi32>
      %squeeze3A_728 = vector.extract %slice3A_727[0] : i32 from vector<1xi32>
      %shift_right_logical3A_729 = arith.constant 7 : i32
      %shift_right_logical3A_730 = arith.shrui %squeeze3A_728, %shift_right_logical3A_729 : i32
      %mul3A_731 = arith.constant 128 : i32
      %mul3A_732 = arith.muli %shift_right_logical3A_730, %mul3A_731 : i32
      %multiple_of3A_733 = tpu.assume_multiple %mul3A_732, 128 : i32
      %dma_wait3A_734 = arith.constant 1 : i32
      %dma_wait3A_735 = arith.constant 0 : i32
      %dma_wait3A_736 = arith.constant 0 : i32
      %dma_wait3A_737 = tpu.memref_slice %arg7[%dma_wait3A_734, %dma_wait3A_735, %dma_wait3A_736] : memref<4x64x128xf32, #tpu.memory_space<vmem>> -> memref<1x64x128xf32, #tpu.memory_space<vmem>>
      %dma_wait3A_738 = tpu.memref_squeeze %dma_wait3A_737 : memref<1x64x128xf32, #tpu.memory_space<vmem>> -> memref<64x128xf32, #tpu.memory_space<vmem>>
      %dma_wait3A_739 = arith.constant 0 : i32
      %dma_wait3A_740 = tpu.memref_slice %arg4[%dma_wait3A_739, %multiple_of3A_733] : memref<64x1000000xf32, #tpu.memory_space<hbm>> -> memref<64x128xf32, #tpu.memory_space<hbm>>
      %dma_wait3A_741 = arith.constant 0 : i32
      %dma_wait3A_742 = arith.constant 0 : i32
      %dma_wait3A_743 = tpu.memref_slice %arg7[%dma_wait3A_734, %dma_wait3A_741, %dma_wait3A_742] : memref<4x64x128xf32, #tpu.memory_space<vmem>> -> memref<1x64x128xf32, #tpu.memory_space<vmem>>
      %dma_wait3A_744 = tpu.memref_squeeze %dma_wait3A_743 : memref<1x64x128xf32, #tpu.memory_space<vmem>> -> memref<64x128xf32, #tpu.memory_space<vmem>>
      %dma_wait3A_745 = arith.constant 0 : i32
      %dma_wait3A_746 = tpu.memref_slice %arg4[%dma_wait3A_745, %multiple_of3A_733] : memref<64x1000000xf32, #tpu.memory_space<hbm>> -> memref<64x128xf32, #tpu.memory_space<hbm>>
      tpu.wait_dma2 semaphore(%arg11 : memref<!tpu.dma_semaphore, #tpu.memory_space<semaphore_mem>>) src(%dma_wait3A_746 : memref<64x128xf32, #tpu.memory_space<hbm>>) dst(%dma_wait3A_744 : memref<64x128xf32, #tpu.memory_space<vmem>>)
      %slice3A_747 = vector.extract_strided_slice %and3A_103 {offsets = [5], sizes = [1], strides = [1]} : vector<16xi32> to vector<1xi32>
      %squeeze3A_748 = vector.extract %slice3A_747[0] : i32 from vector<1xi32>
      %add3A_749 = arith.constant 0 : i32
      %add3A_750 = vector.broadcast %add3A_749 : i32 to vector<16xi32>
      %add3A_751 = arith.addi %iota3A, %add3A_750 : vector<16xi32>
      %broadcast_in_dim3A_752 = vector.broadcast %squeeze3A_748 : i32 to vector<16xi32>
      %gather3A_753 = arith.constant 1 : i32
      %gather3A_754 = arith.constant 0 : i32
      %gather3A_755 = arith.constant 0 : i32
      %gather3A_756 = tpu.memref_slice %arg7[%gather3A_753, %gather3A_754, %gather3A_755] : memref<4x64x128xf32, #tpu.memory_space<vmem>> -> memref<1x64x128xf32, #tpu.memory_space<vmem>>
      %gather3A_757 = tpu.memref_squeeze %gather3A_756 : memref<1x64x128xf32, #tpu.memory_space<vmem>> -> memref<64x128xf32, #tpu.memory_space<vmem>>
      %gather3A_758 = tpu.vector_load_idx %gather3A_757[%add3A_751, %broadcast_in_dim3A_752] : memref<64x128xf32, #tpu.memory_space<vmem>>[vector<16xi32>, vector<16xi32>], vector<16xf32>,
      %mul3A_759 = arith.constant 16 : i32
      %mul3A_760 = arith.muli %scan3A_97, %mul3A_759 : i32
      %add3A_761 = arith.constant 5 : i32
      %add3A_762 = arith.addi %mul3A_760, %add3A_761 : i32
      %get3A_763 = arith.index_cast %add3A_762 : i32 to index
      %get3A_764 = arith.constant 0 : index
      %get3A_765 = tpu.vector_load %arg9[%get3A_763, %get3A_764] {strides = array<i32>} : memref<512x64xf32, #tpu.memory_space<vmem>>, vector<16xf32>,
      %add3A_766 = arith.addf %gather3A_758, %get3A_765 : vector<16xf32>
      %swap3A_767 = arith.constant 5 : i32
      %swap3A_768 = arith.index_cast %swap3A_767 : i32 to index
      %swap3A_769 = arith.constant 0 : index
      %swap3A_770 = tpu.vector_load %arg8[%swap3A_768, %swap3A_769] {strides = array<i32>} : memref<16x64xf32, #tpu.memory_space<vmem>>, vector<16xf32>,
      tpu.vector_store %arg8[%swap3A_768, %swap3A_769], %add3A_766 {strides = array<i32>} : memref<16x64xf32, #tpu.memory_space<vmem>>, vector<16xf32>,
      %add3A_771 = arith.constant 16 : i32
      %add3A_772 = vector.broadcast %add3A_771 : i32 to vector<16xi32>
      %add3A_773 = arith.addi %iota3A, %add3A_772 : vector<16xi32>
      %broadcast_in_dim3A_774 = vector.broadcast %squeeze3A_748 : i32 to vector<16xi32>
      %gather3A_775 = arith.constant 1 : i32
      %gather3A_776 = arith.constant 0 : i32
      %gather3A_777 = arith.constant 0 : i32
      %gather3A_778 = tpu.memref_slice %arg7[%gather3A_775, %gather3A_776, %gather3A_777] : memref<4x64x128xf32, #tpu.memory_space<vmem>> -> memref<1x64x128xf32, #tpu.memory_space<vmem>>
      %gather3A_779 = tpu.memref_squeeze %gather3A_778 : memref<1x64x128xf32, #tpu.memory_space<vmem>> -> memref<64x128xf32, #tpu.memory_space<vmem>>
      %gather3A_780 = tpu.vector_load_idx %gather3A_779[%add3A_773, %broadcast_in_dim3A_774] : memref<64x128xf32, #tpu.memory_space<vmem>>[vector<16xi32>, vector<16xi32>], vector<16xf32>,
      %mul3A_781 = arith.constant 16 : i32
      %mul3A_782 = arith.muli %scan3A_97, %mul3A_781 : i32
      %add3A_783 = arith.constant 5 : i32
      %add3A_784 = arith.addi %mul3A_782, %add3A_783 : i32
      %get3A_785 = arith.index_cast %add3A_784 : i32 to index
      %get3A_786 = arith.constant 16 : index
      %get3A_787 = tpu.vector_load %arg9[%get3A_785, %get3A_786] {strides = array<i32>} : memref<512x64xf32, #tpu.memory_space<vmem>>, vector<16xf32>,
      %add3A_788 = arith.addf %gather3A_780, %get3A_787 : vector<16xf32>
      %swap3A_789 = arith.constant 5 : i32
      %swap3A_790 = arith.index_cast %swap3A_789 : i32 to index
      %swap3A_791 = arith.constant 16 : index
      %swap3A_792 = tpu.vector_load %arg8[%swap3A_790, %swap3A_791] {strides = array<i32>} : memref<16x64xf32, #tpu.memory_space<vmem>>, vector<16xf32>,
      tpu.vector_store %arg8[%swap3A_790, %swap3A_791], %add3A_788 {strides = array<i32>} : memref<16x64xf32, #tpu.memory_space<vmem>>, vector<16xf32>,
      %add3A_793 = arith.constant 32 : i32
      %add3A_794 = vector.broadcast %add3A_793 : i32 to vector<16xi32>
      %add3A_795 = arith.addi %iota3A, %add3A_794 : vector<16xi32>
      %broadcast_in_dim3A_796 = vector.broadcast %squeeze3A_748 : i32 to vector<16xi32>
      %gather3A_797 = arith.constant 1 : i32
      %gather3A_798 = arith.constant 0 : i32
      %gather3A_799 = arith.constant 0 : i32
      %gather3A_800 = tpu.memref_slice %arg7[%gather3A_797, %gather3A_798, %gather3A_799] : memref<4x64x128xf32, #tpu.memory_space<vmem>> -> memref<1x64x128xf32, #tpu.memory_space<vmem>>
      %gather3A_801 = tpu.memref_squeeze %gather3A_800 : memref<1x64x128xf32, #tpu.memory_space<vmem>> -> memref<64x128xf32, #tpu.memory_space<vmem>>
      %gather3A_802 = tpu.vector_load_idx %gather3A_801[%add3A_795, %broadcast_in_dim3A_796] : memref<64x128xf32, #tpu.memory_space<vmem>>[vector<16xi32>, vector<16xi32>], vector<16xf32>,
      %mul3A_803 = arith.constant 16 : i32
      %mul3A_804 = arith.muli %scan3A_97, %mul3A_803 : i32
      %add3A_805 = arith.constant 5 : i32
      %add3A_806 = arith.addi %mul3A_804, %add3A_805 : i32
      %get3A_807 = arith.index_cast %add3A_806 : i32 to index
      %get3A_808 = arith.constant 32 : index
      %get3A_809 = tpu.vector_load %arg9[%get3A_807, %get3A_808] {strides = array<i32>} : memref<512x64xf32, #tpu.memory_space<vmem>>, vector<16xf32>,
      %add3A_810 = arith.addf %gather3A_802, %get3A_809 : vector<16xf32>
      %swap3A_811 = arith.constant 5 : i32
      %swap3A_812 = arith.index_cast %swap3A_811 : i32 to index
      %swap3A_813 = arith.constant 32 : index
      %swap3A_814 = tpu.vector_load %arg8[%swap3A_812, %swap3A_813] {strides = array<i32>} : memref<16x64xf32, #tpu.memory_space<vmem>>, vector<16xf32>,
      tpu.vector_store %arg8[%swap3A_812, %swap3A_813], %add3A_810 {strides = array<i32>} : memref<16x64xf32, #tpu.memory_space<vmem>>, vector<16xf32>,
      %add3A_815 = arith.constant 48 : i32
      %add3A_816 = vector.broadcast %add3A_815 : i32 to vector<16xi32>
      %add3A_817 = arith.addi %iota3A, %add3A_816 : vector<16xi32>
      %broadcast_in_dim3A_818 = vector.broadcast %squeeze3A_748 : i32 to vector<16xi32>
      %gather3A_819 = arith.constant 1 : i32
      %gather3A_820 = arith.constant 0 : i32
      %gather3A_821 = arith.constant 0 : i32
      %gather3A_822 = tpu.memref_slice %arg7[%gather3A_819, %gather3A_820, %gather3A_821] : memref<4x64x128xf32, #tpu.memory_space<vmem>> -> memref<1x64x128xf32, #tpu.memory_space<vmem>>
      %gather3A_823 = tpu.memref_squeeze %gather3A_822 : memref<1x64x128xf32, #tpu.memory_space<vmem>> -> memref<64x128xf32, #tpu.memory_space<vmem>>
      %gather3A_824 = tpu.vector_load_idx %gather3A_823[%add3A_817, %broadcast_in_dim3A_818] : memref<64x128xf32, #tpu.memory_space<vmem>>[vector<16xi32>, vector<16xi32>], vector<16xf32>,
      %mul3A_825 = arith.constant 16 : i32
      %mul3A_826 = arith.muli %scan3A_97, %mul3A_825 : i32
      %add3A_827 = arith.constant 5 : i32
      %add3A_828 = arith.addi %mul3A_826, %add3A_827 : i32
      %get3A_829 = arith.index_cast %add3A_828 : i32 to index
      %get3A_830 = arith.constant 48 : index
      %get3A_831 = tpu.vector_load %arg9[%get3A_829, %get3A_830] {strides = array<i32>} : memref<512x64xf32, #tpu.memory_space<vmem>>, vector<16xf32>,
      %add3A_832 = arith.addf %gather3A_824, %get3A_831 : vector<16xf32>
      %swap3A_833 = arith.constant 5 : i32
      %swap3A_834 = arith.index_cast %swap3A_833 : i32 to index
      %swap3A_835 = arith.constant 48 : index
      %swap3A_836 = tpu.vector_load %arg8[%swap3A_834, %swap3A_835] {strides = array<i32>} : memref<16x64xf32, #tpu.memory_space<vmem>>, vector<16xf32>,
      tpu.vector_store %arg8[%swap3A_834, %swap3A_835], %add3A_832 {strides = array<i32>} : memref<16x64xf32, #tpu.memory_space<vmem>>, vector<16xf32>,
      %add3A_837 = arith.constant 0 : i32
      %add3A_838 = arith.addi %scan3A_97, %add3A_837 : i32
      %mul3A_839 = arith.constant 16 : i32
      %mul3A_840 = arith.muli %add3A_838, %mul3A_839 : i32
      %add3A_841 = arith.constant 9 : i32
      %add3A_842 = arith.addi %mul3A_840, %add3A_841 : i32
      %lt3A_843 = arith.constant 512 : i32
      %lt3A_844 = arith.cmpi slt, %add3A_842, %lt3A_843 : i32
      %convert_element_type3A_845 = arith.extui %lt3A_844 : i1 to i32
      %cond3A_846 = arith.constant 0 : i32
      %cond3A_847 = arith.cmpi ne, %convert_element_type3A_845, %cond3A_846 : i32
      scf.if %cond3A_847 {
        %mul3A_2101 = arith.constant 16 : i32
        %mul3A_2102 = arith.muli %add3A_838, %mul3A_2101 : i32
        %get3A_2103 = arith.index_cast %mul3A_2102 : i32 to index
        %get3A_2104 = tpu.vector_load %arg6[%get3A_2103] {strides = array<i32>} : memref<512xi32, #tpu.memory_space<vmem>>, vector<16xi32>,
        %slice3A_2105 = vector.extract_strided_slice %get3A_2104 {offsets = [9], sizes = [1], strides = [1]} : vector<16xi32> to vector<1xi32>
        %squeeze3A_2106 = vector.extract %slice3A_2105[0] : i32 from vector<1xi32>
        %shift_right_logical3A_2107 = arith.constant 7 : i32
        %shift_right_logical3A_2108 = arith.shrui %squeeze3A_2106, %shift_right_logical3A_2107 : i32
        %mul3A_2109 = arith.constant 128 : i32
        %mul3A_2110 = arith.muli %shift_right_logical3A_2108, %mul3A_2109 : i32
        %multiple_of3A_2111 = tpu.assume_multiple %mul3A_2110, 128 : i32
        %dma_start3A_2112 = arith.constant 1 : i32
        %dma_start3A_2113 = arith.constant 0 : i32
        %dma_start3A_2114 = arith.constant 0 : i32
        %dma_start3A_2115 = tpu.memref_slice %arg7[%dma_start3A_2112, %dma_start3A_2113, %dma_start3A_2114] : memref<4x64x128xf32, #tpu.memory_space<vmem>> -> memref<1x64x128xf32, #tpu.memory_space<vmem>>
        %dma_start3A_2116 = tpu.memref_squeeze %dma_start3A_2115 : memref<1x64x128xf32, #tpu.memory_space<vmem>> -> memref<64x128xf32, #tpu.memory_space<vmem>>
        %dma_start3A_2117 = arith.constant 0 : i32
        %dma_start3A_2118 = tpu.memref_slice %arg4[%dma_start3A_2117, %multiple_of3A_2111] : memref<64x1000000xf32, #tpu.memory_space<hbm>> -> memref<64x128xf32, #tpu.memory_space<hbm>>
        %dma_start3A_2119 = arith.constant 0 : i32
        %dma_start3A_2120 = arith.constant 0 : i32
        %dma_start3A_2121 = tpu.memref_slice %arg7[%dma_start3A_2112, %dma_start3A_2119, %dma_start3A_2120] : memref<4x64x128xf32, #tpu.memory_space<vmem>> -> memref<1x64x128xf32, #tpu.memory_space<vmem>>
        %dma_start3A_2122 = tpu.memref_squeeze %dma_start3A_2121 : memref<1x64x128xf32, #tpu.memory_space<vmem>> -> memref<64x128xf32, #tpu.memory_space<vmem>>
        %dma_start3A_2123 = arith.constant 0 : i32
        %dma_start3A_2124 = tpu.memref_slice %arg4[%dma_start3A_2123, %multiple_of3A_2111] : memref<64x1000000xf32, #tpu.memory_space<hbm>> -> memref<64x128xf32, #tpu.memory_space<hbm>>
        tpu.enqueue_dma source(%dma_start3A_2124 : memref<64x128xf32, #tpu.memory_space<hbm>>) target(%dma_start3A_2122 : memref<64x128xf32, #tpu.memory_space<vmem>>) target_semaphore(%arg11 : memref<!tpu.dma_semaphore, #tpu.memory_space<semaphore_mem>>)
      } else {
      }
      %mul3A_848 = arith.constant 16 : i32
      %mul3A_849 = arith.muli %scan3A_97, %mul3A_848 : i32
      %get3A_850 = arith.index_cast %mul3A_849 : i32 to index
      %get3A_851 = tpu.vector_load %arg6[%get3A_850] {strides = array<i32>} : memref<512xi32, #tpu.memory_space<vmem>>, vector<16xi32>,
      %slice3A_852 = vector.extract_strided_slice %get3A_851 {offsets = [6], sizes = [1], strides = [1]} : vector<16xi32> to vector<1xi32>
      %squeeze3A_853 = vector.extract %slice3A_852[0] : i32 from vector<1xi32>
      %shift_right_logical3A_854 = arith.constant 7 : i32
      %shift_right_logical3A_855 = arith.shrui %squeeze3A_853, %shift_right_logical3A_854 : i32
      %mul3A_856 = arith.constant 128 : i32
      %mul3A_857 = arith.muli %shift_right_logical3A_855, %mul3A_856 : i32
      %multiple_of3A_858 = tpu.assume_multiple %mul3A_857, 128 : i32
      %dma_wait3A_859 = arith.constant 2 : i32
      %dma_wait3A_860 = arith.constant 0 : i32
      %dma_wait3A_861 = arith.constant 0 : i32
      %dma_wait3A_862 = tpu.memref_slice %arg7[%dma_wait3A_859, %dma_wait3A_860, %dma_wait3A_861] : memref<4x64x128xf32, #tpu.memory_space<vmem>> -> memref<1x64x128xf32, #tpu.memory_space<vmem>>
      %dma_wait3A_863 = tpu.memref_squeeze %dma_wait3A_862 : memref<1x64x128xf32, #tpu.memory_space<vmem>> -> memref<64x128xf32, #tpu.memory_space<vmem>>
      %dma_wait3A_864 = arith.constant 0 : i32
      %dma_wait3A_865 = tpu.memref_slice %arg4[%dma_wait3A_864, %multiple_of3A_858] : memref<64x1000000xf32, #tpu.memory_space<hbm>> -> memref<64x128xf32, #tpu.memory_space<hbm>>
      %dma_wait3A_866 = arith.constant 0 : i32
      %dma_wait3A_867 = arith.constant 0 : i32
      %dma_wait3A_868 = tpu.memref_slice %arg7[%dma_wait3A_859, %dma_wait3A_866, %dma_wait3A_867] : memref<4x64x128xf32, #tpu.memory_space<vmem>> -> memref<1x64x128xf32, #tpu.memory_space<vmem>>
      %dma_wait3A_869 = tpu.memref_squeeze %dma_wait3A_868 : memref<1x64x128xf32, #tpu.memory_space<vmem>> -> memref<64x128xf32, #tpu.memory_space<vmem>>
      %dma_wait3A_870 = arith.constant 0 : i32
      %dma_wait3A_871 = tpu.memref_slice %arg4[%dma_wait3A_870, %multiple_of3A_858] : memref<64x1000000xf32, #tpu.memory_space<hbm>> -> memref<64x128xf32, #tpu.memory_space<hbm>>
      tpu.wait_dma2 semaphore(%arg12 : memref<!tpu.dma_semaphore, #tpu.memory_space<semaphore_mem>>) src(%dma_wait3A_871 : memref<64x128xf32, #tpu.memory_space<hbm>>) dst(%dma_wait3A_869 : memref<64x128xf32, #tpu.memory_space<vmem>>)
      %slice3A_872 = vector.extract_strided_slice %and3A_103 {offsets = [6], sizes = [1], strides = [1]} : vector<16xi32> to vector<1xi32>
      %squeeze3A_873 = vector.extract %slice3A_872[0] : i32 from vector<1xi32>
      %add3A_874 = arith.constant 0 : i32
      %add3A_875 = vector.broadcast %add3A_874 : i32 to vector<16xi32>
      %add3A_876 = arith.addi %iota3A, %add3A_875 : vector<16xi32>
      %broadcast_in_dim3A_877 = vector.broadcast %squeeze3A_873 : i32 to vector<16xi32>
      %gather3A_878 = arith.constant 2 : i32
      %gather3A_879 = arith.constant 0 : i32
      %gather3A_880 = arith.constant 0 : i32
      %gather3A_881 = tpu.memref_slice %arg7[%gather3A_878, %gather3A_879, %gather3A_880] : memref<4x64x128xf32, #tpu.memory_space<vmem>> -> memref<1x64x128xf32, #tpu.memory_space<vmem>>
      %gather3A_882 = tpu.memref_squeeze %gather3A_881 : memref<1x64x128xf32, #tpu.memory_space<vmem>> -> memref<64x128xf32, #tpu.memory_space<vmem>>
      %gather3A_883 = tpu.vector_load_idx %gather3A_882[%add3A_876, %broadcast_in_dim3A_877] : memref<64x128xf32, #tpu.memory_space<vmem>>[vector<16xi32>, vector<16xi32>], vector<16xf32>,
      %mul3A_884 = arith.constant 16 : i32
      %mul3A_885 = arith.muli %scan3A_97, %mul3A_884 : i32
      %add3A_886 = arith.constant 6 : i32
      %add3A_887 = arith.addi %mul3A_885, %add3A_886 : i32
      %get3A_888 = arith.index_cast %add3A_887 : i32 to index
      %get3A_889 = arith.constant 0 : index
      %get3A_890 = tpu.vector_load %arg9[%get3A_888, %get3A_889] {strides = array<i32>} : memref<512x64xf32, #tpu.memory_space<vmem>>, vector<16xf32>,
      %add3A_891 = arith.addf %gather3A_883, %get3A_890 : vector<16xf32>
      %swap3A_892 = arith.constant 6 : i32
      %swap3A_893 = arith.index_cast %swap3A_892 : i32 to index
      %swap3A_894 = arith.constant 0 : index
      %swap3A_895 = tpu.vector_load %arg8[%swap3A_893, %swap3A_894] {strides = array<i32>} : memref<16x64xf32, #tpu.memory_space<vmem>>, vector<16xf32>,
      tpu.vector_store %arg8[%swap3A_893, %swap3A_894], %add3A_891 {strides = array<i32>} : memref<16x64xf32, #tpu.memory_space<vmem>>, vector<16xf32>,
      %add3A_896 = arith.constant 16 : i32
      %add3A_897 = vector.broadcast %add3A_896 : i32 to vector<16xi32>
      %add3A_898 = arith.addi %iota3A, %add3A_897 : vector<16xi32>
      %broadcast_in_dim3A_899 = vector.broadcast %squeeze3A_873 : i32 to vector<16xi32>
      %gather3A_900 = arith.constant 2 : i32
      %gather3A_901 = arith.constant 0 : i32
      %gather3A_902 = arith.constant 0 : i32
      %gather3A_903 = tpu.memref_slice %arg7[%gather3A_900, %gather3A_901, %gather3A_902] : memref<4x64x128xf32, #tpu.memory_space<vmem>> -> memref<1x64x128xf32, #tpu.memory_space<vmem>>
      %gather3A_904 = tpu.memref_squeeze %gather3A_903 : memref<1x64x128xf32, #tpu.memory_space<vmem>> -> memref<64x128xf32, #tpu.memory_space<vmem>>
      %gather3A_905 = tpu.vector_load_idx %gather3A_904[%add3A_898, %broadcast_in_dim3A_899] : memref<64x128xf32, #tpu.memory_space<vmem>>[vector<16xi32>, vector<16xi32>], vector<16xf32>,
      %mul3A_906 = arith.constant 16 : i32
      %mul3A_907 = arith.muli %scan3A_97, %mul3A_906 : i32
      %add3A_908 = arith.constant 6 : i32
      %add3A_909 = arith.addi %mul3A_907, %add3A_908 : i32
      %get3A_910 = arith.index_cast %add3A_909 : i32 to index
      %get3A_911 = arith.constant 16 : index
      %get3A_912 = tpu.vector_load %arg9[%get3A_910, %get3A_911] {strides = array<i32>} : memref<512x64xf32, #tpu.memory_space<vmem>>, vector<16xf32>,
      %add3A_913 = arith.addf %gather3A_905, %get3A_912 : vector<16xf32>
      %swap3A_914 = arith.constant 6 : i32
      %swap3A_915 = arith.index_cast %swap3A_914 : i32 to index
      %swap3A_916 = arith.constant 16 : index
      %swap3A_917 = tpu.vector_load %arg8[%swap3A_915, %swap3A_916] {strides = array<i32>} : memref<16x64xf32, #tpu.memory_space<vmem>>, vector<16xf32>,
      tpu.vector_store %arg8[%swap3A_915, %swap3A_916], %add3A_913 {strides = array<i32>} : memref<16x64xf32, #tpu.memory_space<vmem>>, vector<16xf32>,
      %add3A_918 = arith.constant 32 : i32
      %add3A_919 = vector.broadcast %add3A_918 : i32 to vector<16xi32>
      %add3A_920 = arith.addi %iota3A, %add3A_919 : vector<16xi32>
      %broadcast_in_dim3A_921 = vector.broadcast %squeeze3A_873 : i32 to vector<16xi32>
      %gather3A_922 = arith.constant 2 : i32
      %gather3A_923 = arith.constant 0 : i32
      %gather3A_924 = arith.constant 0 : i32
      %gather3A_925 = tpu.memref_slice %arg7[%gather3A_922, %gather3A_923, %gather3A_924] : memref<4x64x128xf32, #tpu.memory_space<vmem>> -> memref<1x64x128xf32, #tpu.memory_space<vmem>>
      %gather3A_926 = tpu.memref_squeeze %gather3A_925 : memref<1x64x128xf32, #tpu.memory_space<vmem>> -> memref<64x128xf32, #tpu.memory_space<vmem>>
      %gather3A_927 = tpu.vector_load_idx %gather3A_926[%add3A_920, %broadcast_in_dim3A_921] : memref<64x128xf32, #tpu.memory_space<vmem>>[vector<16xi32>, vector<16xi32>], vector<16xf32>,
      %mul3A_928 = arith.constant 16 : i32
      %mul3A_929 = arith.muli %scan3A_97, %mul3A_928 : i32
      %add3A_930 = arith.constant 6 : i32
      %add3A_931 = arith.addi %mul3A_929, %add3A_930 : i32
      %get3A_932 = arith.index_cast %add3A_931 : i32 to index
      %get3A_933 = arith.constant 32 : index
      %get3A_934 = tpu.vector_load %arg9[%get3A_932, %get3A_933] {strides = array<i32>} : memref<512x64xf32, #tpu.memory_space<vmem>>, vector<16xf32>,
      %add3A_935 = arith.addf %gather3A_927, %get3A_934 : vector<16xf32>
      %swap3A_936 = arith.constant 6 : i32
      %swap3A_937 = arith.index_cast %swap3A_936 : i32 to index
      %swap3A_938 = arith.constant 32 : index
      %swap3A_939 = tpu.vector_load %arg8[%swap3A_937, %swap3A_938] {strides = array<i32>} : memref<16x64xf32, #tpu.memory_space<vmem>>, vector<16xf32>,
      tpu.vector_store %arg8[%swap3A_937, %swap3A_938], %add3A_935 {strides = array<i32>} : memref<16x64xf32, #tpu.memory_space<vmem>>, vector<16xf32>,
      %add3A_940 = arith.constant 48 : i32
      %add3A_941 = vector.broadcast %add3A_940 : i32 to vector<16xi32>
      %add3A_942 = arith.addi %iota3A, %add3A_941 : vector<16xi32>
      %broadcast_in_dim3A_943 = vector.broadcast %squeeze3A_873 : i32 to vector<16xi32>
      %gather3A_944 = arith.constant 2 : i32
      %gather3A_945 = arith.constant 0 : i32
      %gather3A_946 = arith.constant 0 : i32
      %gather3A_947 = tpu.memref_slice %arg7[%gather3A_944, %gather3A_945, %gather3A_946] : memref<4x64x128xf32, #tpu.memory_space<vmem>> -> memref<1x64x128xf32, #tpu.memory_space<vmem>>
      %gather3A_948 = tpu.memref_squeeze %gather3A_947 : memref<1x64x128xf32, #tpu.memory_space<vmem>> -> memref<64x128xf32, #tpu.memory_space<vmem>>
      %gather3A_949 = tpu.vector_load_idx %gather3A_948[%add3A_942, %broadcast_in_dim3A_943] : memref<64x128xf32, #tpu.memory_space<vmem>>[vector<16xi32>, vector<16xi32>], vector<16xf32>,
      %mul3A_950 = arith.constant 16 : i32
      %mul3A_951 = arith.muli %scan3A_97, %mul3A_950 : i32
      %add3A_952 = arith.constant 6 : i32
      %add3A_953 = arith.addi %mul3A_951, %add3A_952 : i32
      %get3A_954 = arith.index_cast %add3A_953 : i32 to index
      %get3A_955 = arith.constant 48 : index
      %get3A_956 = tpu.vector_load %arg9[%get3A_954, %get3A_955] {strides = array<i32>} : memref<512x64xf32, #tpu.memory_space<vmem>>, vector<16xf32>,
      %add3A_957 = arith.addf %gather3A_949, %get3A_956 : vector<16xf32>
      %swap3A_958 = arith.constant 6 : i32
      %swap3A_959 = arith.index_cast %swap3A_958 : i32 to index
      %swap3A_960 = arith.constant 48 : index
      %swap3A_961 = tpu.vector_load %arg8[%swap3A_959, %swap3A_960] {strides = array<i32>} : memref<16x64xf32, #tpu.memory_space<vmem>>, vector<16xf32>,
      tpu.vector_store %arg8[%swap3A_959, %swap3A_960], %add3A_957 {strides = array<i32>} : memref<16x64xf32, #tpu.memory_space<vmem>>, vector<16xf32>,
      %add3A_962 = arith.constant 0 : i32
      %add3A_963 = arith.addi %scan3A_97, %add3A_962 : i32
      %mul3A_964 = arith.constant 16 : i32
      %mul3A_965 = arith.muli %add3A_963, %mul3A_964 : i32
      %add3A_966 = arith.constant 10 : i32
      %add3A_967 = arith.addi %mul3A_965, %add3A_966 : i32
      %lt3A_968 = arith.constant 512 : i32
      %lt3A_969 = arith.cmpi slt, %add3A_967, %lt3A_968 : i32
      %convert_element_type3A_970 = arith.extui %lt3A_969 : i1 to i32
      %cond3A_971 = arith.constant 0 : i32
      %cond3A_972 = arith.cmpi ne, %convert_element_type3A_970, %cond3A_971 : i32
      scf.if %cond3A_972 {
        %mul3A_2101 = arith.constant 16 : i32
        %mul3A_2102 = arith.muli %add3A_963, %mul3A_2101 : i32
        %get3A_2103 = arith.index_cast %mul3A_2102 : i32 to index
        %get3A_2104 = tpu.vector_load %arg6[%get3A_2103] {strides = array<i32>} : memref<512xi32, #tpu.memory_space<vmem>>, vector<16xi32>,
        %slice3A_2105 = vector.extract_strided_slice %get3A_2104 {offsets = [10], sizes = [1], strides = [1]} : vector<16xi32> to vector<1xi32>
        %squeeze3A_2106 = vector.extract %slice3A_2105[0] : i32 from vector<1xi32>
        %shift_right_logical3A_2107 = arith.constant 7 : i32
        %shift_right_logical3A_2108 = arith.shrui %squeeze3A_2106, %shift_right_logical3A_2107 : i32
        %mul3A_2109 = arith.constant 128 : i32
        %mul3A_2110 = arith.muli %shift_right_logical3A_2108, %mul3A_2109 : i32
        %multiple_of3A_2111 = tpu.assume_multiple %mul3A_2110, 128 : i32
        %dma_start3A_2112 = arith.constant 2 : i32
        %dma_start3A_2113 = arith.constant 0 : i32
        %dma_start3A_2114 = arith.constant 0 : i32
        %dma_start3A_2115 = tpu.memref_slice %arg7[%dma_start3A_2112, %dma_start3A_2113, %dma_start3A_2114] : memref<4x64x128xf32, #tpu.memory_space<vmem>> -> memref<1x64x128xf32, #tpu.memory_space<vmem>>
        %dma_start3A_2116 = tpu.memref_squeeze %dma_start3A_2115 : memref<1x64x128xf32, #tpu.memory_space<vmem>> -> memref<64x128xf32, #tpu.memory_space<vmem>>
        %dma_start3A_2117 = arith.constant 0 : i32
        %dma_start3A_2118 = tpu.memref_slice %arg4[%dma_start3A_2117, %multiple_of3A_2111] : memref<64x1000000xf32, #tpu.memory_space<hbm>> -> memref<64x128xf32, #tpu.memory_space<hbm>>
        %dma_start3A_2119 = arith.constant 0 : i32
        %dma_start3A_2120 = arith.constant 0 : i32
        %dma_start3A_2121 = tpu.memref_slice %arg7[%dma_start3A_2112, %dma_start3A_2119, %dma_start3A_2120] : memref<4x64x128xf32, #tpu.memory_space<vmem>> -> memref<1x64x128xf32, #tpu.memory_space<vmem>>
        %dma_start3A_2122 = tpu.memref_squeeze %dma_start3A_2121 : memref<1x64x128xf32, #tpu.memory_space<vmem>> -> memref<64x128xf32, #tpu.memory_space<vmem>>
        %dma_start3A_2123 = arith.constant 0 : i32
        %dma_start3A_2124 = tpu.memref_slice %arg4[%dma_start3A_2123, %multiple_of3A_2111] : memref<64x1000000xf32, #tpu.memory_space<hbm>> -> memref<64x128xf32, #tpu.memory_space<hbm>>
        tpu.enqueue_dma source(%dma_start3A_2124 : memref<64x128xf32, #tpu.memory_space<hbm>>) target(%dma_start3A_2122 : memref<64x128xf32, #tpu.memory_space<vmem>>) target_semaphore(%arg12 : memref<!tpu.dma_semaphore, #tpu.memory_space<semaphore_mem>>)
      } else {
      }
      %mul3A_973 = arith.constant 16 : i32
      %mul3A_974 = arith.muli %scan3A_97, %mul3A_973 : i32
      %get3A_975 = arith.index_cast %mul3A_974 : i32 to index
      %get3A_976 = tpu.vector_load %arg6[%get3A_975] {strides = array<i32>} : memref<512xi32, #tpu.memory_space<vmem>>, vector<16xi32>,
      %slice3A_977 = vector.extract_strided_slice %get3A_976 {offsets = [7], sizes = [1], strides = [1]} : vector<16xi32> to vector<1xi32>
      %squeeze3A_978 = vector.extract %slice3A_977[0] : i32 from vector<1xi32>
      %shift_right_logical3A_979 = arith.constant 7 : i32
      %shift_right_logical3A_980 = arith.shrui %squeeze3A_978, %shift_right_logical3A_979 : i32
      %mul3A_981 = arith.constant 128 : i32
      %mul3A_982 = arith.muli %shift_right_logical3A_980, %mul3A_981 : i32
      %multiple_of3A_983 = tpu.assume_multiple %mul3A_982, 128 : i32
      %dma_wait3A_984 = arith.constant 3 : i32
      %dma_wait3A_985 = arith.constant 0 : i32
      %dma_wait3A_986 = arith.constant 0 : i32
      %dma_wait3A_987 = tpu.memref_slice %arg7[%dma_wait3A_984, %dma_wait3A_985, %dma_wait3A_986] : memref<4x64x128xf32, #tpu.memory_space<vmem>> -> memref<1x64x128xf32, #tpu.memory_space<vmem>>
      %dma_wait3A_988 = tpu.memref_squeeze %dma_wait3A_987 : memref<1x64x128xf32, #tpu.memory_space<vmem>> -> memref<64x128xf32, #tpu.memory_space<vmem>>
      %dma_wait3A_989 = arith.constant 0 : i32
      %dma_wait3A_990 = tpu.memref_slice %arg4[%dma_wait3A_989, %multiple_of3A_983] : memref<64x1000000xf32, #tpu.memory_space<hbm>> -> memref<64x128xf32, #tpu.memory_space<hbm>>
      %dma_wait3A_991 = arith.constant 0 : i32
      %dma_wait3A_992 = arith.constant 0 : i32
      %dma_wait3A_993 = tpu.memref_slice %arg7[%dma_wait3A_984, %dma_wait3A_991, %dma_wait3A_992] : memref<4x64x128xf32, #tpu.memory_space<vmem>> -> memref<1x64x128xf32, #tpu.memory_space<vmem>>
      %dma_wait3A_994 = tpu.memref_squeeze %dma_wait3A_993 : memref<1x64x128xf32, #tpu.memory_space<vmem>> -> memref<64x128xf32, #tpu.memory_space<vmem>>
      %dma_wait3A_995 = arith.constant 0 : i32
      %dma_wait3A_996 = tpu.memref_slice %arg4[%dma_wait3A_995, %multiple_of3A_983] : memref<64x1000000xf32, #tpu.memory_space<hbm>> -> memref<64x128xf32, #tpu.memory_space<hbm>>
      tpu.wait_dma2 semaphore(%arg13 : memref<!tpu.dma_semaphore, #tpu.memory_space<semaphore_mem>>) src(%dma_wait3A_996 : memref<64x128xf32, #tpu.memory_space<hbm>>) dst(%dma_wait3A_994 : memref<64x128xf32, #tpu.memory_space<vmem>>)
      %slice3A_997 = vector.extract_strided_slice %and3A_103 {offsets = [7], sizes = [1], strides = [1]} : vector<16xi32> to vector<1xi32>
      %squeeze3A_998 = vector.extract %slice3A_997[0] : i32 from vector<1xi32>
      %add3A_999 = arith.constant 0 : i32
      %add3A_1000 = vector.broadcast %add3A_999 : i32 to vector<16xi32>
      %add3A_1001 = arith.addi %iota3A, %add3A_1000 : vector<16xi32>
      %broadcast_in_dim3A_1002 = vector.broadcast %squeeze3A_998 : i32 to vector<16xi32>
      %gather3A_1003 = arith.constant 3 : i32
      %gather3A_1004 = arith.constant 0 : i32
      %gather3A_1005 = arith.constant 0 : i32
      %gather3A_1006 = tpu.memref_slice %arg7[%gather3A_1003, %gather3A_1004, %gather3A_1005] : memref<4x64x128xf32, #tpu.memory_space<vmem>> -> memref<1x64x128xf32, #tpu.memory_space<vmem>>
      %gather3A_1007 = tpu.memref_squeeze %gather3A_1006 : memref<1x64x128xf32, #tpu.memory_space<vmem>> -> memref<64x128xf32, #tpu.memory_space<vmem>>
      %gather3A_1008 = tpu.vector_load_idx %gather3A_1007[%add3A_1001, %broadcast_in_dim3A_1002] : memref<64x128xf32, #tpu.memory_space<vmem>>[vector<16xi32>, vector<16xi32>], vector<16xf32>,
      %mul3A_1009 = arith.constant 16 : i32
      %mul3A_1010 = arith.muli %scan3A_97, %mul3A_1009 : i32
      %add3A_1011 = arith.constant 7 : i32
      %add3A_1012 = arith.addi %mul3A_1010, %add3A_1011 : i32
      %get3A_1013 = arith.index_cast %add3A_1012 : i32 to index
      %get3A_1014 = arith.constant 0 : index
      %get3A_1015 = tpu.vector_load %arg9[%get3A_1013, %get3A_1014] {strides = array<i32>} : memref<512x64xf32, #tpu.memory_space<vmem>>, vector<16xf32>,
      %add3A_1016 = arith.addf %gather3A_1008, %get3A_1015 : vector<16xf32>
      %swap3A_1017 = arith.constant 7 : i32
      %swap3A_1018 = arith.index_cast %swap3A_1017 : i32 to index
      %swap3A_1019 = arith.constant 0 : index
      %swap3A_1020 = tpu.vector_load %arg8[%swap3A_1018, %swap3A_1019] {strides = array<i32>} : memref<16x64xf32, #tpu.memory_space<vmem>>, vector<16xf32>,
      tpu.vector_store %arg8[%swap3A_1018, %swap3A_1019], %add3A_1016 {strides = array<i32>} : memref<16x64xf32, #tpu.memory_space<vmem>>, vector<16xf32>,
      %add3A_1021 = arith.constant 16 : i32
      %add3A_1022 = vector.broadcast %add3A_1021 : i32 to vector<16xi32>
      %add3A_1023 = arith.addi %iota3A, %add3A_1022 : vector<16xi32>
      %broadcast_in_dim3A_1024 = vector.broadcast %squeeze3A_998 : i32 to vector<16xi32>
      %gather3A_1025 = arith.constant 3 : i32
      %gather3A_1026 = arith.constant 0 : i32
      %gather3A_1027 = arith.constant 0 : i32
      %gather3A_1028 = tpu.memref_slice %arg7[%gather3A_1025, %gather3A_1026, %gather3A_1027] : memref<4x64x128xf32, #tpu.memory_space<vmem>> -> memref<1x64x128xf32, #tpu.memory_space<vmem>>
      %gather3A_1029 = tpu.memref_squeeze %gather3A_1028 : memref<1x64x128xf32, #tpu.memory_space<vmem>> -> memref<64x128xf32, #tpu.memory_space<vmem>>
      %gather3A_1030 = tpu.vector_load_idx %gather3A_1029[%add3A_1023, %broadcast_in_dim3A_1024] : memref<64x128xf32, #tpu.memory_space<vmem>>[vector<16xi32>, vector<16xi32>], vector<16xf32>,
      %mul3A_1031 = arith.constant 16 : i32
      %mul3A_1032 = arith.muli %scan3A_97, %mul3A_1031 : i32
      %add3A_1033 = arith.constant 7 : i32
      %add3A_1034 = arith.addi %mul3A_1032, %add3A_1033 : i32
      %get3A_1035 = arith.index_cast %add3A_1034 : i32 to index
      %get3A_1036 = arith.constant 16 : index
      %get3A_1037 = tpu.vector_load %arg9[%get3A_1035, %get3A_1036] {strides = array<i32>} : memref<512x64xf32, #tpu.memory_space<vmem>>, vector<16xf32>,
      %add3A_1038 = arith.addf %gather3A_1030, %get3A_1037 : vector<16xf32>
      %swap3A_1039 = arith.constant 7 : i32
      %swap3A_1040 = arith.index_cast %swap3A_1039 : i32 to index
      %swap3A_1041 = arith.constant 16 : index
      %swap3A_1042 = tpu.vector_load %arg8[%swap3A_1040, %swap3A_1041] {strides = array<i32>} : memref<16x64xf32, #tpu.memory_space<vmem>>, vector<16xf32>,
      tpu.vector_store %arg8[%swap3A_1040, %swap3A_1041], %add3A_1038 {strides = array<i32>} : memref<16x64xf32, #tpu.memory_space<vmem>>, vector<16xf32>,
      %add3A_1043 = arith.constant 32 : i32
      %add3A_1044 = vector.broadcast %add3A_1043 : i32 to vector<16xi32>
      %add3A_1045 = arith.addi %iota3A, %add3A_1044 : vector<16xi32>
      %broadcast_in_dim3A_1046 = vector.broadcast %squeeze3A_998 : i32 to vector<16xi32>
      %gather3A_1047 = arith.constant 3 : i32
      %gather3A_1048 = arith.constant 0 : i32
      %gather3A_1049 = arith.constant 0 : i32
      %gather3A_1050 = tpu.memref_slice %arg7[%gather3A_1047, %gather3A_1048, %gather3A_1049] : memref<4x64x128xf32, #tpu.memory_space<vmem>> -> memref<1x64x128xf32, #tpu.memory_space<vmem>>
      %gather3A_1051 = tpu.memref_squeeze %gather3A_1050 : memref<1x64x128xf32, #tpu.memory_space<vmem>> -> memref<64x128xf32, #tpu.memory_space<vmem>>
      %gather3A_1052 = tpu.vector_load_idx %gather3A_1051[%add3A_1045, %broadcast_in_dim3A_1046] : memref<64x128xf32, #tpu.memory_space<vmem>>[vector<16xi32>, vector<16xi32>], vector<16xf32>,
      %mul3A_1053 = arith.constant 16 : i32
      %mul3A_1054 = arith.muli %scan3A_97, %mul3A_1053 : i32
      %add3A_1055 = arith.constant 7 : i32
      %add3A_1056 = arith.addi %mul3A_1054, %add3A_1055 : i32
      %get3A_1057 = arith.index_cast %add3A_1056 : i32 to index
      %get3A_1058 = arith.constant 32 : index
      %get3A_1059 = tpu.vector_load %arg9[%get3A_1057, %get3A_1058] {strides = array<i32>} : memref<512x64xf32, #tpu.memory_space<vmem>>, vector<16xf32>,
      %add3A_1060 = arith.addf %gather3A_1052, %get3A_1059 : vector<16xf32>
      %swap3A_1061 = arith.constant 7 : i32
      %swap3A_1062 = arith.index_cast %swap3A_1061 : i32 to index
      %swap3A_1063 = arith.constant 32 : index
      %swap3A_1064 = tpu.vector_load %arg8[%swap3A_1062, %swap3A_1063] {strides = array<i32>} : memref<16x64xf32, #tpu.memory_space<vmem>>, vector<16xf32>,
      tpu.vector_store %arg8[%swap3A_1062, %swap3A_1063], %add3A_1060 {strides = array<i32>} : memref<16x64xf32, #tpu.memory_space<vmem>>, vector<16xf32>,
      %add3A_1065 = arith.constant 48 : i32
      %add3A_1066 = vector.broadcast %add3A_1065 : i32 to vector<16xi32>
      %add3A_1067 = arith.addi %iota3A, %add3A_1066 : vector<16xi32>
      %broadcast_in_dim3A_1068 = vector.broadcast %squeeze3A_998 : i32 to vector<16xi32>
      %gather3A_1069 = arith.constant 3 : i32
      %gather3A_1070 = arith.constant 0 : i32
      %gather3A_1071 = arith.constant 0 : i32
      %gather3A_1072 = tpu.memref_slice %arg7[%gather3A_1069, %gather3A_1070, %gather3A_1071] : memref<4x64x128xf32, #tpu.memory_space<vmem>> -> memref<1x64x128xf32, #tpu.memory_space<vmem>>
      %gather3A_1073 = tpu.memref_squeeze %gather3A_1072 : memref<1x64x128xf32, #tpu.memory_space<vmem>> -> memref<64x128xf32, #tpu.memory_space<vmem>>
      %gather3A_1074 = tpu.vector_load_idx %gather3A_1073[%add3A_1067, %broadcast_in_dim3A_1068] : memref<64x128xf32, #tpu.memory_space<vmem>>[vector<16xi32>, vector<16xi32>], vector<16xf32>,
      %mul3A_1075 = arith.constant 16 : i32
      %mul3A_1076 = arith.muli %scan3A_97, %mul3A_1075 : i32
      %add3A_1077 = arith.constant 7 : i32
      %add3A_1078 = arith.addi %mul3A_1076, %add3A_1077 : i32
      %get3A_1079 = arith.index_cast %add3A_1078 : i32 to index
      %get3A_1080 = arith.constant 48 : index
      %get3A_1081 = tpu.vector_load %arg9[%get3A_1079, %get3A_1080] {strides = array<i32>} : memref<512x64xf32, #tpu.memory_space<vmem>>, vector<16xf32>,
      %add3A_1082 = arith.addf %gather3A_1074, %get3A_1081 : vector<16xf32>
      %swap3A_1083 = arith.constant 7 : i32
      %swap3A_1084 = arith.index_cast %swap3A_1083 : i32 to index
      %swap3A_1085 = arith.constant 48 : index
      %swap3A_1086 = tpu.vector_load %arg8[%swap3A_1084, %swap3A_1085] {strides = array<i32>} : memref<16x64xf32, #tpu.memory_space<vmem>>, vector<16xf32>,
      tpu.vector_store %arg8[%swap3A_1084, %swap3A_1085], %add3A_1082 {strides = array<i32>} : memref<16x64xf32, #tpu.memory_space<vmem>>, vector<16xf32>,
      %add3A_1087 = arith.constant 0 : i32
      %add3A_1088 = arith.addi %scan3A_97, %add3A_1087 : i32
      %mul3A_1089 = arith.constant 16 : i32
      %mul3A_1090 = arith.muli %add3A_1088, %mul3A_1089 : i32
      %add3A_1091 = arith.constant 11 : i32
      %add3A_1092 = arith.addi %mul3A_1090, %add3A_1091 : i32
      %lt3A_1093 = arith.constant 512 : i32
      %lt3A_1094 = arith.cmpi slt, %add3A_1092, %lt3A_1093 : i32
      %convert_element_type3A_1095 = arith.extui %lt3A_1094 : i1 to i32
      %cond3A_1096 = arith.constant 0 : i32
      %cond3A_1097 = arith.cmpi ne, %convert_element_type3A_1095, %cond3A_1096 : i32
      scf.if %cond3A_1097 {
        %mul3A_2101 = arith.constant 16 : i32
        %mul3A_2102 = arith.muli %add3A_1088, %mul3A_2101 : i32
        %get3A_2103 = arith.index_cast %mul3A_2102 : i32 to index
        %get3A_2104 = tpu.vector_load %arg6[%get3A_2103] {strides = array<i32>} : memref<512xi32, #tpu.memory_space<vmem>>, vector<16xi32>,
        %slice3A_2105 = vector.extract_strided_slice %get3A_2104 {offsets = [11], sizes = [1], strides = [1]} : vector<16xi32> to vector<1xi32>
        %squeeze3A_2106 = vector.extract %slice3A_2105[0] : i32 from vector<1xi32>
        %shift_right_logical3A_2107 = arith.constant 7 : i32
        %shift_right_logical3A_2108 = arith.shrui %squeeze3A_2106, %shift_right_logical3A_2107 : i32
        %mul3A_2109 = arith.constant 128 : i32
        %mul3A_2110 = arith.muli %shift_right_logical3A_2108, %mul3A_2109 : i32
        %multiple_of3A_2111 = tpu.assume_multiple %mul3A_2110, 128 : i32
        %dma_start3A_2112 = arith.constant 3 : i32
        %dma_start3A_2113 = arith.constant 0 : i32
        %dma_start3A_2114 = arith.constant 0 : i32
        %dma_start3A_2115 = tpu.memref_slice %arg7[%dma_start3A_2112, %dma_start3A_2113, %dma_start3A_2114] : memref<4x64x128xf32, #tpu.memory_space<vmem>> -> memref<1x64x128xf32, #tpu.memory_space<vmem>>
        %dma_start3A_2116 = tpu.memref_squeeze %dma_start3A_2115 : memref<1x64x128xf32, #tpu.memory_space<vmem>> -> memref<64x128xf32, #tpu.memory_space<vmem>>
        %dma_start3A_2117 = arith.constant 0 : i32
        %dma_start3A_2118 = tpu.memref_slice %arg4[%dma_start3A_2117, %multiple_of3A_2111] : memref<64x1000000xf32, #tpu.memory_space<hbm>> -> memref<64x128xf32, #tpu.memory_space<hbm>>
        %dma_start3A_2119 = arith.constant 0 : i32
        %dma_start3A_2120 = arith.constant 0 : i32
        %dma_start3A_2121 = tpu.memref_slice %arg7[%dma_start3A_2112, %dma_start3A_2119, %dma_start3A_2120] : memref<4x64x128xf32, #tpu.memory_space<vmem>> -> memref<1x64x128xf32, #tpu.memory_space<vmem>>
        %dma_start3A_2122 = tpu.memref_squeeze %dma_start3A_2121 : memref<1x64x128xf32, #tpu.memory_space<vmem>> -> memref<64x128xf32, #tpu.memory_space<vmem>>
        %dma_start3A_2123 = arith.constant 0 : i32
        %dma_start3A_2124 = tpu.memref_slice %arg4[%dma_start3A_2123, %multiple_of3A_2111] : memref<64x1000000xf32, #tpu.memory_space<hbm>> -> memref<64x128xf32, #tpu.memory_space<hbm>>
        tpu.enqueue_dma source(%dma_start3A_2124 : memref<64x128xf32, #tpu.memory_space<hbm>>) target(%dma_start3A_2122 : memref<64x128xf32, #tpu.memory_space<vmem>>) target_semaphore(%arg13 : memref<!tpu.dma_semaphore, #tpu.memory_space<semaphore_mem>>)
      } else {
      }
      %mul3A_1098 = arith.constant 16 : i32
      %mul3A_1099 = arith.muli %scan3A_97, %mul3A_1098 : i32
      %get3A_1100 = arith.index_cast %mul3A_1099 : i32 to index
      %get3A_1101 = tpu.vector_load %arg6[%get3A_1100] {strides = array<i32>} : memref<512xi32, #tpu.memory_space<vmem>>, vector<16xi32>,
      %slice3A_1102 = vector.extract_strided_slice %get3A_1101 {offsets = [8], sizes = [1], strides = [1]} : vector<16xi32> to vector<1xi32>
      %squeeze3A_1103 = vector.extract %slice3A_1102[0] : i32 from vector<1xi32>
      %shift_right_logical3A_1104 = arith.constant 7 : i32
      %shift_right_logical3A_1105 = arith.shrui %squeeze3A_1103, %shift_right_logical3A_1104 : i32
      %mul3A_1106 = arith.constant 128 : i32
      %mul3A_1107 = arith.muli %shift_right_logical3A_1105, %mul3A_1106 : i32
      %multiple_of3A_1108 = tpu.assume_multiple %mul3A_1107, 128 : i32
      %dma_wait3A_1109 = arith.constant 0 : i32
      %dma_wait3A_1110 = arith.constant 0 : i32
      %dma_wait3A_1111 = arith.constant 0 : i32
      %dma_wait3A_1112 = tpu.memref_slice %arg7[%dma_wait3A_1109, %dma_wait3A_1110, %dma_wait3A_1111] : memref<4x64x128xf32, #tpu.memory_space<vmem>> -> memref<1x64x128xf32, #tpu.memory_space<vmem>>
      %dma_wait3A_1113 = tpu.memref_squeeze %dma_wait3A_1112 : memref<1x64x128xf32, #tpu.memory_space<vmem>> -> memref<64x128xf32, #tpu.memory_space<vmem>>
      %dma_wait3A_1114 = arith.constant 0 : i32
      %dma_wait3A_1115 = tpu.memref_slice %arg4[%dma_wait3A_1114, %multiple_of3A_1108] : memref<64x1000000xf32, #tpu.memory_space<hbm>> -> memref<64x128xf32, #tpu.memory_space<hbm>>
      %dma_wait3A_1116 = arith.constant 0 : i32
      %dma_wait3A_1117 = arith.constant 0 : i32
      %dma_wait3A_1118 = tpu.memref_slice %arg7[%dma_wait3A_1109, %dma_wait3A_1116, %dma_wait3A_1117] : memref<4x64x128xf32, #tpu.memory_space<vmem>> -> memref<1x64x128xf32, #tpu.memory_space<vmem>>
      %dma_wait3A_1119 = tpu.memref_squeeze %dma_wait3A_1118 : memref<1x64x128xf32, #tpu.memory_space<vmem>> -> memref<64x128xf32, #tpu.memory_space<vmem>>
      %dma_wait3A_1120 = arith.constant 0 : i32
      %dma_wait3A_1121 = tpu.memref_slice %arg4[%dma_wait3A_1120, %multiple_of3A_1108] : memref<64x1000000xf32, #tpu.memory_space<hbm>> -> memref<64x128xf32, #tpu.memory_space<hbm>>
      tpu.wait_dma2 semaphore(%arg10 : memref<!tpu.dma_semaphore, #tpu.memory_space<semaphore_mem>>) src(%dma_wait3A_1121 : memref<64x128xf32, #tpu.memory_space<hbm>>) dst(%dma_wait3A_1119 : memref<64x128xf32, #tpu.memory_space<vmem>>)
      %slice3A_1122 = vector.extract_strided_slice %and3A_103 {offsets = [8], sizes = [1], strides = [1]} : vector<16xi32> to vector<1xi32>
      %squeeze3A_1123 = vector.extract %slice3A_1122[0] : i32 from vector<1xi32>
      %add3A_1124 = arith.constant 0 : i32
      %add3A_1125 = vector.broadcast %add3A_1124 : i32 to vector<16xi32>
      %add3A_1126 = arith.addi %iota3A, %add3A_1125 : vector<16xi32>
      %broadcast_in_dim3A_1127 = vector.broadcast %squeeze3A_1123 : i32 to vector<16xi32>
      %gather3A_1128 = arith.constant 0 : i32
      %gather3A_1129 = arith.constant 0 : i32
      %gather3A_1130 = arith.constant 0 : i32
      %gather3A_1131 = tpu.memref_slice %arg7[%gather3A_1128, %gather3A_1129, %gather3A_1130] : memref<4x64x128xf32, #tpu.memory_space<vmem>> -> memref<1x64x128xf32, #tpu.memory_space<vmem>>
      %gather3A_1132 = tpu.memref_squeeze %gather3A_1131 : memref<1x64x128xf32, #tpu.memory_space<vmem>> -> memref<64x128xf32, #tpu.memory_space<vmem>>
      %gather3A_1133 = tpu.vector_load_idx %gather3A_1132[%add3A_1126, %broadcast_in_dim3A_1127] : memref<64x128xf32, #tpu.memory_space<vmem>>[vector<16xi32>, vector<16xi32>], vector<16xf32>,
      %mul3A_1134 = arith.constant 16 : i32
      %mul3A_1135 = arith.muli %scan3A_97, %mul3A_1134 : i32
      %add3A_1136 = arith.constant 8 : i32
      %add3A_1137 = arith.addi %mul3A_1135, %add3A_1136 : i32
      %get3A_1138 = arith.index_cast %add3A_1137 : i32 to index
      %get3A_1139 = arith.constant 0 : index
      %get3A_1140 = tpu.vector_load %arg9[%get3A_1138, %get3A_1139] {strides = array<i32>} : memref<512x64xf32, #tpu.memory_space<vmem>>, vector<16xf32>,
      %add3A_1141 = arith.addf %gather3A_1133, %get3A_1140 : vector<16xf32>
      %swap3A_1142 = arith.constant 8 : i32
      %swap3A_1143 = arith.index_cast %swap3A_1142 : i32 to index
      %swap3A_1144 = arith.constant 0 : index
      %swap3A_1145 = tpu.vector_load %arg8[%swap3A_1143, %swap3A_1144] {strides = array<i32>} : memref<16x64xf32, #tpu.memory_space<vmem>>, vector<16xf32>,
      tpu.vector_store %arg8[%swap3A_1143, %swap3A_1144], %add3A_1141 {strides = array<i32>} : memref<16x64xf32, #tpu.memory_space<vmem>>, vector<16xf32>,
      %add3A_1146 = arith.constant 16 : i32
      %add3A_1147 = vector.broadcast %add3A_1146 : i32 to vector<16xi32>
      %add3A_1148 = arith.addi %iota3A, %add3A_1147 : vector<16xi32>
      %broadcast_in_dim3A_1149 = vector.broadcast %squeeze3A_1123 : i32 to vector<16xi32>
      %gather3A_1150 = arith.constant 0 : i32
      %gather3A_1151 = arith.constant 0 : i32
      %gather3A_1152 = arith.constant 0 : i32
      %gather3A_1153 = tpu.memref_slice %arg7[%gather3A_1150, %gather3A_1151, %gather3A_1152] : memref<4x64x128xf32, #tpu.memory_space<vmem>> -> memref<1x64x128xf32, #tpu.memory_space<vmem>>
      %gather3A_1154 = tpu.memref_squeeze %gather3A_1153 : memref<1x64x128xf32, #tpu.memory_space<vmem>> -> memref<64x128xf32, #tpu.memory_space<vmem>>
      %gather3A_1155 = tpu.vector_load_idx %gather3A_1154[%add3A_1148, %broadcast_in_dim3A_1149] : memref<64x128xf32, #tpu.memory_space<vmem>>[vector<16xi32>, vector<16xi32>], vector<16xf32>,
      %mul3A_1156 = arith.constant 16 : i32
      %mul3A_1157 = arith.muli %scan3A_97, %mul3A_1156 : i32
      %add3A_1158 = arith.constant 8 : i32
      %add3A_1159 = arith.addi %mul3A_1157, %add3A_1158 : i32
      %get3A_1160 = arith.index_cast %add3A_1159 : i32 to index
      %get3A_1161 = arith.constant 16 : index
      %get3A_1162 = tpu.vector_load %arg9[%get3A_1160, %get3A_1161] {strides = array<i32>} : memref<512x64xf32, #tpu.memory_space<vmem>>, vector<16xf32>,
      %add3A_1163 = arith.addf %gather3A_1155, %get3A_1162 : vector<16xf32>
      %swap3A_1164 = arith.constant 8 : i32
      %swap3A_1165 = arith.index_cast %swap3A_1164 : i32 to index
      %swap3A_1166 = arith.constant 16 : index
      %swap3A_1167 = tpu.vector_load %arg8[%swap3A_1165, %swap3A_1166] {strides = array<i32>} : memref<16x64xf32, #tpu.memory_space<vmem>>, vector<16xf32>,
      tpu.vector_store %arg8[%swap3A_1165, %swap3A_1166], %add3A_1163 {strides = array<i32>} : memref<16x64xf32, #tpu.memory_space<vmem>>, vector<16xf32>,
      %add3A_1168 = arith.constant 32 : i32
      %add3A_1169 = vector.broadcast %add3A_1168 : i32 to vector<16xi32>
      %add3A_1170 = arith.addi %iota3A, %add3A_1169 : vector<16xi32>
      %broadcast_in_dim3A_1171 = vector.broadcast %squeeze3A_1123 : i32 to vector<16xi32>
      %gather3A_1172 = arith.constant 0 : i32
      %gather3A_1173 = arith.constant 0 : i32
      %gather3A_1174 = arith.constant 0 : i32
      %gather3A_1175 = tpu.memref_slice %arg7[%gather3A_1172, %gather3A_1173, %gather3A_1174] : memref<4x64x128xf32, #tpu.memory_space<vmem>> -> memref<1x64x128xf32, #tpu.memory_space<vmem>>
      %gather3A_1176 = tpu.memref_squeeze %gather3A_1175 : memref<1x64x128xf32, #tpu.memory_space<vmem>> -> memref<64x128xf32, #tpu.memory_space<vmem>>
      %gather3A_1177 = tpu.vector_load_idx %gather3A_1176[%add3A_1170, %broadcast_in_dim3A_1171] : memref<64x128xf32, #tpu.memory_space<vmem>>[vector<16xi32>, vector<16xi32>], vector<16xf32>,
      %mul3A_1178 = arith.constant 16 : i32
      %mul3A_1179 = arith.muli %scan3A_97, %mul3A_1178 : i32
      %add3A_1180 = arith.constant 8 : i32
      %add3A_1181 = arith.addi %mul3A_1179, %add3A_1180 : i32
      %get3A_1182 = arith.index_cast %add3A_1181 : i32 to index
      %get3A_1183 = arith.constant 32 : index
      %get3A_1184 = tpu.vector_load %arg9[%get3A_1182, %get3A_1183] {strides = array<i32>} : memref<512x64xf32, #tpu.memory_space<vmem>>, vector<16xf32>,
      %add3A_1185 = arith.addf %gather3A_1177, %get3A_1184 : vector<16xf32>
      %swap3A_1186 = arith.constant 8 : i32
      %swap3A_1187 = arith.index_cast %swap3A_1186 : i32 to index
      %swap3A_1188 = arith.constant 32 : index
      %swap3A_1189 = tpu.vector_load %arg8[%swap3A_1187, %swap3A_1188] {strides = array<i32>} : memref<16x64xf32, #tpu.memory_space<vmem>>, vector<16xf32>,
      tpu.vector_store %arg8[%swap3A_1187, %swap3A_1188], %add3A_1185 {strides = array<i32>} : memref<16x64xf32, #tpu.memory_space<vmem>>, vector<16xf32>,
      %add3A_1190 = arith.constant 48 : i32
      %add3A_1191 = vector.broadcast %add3A_1190 : i32 to vector<16xi32>
      %add3A_1192 = arith.addi %iota3A, %add3A_1191 : vector<16xi32>
      %broadcast_in_dim3A_1193 = vector.broadcast %squeeze3A_1123 : i32 to vector<16xi32>
      %gather3A_1194 = arith.constant 0 : i32
      %gather3A_1195 = arith.constant 0 : i32
      %gather3A_1196 = arith.constant 0 : i32
      %gather3A_1197 = tpu.memref_slice %arg7[%gather3A_1194, %gather3A_1195, %gather3A_1196] : memref<4x64x128xf32, #tpu.memory_space<vmem>> -> memref<1x64x128xf32, #tpu.memory_space<vmem>>
      %gather3A_1198 = tpu.memref_squeeze %gather3A_1197 : memref<1x64x128xf32, #tpu.memory_space<vmem>> -> memref<64x128xf32, #tpu.memory_space<vmem>>
      %gather3A_1199 = tpu.vector_load_idx %gather3A_1198[%add3A_1192, %broadcast_in_dim3A_1193] : memref<64x128xf32, #tpu.memory_space<vmem>>[vector<16xi32>, vector<16xi32>], vector<16xf32>,
      %mul3A_1200 = arith.constant 16 : i32
      %mul3A_1201 = arith.muli %scan3A_97, %mul3A_1200 : i32
      %add3A_1202 = arith.constant 8 : i32
      %add3A_1203 = arith.addi %mul3A_1201, %add3A_1202 : i32
      %get3A_1204 = arith.index_cast %add3A_1203 : i32 to index
      %get3A_1205 = arith.constant 48 : index
      %get3A_1206 = tpu.vector_load %arg9[%get3A_1204, %get3A_1205] {strides = array<i32>} : memref<512x64xf32, #tpu.memory_space<vmem>>, vector<16xf32>,
      %add3A_1207 = arith.addf %gather3A_1199, %get3A_1206 : vector<16xf32>
      %swap3A_1208 = arith.constant 8 : i32
      %swap3A_1209 = arith.index_cast %swap3A_1208 : i32 to index
      %swap3A_1210 = arith.constant 48 : index
      %swap3A_1211 = tpu.vector_load %arg8[%swap3A_1209, %swap3A_1210] {strides = array<i32>} : memref<16x64xf32, #tpu.memory_space<vmem>>, vector<16xf32>,
      tpu.vector_store %arg8[%swap3A_1209, %swap3A_1210], %add3A_1207 {strides = array<i32>} : memref<16x64xf32, #tpu.memory_space<vmem>>, vector<16xf32>,
      %add3A_1212 = arith.constant 0 : i32
      %add3A_1213 = arith.addi %scan3A_97, %add3A_1212 : i32
      %mul3A_1214 = arith.constant 16 : i32
      %mul3A_1215 = arith.muli %add3A_1213, %mul3A_1214 : i32
      %add3A_1216 = arith.constant 12 : i32
      %add3A_1217 = arith.addi %mul3A_1215, %add3A_1216 : i32
      %lt3A_1218 = arith.constant 512 : i32
      %lt3A_1219 = arith.cmpi slt, %add3A_1217, %lt3A_1218 : i32
      %convert_element_type3A_1220 = arith.extui %lt3A_1219 : i1 to i32
      %cond3A_1221 = arith.constant 0 : i32
      %cond3A_1222 = arith.cmpi ne, %convert_element_type3A_1220, %cond3A_1221 : i32
      scf.if %cond3A_1222 {
        %mul3A_2101 = arith.constant 16 : i32
        %mul3A_2102 = arith.muli %add3A_1213, %mul3A_2101 : i32
        %get3A_2103 = arith.index_cast %mul3A_2102 : i32 to index
        %get3A_2104 = tpu.vector_load %arg6[%get3A_2103] {strides = array<i32>} : memref<512xi32, #tpu.memory_space<vmem>>, vector<16xi32>,
        %slice3A_2105 = vector.extract_strided_slice %get3A_2104 {offsets = [12], sizes = [1], strides = [1]} : vector<16xi32> to vector<1xi32>
        %squeeze3A_2106 = vector.extract %slice3A_2105[0] : i32 from vector<1xi32>
        %shift_right_logical3A_2107 = arith.constant 7 : i32
        %shift_right_logical3A_2108 = arith.shrui %squeeze3A_2106, %shift_right_logical3A_2107 : i32
        %mul3A_2109 = arith.constant 128 : i32
        %mul3A_2110 = arith.muli %shift_right_logical3A_2108, %mul3A_2109 : i32
        %multiple_of3A_2111 = tpu.assume_multiple %mul3A_2110, 128 : i32
        %dma_start3A_2112 = arith.constant 0 : i32
        %dma_start3A_2113 = arith.constant 0 : i32
        %dma_start3A_2114 = arith.constant 0 : i32
        %dma_start3A_2115 = tpu.memref_slice %arg7[%dma_start3A_2112, %dma_start3A_2113, %dma_start3A_2114] : memref<4x64x128xf32, #tpu.memory_space<vmem>> -> memref<1x64x128xf32, #tpu.memory_space<vmem>>
        %dma_start3A_2116 = tpu.memref_squeeze %dma_start3A_2115 : memref<1x64x128xf32, #tpu.memory_space<vmem>> -> memref<64x128xf32, #tpu.memory_space<vmem>>
        %dma_start3A_2117 = arith.constant 0 : i32
        %dma_start3A_2118 = tpu.memref_slice %arg4[%dma_start3A_2117, %multiple_of3A_2111] : memref<64x1000000xf32, #tpu.memory_space<hbm>> -> memref<64x128xf32, #tpu.memory_space<hbm>>
        %dma_start3A_2119 = arith.constant 0 : i32
        %dma_start3A_2120 = arith.constant 0 : i32
        %dma_start3A_2121 = tpu.memref_slice %arg7[%dma_start3A_2112, %dma_start3A_2119, %dma_start3A_2120] : memref<4x64x128xf32, #tpu.memory_space<vmem>> -> memref<1x64x128xf32, #tpu.memory_space<vmem>>
        %dma_start3A_2122 = tpu.memref_squeeze %dma_start3A_2121 : memref<1x64x128xf32, #tpu.memory_space<vmem>> -> memref<64x128xf32, #tpu.memory_space<vmem>>
        %dma_start3A_2123 = arith.constant 0 : i32
        %dma_start3A_2124 = tpu.memref_slice %arg4[%dma_start3A_2123, %multiple_of3A_2111] : memref<64x1000000xf32, #tpu.memory_space<hbm>> -> memref<64x128xf32, #tpu.memory_space<hbm>>
        tpu.enqueue_dma source(%dma_start3A_2124 : memref<64x128xf32, #tpu.memory_space<hbm>>) target(%dma_start3A_2122 : memref<64x128xf32, #tpu.memory_space<vmem>>) target_semaphore(%arg10 : memref<!tpu.dma_semaphore, #tpu.memory_space<semaphore_mem>>)
      } else {
      }
      %mul3A_1223 = arith.constant 16 : i32
      %mul3A_1224 = arith.muli %scan3A_97, %mul3A_1223 : i32
      %get3A_1225 = arith.index_cast %mul3A_1224 : i32 to index
      %get3A_1226 = tpu.vector_load %arg6[%get3A_1225] {strides = array<i32>} : memref<512xi32, #tpu.memory_space<vmem>>, vector<16xi32>,
      %slice3A_1227 = vector.extract_strided_slice %get3A_1226 {offsets = [9], sizes = [1], strides = [1]} : vector<16xi32> to vector<1xi32>
      %squeeze3A_1228 = vector.extract %slice3A_1227[0] : i32 from vector<1xi32>
      %shift_right_logical3A_1229 = arith.constant 7 : i32
      %shift_right_logical3A_1230 = arith.shrui %squeeze3A_1228, %shift_right_logical3A_1229 : i32
      %mul3A_1231 = arith.constant 128 : i32
      %mul3A_1232 = arith.muli %shift_right_logical3A_1230, %mul3A_1231 : i32
      %multiple_of3A_1233 = tpu.assume_multiple %mul3A_1232, 128 : i32
      %dma_wait3A_1234 = arith.constant 1 : i32
      %dma_wait3A_1235 = arith.constant 0 : i32
      %dma_wait3A_1236 = arith.constant 0 : i32
      %dma_wait3A_1237 = tpu.memref_slice %arg7[%dma_wait3A_1234, %dma_wait3A_1235, %dma_wait3A_1236] : memref<4x64x128xf32, #tpu.memory_space<vmem>> -> memref<1x64x128xf32, #tpu.memory_space<vmem>>
      %dma_wait3A_1238 = tpu.memref_squeeze %dma_wait3A_1237 : memref<1x64x128xf32, #tpu.memory_space<vmem>> -> memref<64x128xf32, #tpu.memory_space<vmem>>
      %dma_wait3A_1239 = arith.constant 0 : i32
      %dma_wait3A_1240 = tpu.memref_slice %arg4[%dma_wait3A_1239, %multiple_of3A_1233] : memref<64x1000000xf32, #tpu.memory_space<hbm>> -> memref<64x128xf32, #tpu.memory_space<hbm>>
      %dma_wait3A_1241 = arith.constant 0 : i32
      %dma_wait3A_1242 = arith.constant 0 : i32
      %dma_wait3A_1243 = tpu.memref_slice %arg7[%dma_wait3A_1234, %dma_wait3A_1241, %dma_wait3A_1242] : memref<4x64x128xf32, #tpu.memory_space<vmem>> -> memref<1x64x128xf32, #tpu.memory_space<vmem>>
      %dma_wait3A_1244 = tpu.memref_squeeze %dma_wait3A_1243 : memref<1x64x128xf32, #tpu.memory_space<vmem>> -> memref<64x128xf32, #tpu.memory_space<vmem>>
      %dma_wait3A_1245 = arith.constant 0 : i32
      %dma_wait3A_1246 = tpu.memref_slice %arg4[%dma_wait3A_1245, %multiple_of3A_1233] : memref<64x1000000xf32, #tpu.memory_space<hbm>> -> memref<64x128xf32, #tpu.memory_space<hbm>>
      tpu.wait_dma2 semaphore(%arg11 : memref<!tpu.dma_semaphore, #tpu.memory_space<semaphore_mem>>) src(%dma_wait3A_1246 : memref<64x128xf32, #tpu.memory_space<hbm>>) dst(%dma_wait3A_1244 : memref<64x128xf32, #tpu.memory_space<vmem>>)
      %slice3A_1247 = vector.extract_strided_slice %and3A_103 {offsets = [9], sizes = [1], strides = [1]} : vector<16xi32> to vector<1xi32>
      %squeeze3A_1248 = vector.extract %slice3A_1247[0] : i32 from vector<1xi32>
      %add3A_1249 = arith.constant 0 : i32
      %add3A_1250 = vector.broadcast %add3A_1249 : i32 to vector<16xi32>
      %add3A_1251 = arith.addi %iota3A, %add3A_1250 : vector<16xi32>
      %broadcast_in_dim3A_1252 = vector.broadcast %squeeze3A_1248 : i32 to vector<16xi32>
      %gather3A_1253 = arith.constant 1 : i32
      %gather3A_1254 = arith.constant 0 : i32
      %gather3A_1255 = arith.constant 0 : i32
      %gather3A_1256 = tpu.memref_slice %arg7[%gather3A_1253, %gather3A_1254, %gather3A_1255] : memref<4x64x128xf32, #tpu.memory_space<vmem>> -> memref<1x64x128xf32, #tpu.memory_space<vmem>>
      %gather3A_1257 = tpu.memref_squeeze %gather3A_1256 : memref<1x64x128xf32, #tpu.memory_space<vmem>> -> memref<64x128xf32, #tpu.memory_space<vmem>>
      %gather3A_1258 = tpu.vector_load_idx %gather3A_1257[%add3A_1251, %broadcast_in_dim3A_1252] : memref<64x128xf32, #tpu.memory_space<vmem>>[vector<16xi32>, vector<16xi32>], vector<16xf32>,
      %mul3A_1259 = arith.constant 16 : i32
      %mul3A_1260 = arith.muli %scan3A_97, %mul3A_1259 : i32
      %add3A_1261 = arith.constant 9 : i32
      %add3A_1262 = arith.addi %mul3A_1260, %add3A_1261 : i32
      %get3A_1263 = arith.index_cast %add3A_1262 : i32 to index
      %get3A_1264 = arith.constant 0 : index
      %get3A_1265 = tpu.vector_load %arg9[%get3A_1263, %get3A_1264] {strides = array<i32>} : memref<512x64xf32, #tpu.memory_space<vmem>>, vector<16xf32>,
      %add3A_1266 = arith.addf %gather3A_1258, %get3A_1265 : vector<16xf32>
      %swap3A_1267 = arith.constant 9 : i32
      %swap3A_1268 = arith.index_cast %swap3A_1267 : i32 to index
      %swap3A_1269 = arith.constant 0 : index
      %swap3A_1270 = tpu.vector_load %arg8[%swap3A_1268, %swap3A_1269] {strides = array<i32>} : memref<16x64xf32, #tpu.memory_space<vmem>>, vector<16xf32>,
      tpu.vector_store %arg8[%swap3A_1268, %swap3A_1269], %add3A_1266 {strides = array<i32>} : memref<16x64xf32, #tpu.memory_space<vmem>>, vector<16xf32>,
      %add3A_1271 = arith.constant 16 : i32
      %add3A_1272 = vector.broadcast %add3A_1271 : i32 to vector<16xi32>
      %add3A_1273 = arith.addi %iota3A, %add3A_1272 : vector<16xi32>
      %broadcast_in_dim3A_1274 = vector.broadcast %squeeze3A_1248 : i32 to vector<16xi32>
      %gather3A_1275 = arith.constant 1 : i32
      %gather3A_1276 = arith.constant 0 : i32
      %gather3A_1277 = arith.constant 0 : i32
      %gather3A_1278 = tpu.memref_slice %arg7[%gather3A_1275, %gather3A_1276, %gather3A_1277] : memref<4x64x128xf32, #tpu.memory_space<vmem>> -> memref<1x64x128xf32, #tpu.memory_space<vmem>>
      %gather3A_1279 = tpu.memref_squeeze %gather3A_1278 : memref<1x64x128xf32, #tpu.memory_space<vmem>> -> memref<64x128xf32, #tpu.memory_space<vmem>>
      %gather3A_1280 = tpu.vector_load_idx %gather3A_1279[%add3A_1273, %broadcast_in_dim3A_1274] : memref<64x128xf32, #tpu.memory_space<vmem>>[vector<16xi32>, vector<16xi32>], vector<16xf32>,
      %mul3A_1281 = arith.constant 16 : i32
      %mul3A_1282 = arith.muli %scan3A_97, %mul3A_1281 : i32
      %add3A_1283 = arith.constant 9 : i32
      %add3A_1284 = arith.addi %mul3A_1282, %add3A_1283 : i32
      %get3A_1285 = arith.index_cast %add3A_1284 : i32 to index
      %get3A_1286 = arith.constant 16 : index
      %get3A_1287 = tpu.vector_load %arg9[%get3A_1285, %get3A_1286] {strides = array<i32>} : memref<512x64xf32, #tpu.memory_space<vmem>>, vector<16xf32>,
      %add3A_1288 = arith.addf %gather3A_1280, %get3A_1287 : vector<16xf32>
      %swap3A_1289 = arith.constant 9 : i32
      %swap3A_1290 = arith.index_cast %swap3A_1289 : i32 to index
      %swap3A_1291 = arith.constant 16 : index
      %swap3A_1292 = tpu.vector_load %arg8[%swap3A_1290, %swap3A_1291] {strides = array<i32>} : memref<16x64xf32, #tpu.memory_space<vmem>>, vector<16xf32>,
      tpu.vector_store %arg8[%swap3A_1290, %swap3A_1291], %add3A_1288 {strides = array<i32>} : memref<16x64xf32, #tpu.memory_space<vmem>>, vector<16xf32>,
      %add3A_1293 = arith.constant 32 : i32
      %add3A_1294 = vector.broadcast %add3A_1293 : i32 to vector<16xi32>
      %add3A_1295 = arith.addi %iota3A, %add3A_1294 : vector<16xi32>
      %broadcast_in_dim3A_1296 = vector.broadcast %squeeze3A_1248 : i32 to vector<16xi32>
      %gather3A_1297 = arith.constant 1 : i32
      %gather3A_1298 = arith.constant 0 : i32
      %gather3A_1299 = arith.constant 0 : i32
      %gather3A_1300 = tpu.memref_slice %arg7[%gather3A_1297, %gather3A_1298, %gather3A_1299] : memref<4x64x128xf32, #tpu.memory_space<vmem>> -> memref<1x64x128xf32, #tpu.memory_space<vmem>>
      %gather3A_1301 = tpu.memref_squeeze %gather3A_1300 : memref<1x64x128xf32, #tpu.memory_space<vmem>> -> memref<64x128xf32, #tpu.memory_space<vmem>>
      %gather3A_1302 = tpu.vector_load_idx %gather3A_1301[%add3A_1295, %broadcast_in_dim3A_1296] : memref<64x128xf32, #tpu.memory_space<vmem>>[vector<16xi32>, vector<16xi32>], vector<16xf32>,
      %mul3A_1303 = arith.constant 16 : i32
      %mul3A_1304 = arith.muli %scan3A_97, %mul3A_1303 : i32
      %add3A_1305 = arith.constant 9 : i32
      %add3A_1306 = arith.addi %mul3A_1304, %add3A_1305 : i32
      %get3A_1307 = arith.index_cast %add3A_1306 : i32 to index
      %get3A_1308 = arith.constant 32 : index
      %get3A_1309 = tpu.vector_load %arg9[%get3A_1307, %get3A_1308] {strides = array<i32>} : memref<512x64xf32, #tpu.memory_space<vmem>>, vector<16xf32>,
      %add3A_1310 = arith.addf %gather3A_1302, %get3A_1309 : vector<16xf32>
      %swap3A_1311 = arith.constant 9 : i32
      %swap3A_1312 = arith.index_cast %swap3A_1311 : i32 to index
      %swap3A_1313 = arith.constant 32 : index
      %swap3A_1314 = tpu.vector_load %arg8[%swap3A_1312, %swap3A_1313] {strides = array<i32>} : memref<16x64xf32, #tpu.memory_space<vmem>>, vector<16xf32>,
      tpu.vector_store %arg8[%swap3A_1312, %swap3A_1313], %add3A_1310 {strides = array<i32>} : memref<16x64xf32, #tpu.memory_space<vmem>>, vector<16xf32>,
      %add3A_1315 = arith.constant 48 : i32
      %add3A_1316 = vector.broadcast %add3A_1315 : i32 to vector<16xi32>
      %add3A_1317 = arith.addi %iota3A, %add3A_1316 : vector<16xi32>
      %broadcast_in_dim3A_1318 = vector.broadcast %squeeze3A_1248 : i32 to vector<16xi32>
      %gather3A_1319 = arith.constant 1 : i32
      %gather3A_1320 = arith.constant 0 : i32
      %gather3A_1321 = arith.constant 0 : i32
      %gather3A_1322 = tpu.memref_slice %arg7[%gather3A_1319, %gather3A_1320, %gather3A_1321] : memref<4x64x128xf32, #tpu.memory_space<vmem>> -> memref<1x64x128xf32, #tpu.memory_space<vmem>>
      %gather3A_1323 = tpu.memref_squeeze %gather3A_1322 : memref<1x64x128xf32, #tpu.memory_space<vmem>> -> memref<64x128xf32, #tpu.memory_space<vmem>>
      %gather3A_1324 = tpu.vector_load_idx %gather3A_1323[%add3A_1317, %broadcast_in_dim3A_1318] : memref<64x128xf32, #tpu.memory_space<vmem>>[vector<16xi32>, vector<16xi32>], vector<16xf32>,
      %mul3A_1325 = arith.constant 16 : i32
      %mul3A_1326 = arith.muli %scan3A_97, %mul3A_1325 : i32
      %add3A_1327 = arith.constant 9 : i32
      %add3A_1328 = arith.addi %mul3A_1326, %add3A_1327 : i32
      %get3A_1329 = arith.index_cast %add3A_1328 : i32 to index
      %get3A_1330 = arith.constant 48 : index
      %get3A_1331 = tpu.vector_load %arg9[%get3A_1329, %get3A_1330] {strides = array<i32>} : memref<512x64xf32, #tpu.memory_space<vmem>>, vector<16xf32>,
      %add3A_1332 = arith.addf %gather3A_1324, %get3A_1331 : vector<16xf32>
      %swap3A_1333 = arith.constant 9 : i32
      %swap3A_1334 = arith.index_cast %swap3A_1333 : i32 to index
      %swap3A_1335 = arith.constant 48 : index
      %swap3A_1336 = tpu.vector_load %arg8[%swap3A_1334, %swap3A_1335] {strides = array<i32>} : memref<16x64xf32, #tpu.memory_space<vmem>>, vector<16xf32>,
      tpu.vector_store %arg8[%swap3A_1334, %swap3A_1335], %add3A_1332 {strides = array<i32>} : memref<16x64xf32, #tpu.memory_space<vmem>>, vector<16xf32>,
      %add3A_1337 = arith.constant 0 : i32
      %add3A_1338 = arith.addi %scan3A_97, %add3A_1337 : i32
      %mul3A_1339 = arith.constant 16 : i32
      %mul3A_1340 = arith.muli %add3A_1338, %mul3A_1339 : i32
      %add3A_1341 = arith.constant 13 : i32
      %add3A_1342 = arith.addi %mul3A_1340, %add3A_1341 : i32
      %lt3A_1343 = arith.constant 512 : i32
      %lt3A_1344 = arith.cmpi slt, %add3A_1342, %lt3A_1343 : i32
      %convert_element_type3A_1345 = arith.extui %lt3A_1344 : i1 to i32
      %cond3A_1346 = arith.constant 0 : i32
      %cond3A_1347 = arith.cmpi ne, %convert_element_type3A_1345, %cond3A_1346 : i32
      scf.if %cond3A_1347 {
        %mul3A_2101 = arith.constant 16 : i32
        %mul3A_2102 = arith.muli %add3A_1338, %mul3A_2101 : i32
        %get3A_2103 = arith.index_cast %mul3A_2102 : i32 to index
        %get3A_2104 = tpu.vector_load %arg6[%get3A_2103] {strides = array<i32>} : memref<512xi32, #tpu.memory_space<vmem>>, vector<16xi32>,
        %slice3A_2105 = vector.extract_strided_slice %get3A_2104 {offsets = [13], sizes = [1], strides = [1]} : vector<16xi32> to vector<1xi32>
        %squeeze3A_2106 = vector.extract %slice3A_2105[0] : i32 from vector<1xi32>
        %shift_right_logical3A_2107 = arith.constant 7 : i32
        %shift_right_logical3A_2108 = arith.shrui %squeeze3A_2106, %shift_right_logical3A_2107 : i32
        %mul3A_2109 = arith.constant 128 : i32
        %mul3A_2110 = arith.muli %shift_right_logical3A_2108, %mul3A_2109 : i32
        %multiple_of3A_2111 = tpu.assume_multiple %mul3A_2110, 128 : i32
        %dma_start3A_2112 = arith.constant 1 : i32
        %dma_start3A_2113 = arith.constant 0 : i32
        %dma_start3A_2114 = arith.constant 0 : i32
        %dma_start3A_2115 = tpu.memref_slice %arg7[%dma_start3A_2112, %dma_start3A_2113, %dma_start3A_2114] : memref<4x64x128xf32, #tpu.memory_space<vmem>> -> memref<1x64x128xf32, #tpu.memory_space<vmem>>
        %dma_start3A_2116 = tpu.memref_squeeze %dma_start3A_2115 : memref<1x64x128xf32, #tpu.memory_space<vmem>> -> memref<64x128xf32, #tpu.memory_space<vmem>>
        %dma_start3A_2117 = arith.constant 0 : i32
        %dma_start3A_2118 = tpu.memref_slice %arg4[%dma_start3A_2117, %multiple_of3A_2111] : memref<64x1000000xf32, #tpu.memory_space<hbm>> -> memref<64x128xf32, #tpu.memory_space<hbm>>
        %dma_start3A_2119 = arith.constant 0 : i32
        %dma_start3A_2120 = arith.constant 0 : i32
        %dma_start3A_2121 = tpu.memref_slice %arg7[%dma_start3A_2112, %dma_start3A_2119, %dma_start3A_2120] : memref<4x64x128xf32, #tpu.memory_space<vmem>> -> memref<1x64x128xf32, #tpu.memory_space<vmem>>
        %dma_start3A_2122 = tpu.memref_squeeze %dma_start3A_2121 : memref<1x64x128xf32, #tpu.memory_space<vmem>> -> memref<64x128xf32, #tpu.memory_space<vmem>>
        %dma_start3A_2123 = arith.constant 0 : i32
        %dma_start3A_2124 = tpu.memref_slice %arg4[%dma_start3A_2123, %multiple_of3A_2111] : memref<64x1000000xf32, #tpu.memory_space<hbm>> -> memref<64x128xf32, #tpu.memory_space<hbm>>
        tpu.enqueue_dma source(%dma_start3A_2124 : memref<64x128xf32, #tpu.memory_space<hbm>>) target(%dma_start3A_2122 : memref<64x128xf32, #tpu.memory_space<vmem>>) target_semaphore(%arg11 : memref<!tpu.dma_semaphore, #tpu.memory_space<semaphore_mem>>)
      } else {
      }
      %mul3A_1348 = arith.constant 16 : i32
      %mul3A_1349 = arith.muli %scan3A_97, %mul3A_1348 : i32
      %get3A_1350 = arith.index_cast %mul3A_1349 : i32 to index
      %get3A_1351 = tpu.vector_load %arg6[%get3A_1350] {strides = array<i32>} : memref<512xi32, #tpu.memory_space<vmem>>, vector<16xi32>,
      %slice3A_1352 = vector.extract_strided_slice %get3A_1351 {offsets = [10], sizes = [1], strides = [1]} : vector<16xi32> to vector<1xi32>
      %squeeze3A_1353 = vector.extract %slice3A_1352[0] : i32 from vector<1xi32>
      %shift_right_logical3A_1354 = arith.constant 7 : i32
      %shift_right_logical3A_1355 = arith.shrui %squeeze3A_1353, %shift_right_logical3A_1354 : i32
      %mul3A_1356 = arith.constant 128 : i32
      %mul3A_1357 = arith.muli %shift_right_logical3A_1355, %mul3A_1356 : i32
      %multiple_of3A_1358 = tpu.assume_multiple %mul3A_1357, 128 : i32
      %dma_wait3A_1359 = arith.constant 2 : i32
      %dma_wait3A_1360 = arith.constant 0 : i32
      %dma_wait3A_1361 = arith.constant 0 : i32
      %dma_wait3A_1362 = tpu.memref_slice %arg7[%dma_wait3A_1359, %dma_wait3A_1360, %dma_wait3A_1361] : memref<4x64x128xf32, #tpu.memory_space<vmem>> -> memref<1x64x128xf32, #tpu.memory_space<vmem>>
      %dma_wait3A_1363 = tpu.memref_squeeze %dma_wait3A_1362 : memref<1x64x128xf32, #tpu.memory_space<vmem>> -> memref<64x128xf32, #tpu.memory_space<vmem>>
      %dma_wait3A_1364 = arith.constant 0 : i32
      %dma_wait3A_1365 = tpu.memref_slice %arg4[%dma_wait3A_1364, %multiple_of3A_1358] : memref<64x1000000xf32, #tpu.memory_space<hbm>> -> memref<64x128xf32, #tpu.memory_space<hbm>>
      %dma_wait3A_1366 = arith.constant 0 : i32
      %dma_wait3A_1367 = arith.constant 0 : i32
      %dma_wait3A_1368 = tpu.memref_slice %arg7[%dma_wait3A_1359, %dma_wait3A_1366, %dma_wait3A_1367] : memref<4x64x128xf32, #tpu.memory_space<vmem>> -> memref<1x64x128xf32, #tpu.memory_space<vmem>>
      %dma_wait3A_1369 = tpu.memref_squeeze %dma_wait3A_1368 : memref<1x64x128xf32, #tpu.memory_space<vmem>> -> memref<64x128xf32, #tpu.memory_space<vmem>>
      %dma_wait3A_1370 = arith.constant 0 : i32
      %dma_wait3A_1371 = tpu.memref_slice %arg4[%dma_wait3A_1370, %multiple_of3A_1358] : memref<64x1000000xf32, #tpu.memory_space<hbm>> -> memref<64x128xf32, #tpu.memory_space<hbm>>
      tpu.wait_dma2 semaphore(%arg12 : memref<!tpu.dma_semaphore, #tpu.memory_space<semaphore_mem>>) src(%dma_wait3A_1371 : memref<64x128xf32, #tpu.memory_space<hbm>>) dst(%dma_wait3A_1369 : memref<64x128xf32, #tpu.memory_space<vmem>>)
      %slice3A_1372 = vector.extract_strided_slice %and3A_103 {offsets = [10], sizes = [1], strides = [1]} : vector<16xi32> to vector<1xi32>
      %squeeze3A_1373 = vector.extract %slice3A_1372[0] : i32 from vector<1xi32>
      %add3A_1374 = arith.constant 0 : i32
      %add3A_1375 = vector.broadcast %add3A_1374 : i32 to vector<16xi32>
      %add3A_1376 = arith.addi %iota3A, %add3A_1375 : vector<16xi32>
      %broadcast_in_dim3A_1377 = vector.broadcast %squeeze3A_1373 : i32 to vector<16xi32>
      %gather3A_1378 = arith.constant 2 : i32
      %gather3A_1379 = arith.constant 0 : i32
      %gather3A_1380 = arith.constant 0 : i32
      %gather3A_1381 = tpu.memref_slice %arg7[%gather3A_1378, %gather3A_1379, %gather3A_1380] : memref<4x64x128xf32, #tpu.memory_space<vmem>> -> memref<1x64x128xf32, #tpu.memory_space<vmem>>
      %gather3A_1382 = tpu.memref_squeeze %gather3A_1381 : memref<1x64x128xf32, #tpu.memory_space<vmem>> -> memref<64x128xf32, #tpu.memory_space<vmem>>
      %gather3A_1383 = tpu.vector_load_idx %gather3A_1382[%add3A_1376, %broadcast_in_dim3A_1377] : memref<64x128xf32, #tpu.memory_space<vmem>>[vector<16xi32>, vector<16xi32>], vector<16xf32>,
      %mul3A_1384 = arith.constant 16 : i32
      %mul3A_1385 = arith.muli %scan3A_97, %mul3A_1384 : i32
      %add3A_1386 = arith.constant 10 : i32
      %add3A_1387 = arith.addi %mul3A_1385, %add3A_1386 : i32
      %get3A_1388 = arith.index_cast %add3A_1387 : i32 to index
      %get3A_1389 = arith.constant 0 : index
      %get3A_1390 = tpu.vector_load %arg9[%get3A_1388, %get3A_1389] {strides = array<i32>} : memref<512x64xf32, #tpu.memory_space<vmem>>, vector<16xf32>,
      %add3A_1391 = arith.addf %gather3A_1383, %get3A_1390 : vector<16xf32>
      %swap3A_1392 = arith.constant 10 : i32
      %swap3A_1393 = arith.index_cast %swap3A_1392 : i32 to index
      %swap3A_1394 = arith.constant 0 : index
      %swap3A_1395 = tpu.vector_load %arg8[%swap3A_1393, %swap3A_1394] {strides = array<i32>} : memref<16x64xf32, #tpu.memory_space<vmem>>, vector<16xf32>,
      tpu.vector_store %arg8[%swap3A_1393, %swap3A_1394], %add3A_1391 {strides = array<i32>} : memref<16x64xf32, #tpu.memory_space<vmem>>, vector<16xf32>,
      %add3A_1396 = arith.constant 16 : i32
      %add3A_1397 = vector.broadcast %add3A_1396 : i32 to vector<16xi32>
      %add3A_1398 = arith.addi %iota3A, %add3A_1397 : vector<16xi32>
      %broadcast_in_dim3A_1399 = vector.broadcast %squeeze3A_1373 : i32 to vector<16xi32>
      %gather3A_1400 = arith.constant 2 : i32
      %gather3A_1401 = arith.constant 0 : i32
      %gather3A_1402 = arith.constant 0 : i32
      %gather3A_1403 = tpu.memref_slice %arg7[%gather3A_1400, %gather3A_1401, %gather3A_1402] : memref<4x64x128xf32, #tpu.memory_space<vmem>> -> memref<1x64x128xf32, #tpu.memory_space<vmem>>
      %gather3A_1404 = tpu.memref_squeeze %gather3A_1403 : memref<1x64x128xf32, #tpu.memory_space<vmem>> -> memref<64x128xf32, #tpu.memory_space<vmem>>
      %gather3A_1405 = tpu.vector_load_idx %gather3A_1404[%add3A_1398, %broadcast_in_dim3A_1399] : memref<64x128xf32, #tpu.memory_space<vmem>>[vector<16xi32>, vector<16xi32>], vector<16xf32>,
      %mul3A_1406 = arith.constant 16 : i32
      %mul3A_1407 = arith.muli %scan3A_97, %mul3A_1406 : i32
      %add3A_1408 = arith.constant 10 : i32
      %add3A_1409 = arith.addi %mul3A_1407, %add3A_1408 : i32
      %get3A_1410 = arith.index_cast %add3A_1409 : i32 to index
      %get3A_1411 = arith.constant 16 : index
      %get3A_1412 = tpu.vector_load %arg9[%get3A_1410, %get3A_1411] {strides = array<i32>} : memref<512x64xf32, #tpu.memory_space<vmem>>, vector<16xf32>,
      %add3A_1413 = arith.addf %gather3A_1405, %get3A_1412 : vector<16xf32>
      %swap3A_1414 = arith.constant 10 : i32
      %swap3A_1415 = arith.index_cast %swap3A_1414 : i32 to index
      %swap3A_1416 = arith.constant 16 : index
      %swap3A_1417 = tpu.vector_load %arg8[%swap3A_1415, %swap3A_1416] {strides = array<i32>} : memref<16x64xf32, #tpu.memory_space<vmem>>, vector<16xf32>,
      tpu.vector_store %arg8[%swap3A_1415, %swap3A_1416], %add3A_1413 {strides = array<i32>} : memref<16x64xf32, #tpu.memory_space<vmem>>, vector<16xf32>,
      %add3A_1418 = arith.constant 32 : i32
      %add3A_1419 = vector.broadcast %add3A_1418 : i32 to vector<16xi32>
      %add3A_1420 = arith.addi %iota3A, %add3A_1419 : vector<16xi32>
      %broadcast_in_dim3A_1421 = vector.broadcast %squeeze3A_1373 : i32 to vector<16xi32>
      %gather3A_1422 = arith.constant 2 : i32
      %gather3A_1423 = arith.constant 0 : i32
      %gather3A_1424 = arith.constant 0 : i32
      %gather3A_1425 = tpu.memref_slice %arg7[%gather3A_1422, %gather3A_1423, %gather3A_1424] : memref<4x64x128xf32, #tpu.memory_space<vmem>> -> memref<1x64x128xf32, #tpu.memory_space<vmem>>
      %gather3A_1426 = tpu.memref_squeeze %gather3A_1425 : memref<1x64x128xf32, #tpu.memory_space<vmem>> -> memref<64x128xf32, #tpu.memory_space<vmem>>
      %gather3A_1427 = tpu.vector_load_idx %gather3A_1426[%add3A_1420, %broadcast_in_dim3A_1421] : memref<64x128xf32, #tpu.memory_space<vmem>>[vector<16xi32>, vector<16xi32>], vector<16xf32>,
      %mul3A_1428 = arith.constant 16 : i32
      %mul3A_1429 = arith.muli %scan3A_97, %mul3A_1428 : i32
      %add3A_1430 = arith.constant 10 : i32
      %add3A_1431 = arith.addi %mul3A_1429, %add3A_1430 : i32
      %get3A_1432 = arith.index_cast %add3A_1431 : i32 to index
      %get3A_1433 = arith.constant 32 : index
      %get3A_1434 = tpu.vector_load %arg9[%get3A_1432, %get3A_1433] {strides = array<i32>} : memref<512x64xf32, #tpu.memory_space<vmem>>, vector<16xf32>,
      %add3A_1435 = arith.addf %gather3A_1427, %get3A_1434 : vector<16xf32>
      %swap3A_1436 = arith.constant 10 : i32
      %swap3A_1437 = arith.index_cast %swap3A_1436 : i32 to index
      %swap3A_1438 = arith.constant 32 : index
      %swap3A_1439 = tpu.vector_load %arg8[%swap3A_1437, %swap3A_1438] {strides = array<i32>} : memref<16x64xf32, #tpu.memory_space<vmem>>, vector<16xf32>,
      tpu.vector_store %arg8[%swap3A_1437, %swap3A_1438], %add3A_1435 {strides = array<i32>} : memref<16x64xf32, #tpu.memory_space<vmem>>, vector<16xf32>,
      %add3A_1440 = arith.constant 48 : i32
      %add3A_1441 = vector.broadcast %add3A_1440 : i32 to vector<16xi32>
      %add3A_1442 = arith.addi %iota3A, %add3A_1441 : vector<16xi32>
      %broadcast_in_dim3A_1443 = vector.broadcast %squeeze3A_1373 : i32 to vector<16xi32>
      %gather3A_1444 = arith.constant 2 : i32
      %gather3A_1445 = arith.constant 0 : i32
      %gather3A_1446 = arith.constant 0 : i32
      %gather3A_1447 = tpu.memref_slice %arg7[%gather3A_1444, %gather3A_1445, %gather3A_1446] : memref<4x64x128xf32, #tpu.memory_space<vmem>> -> memref<1x64x128xf32, #tpu.memory_space<vmem>>
      %gather3A_1448 = tpu.memref_squeeze %gather3A_1447 : memref<1x64x128xf32, #tpu.memory_space<vmem>> -> memref<64x128xf32, #tpu.memory_space<vmem>>
      %gather3A_1449 = tpu.vector_load_idx %gather3A_1448[%add3A_1442, %broadcast_in_dim3A_1443] : memref<64x128xf32, #tpu.memory_space<vmem>>[vector<16xi32>, vector<16xi32>], vector<16xf32>,
      %mul3A_1450 = arith.constant 16 : i32
      %mul3A_1451 = arith.muli %scan3A_97, %mul3A_1450 : i32
      %add3A_1452 = arith.constant 10 : i32
      %add3A_1453 = arith.addi %mul3A_1451, %add3A_1452 : i32
      %get3A_1454 = arith.index_cast %add3A_1453 : i32 to index
      %get3A_1455 = arith.constant 48 : index
      %get3A_1456 = tpu.vector_load %arg9[%get3A_1454, %get3A_1455] {strides = array<i32>} : memref<512x64xf32, #tpu.memory_space<vmem>>, vector<16xf32>,
      %add3A_1457 = arith.addf %gather3A_1449, %get3A_1456 : vector<16xf32>
      %swap3A_1458 = arith.constant 10 : i32
      %swap3A_1459 = arith.index_cast %swap3A_1458 : i32 to index
      %swap3A_1460 = arith.constant 48 : index
      %swap3A_1461 = tpu.vector_load %arg8[%swap3A_1459, %swap3A_1460] {strides = array<i32>} : memref<16x64xf32, #tpu.memory_space<vmem>>, vector<16xf32>,
      tpu.vector_store %arg8[%swap3A_1459, %swap3A_1460], %add3A_1457 {strides = array<i32>} : memref<16x64xf32, #tpu.memory_space<vmem>>, vector<16xf32>,
      %add3A_1462 = arith.constant 0 : i32
      %add3A_1463 = arith.addi %scan3A_97, %add3A_1462 : i32
      %mul3A_1464 = arith.constant 16 : i32
      %mul3A_1465 = arith.muli %add3A_1463, %mul3A_1464 : i32
      %add3A_1466 = arith.constant 14 : i32
      %add3A_1467 = arith.addi %mul3A_1465, %add3A_1466 : i32
      %lt3A_1468 = arith.constant 512 : i32
      %lt3A_1469 = arith.cmpi slt, %add3A_1467, %lt3A_1468 : i32
      %convert_element_type3A_1470 = arith.extui %lt3A_1469 : i1 to i32
      %cond3A_1471 = arith.constant 0 : i32
      %cond3A_1472 = arith.cmpi ne, %convert_element_type3A_1470, %cond3A_1471 : i32
      scf.if %cond3A_1472 {
        %mul3A_2101 = arith.constant 16 : i32
        %mul3A_2102 = arith.muli %add3A_1463, %mul3A_2101 : i32
        %get3A_2103 = arith.index_cast %mul3A_2102 : i32 to index
        %get3A_2104 = tpu.vector_load %arg6[%get3A_2103] {strides = array<i32>} : memref<512xi32, #tpu.memory_space<vmem>>, vector<16xi32>,
        %slice3A_2105 = vector.extract_strided_slice %get3A_2104 {offsets = [14], sizes = [1], strides = [1]} : vector<16xi32> to vector<1xi32>
        %squeeze3A_2106 = vector.extract %slice3A_2105[0] : i32 from vector<1xi32>
        %shift_right_logical3A_2107 = arith.constant 7 : i32
        %shift_right_logical3A_2108 = arith.shrui %squeeze3A_2106, %shift_right_logical3A_2107 : i32
        %mul3A_2109 = arith.constant 128 : i32
        %mul3A_2110 = arith.muli %shift_right_logical3A_2108, %mul3A_2109 : i32
        %multiple_of3A_2111 = tpu.assume_multiple %mul3A_2110, 128 : i32
        %dma_start3A_2112 = arith.constant 2 : i32
        %dma_start3A_2113 = arith.constant 0 : i32
        %dma_start3A_2114 = arith.constant 0 : i32
        %dma_start3A_2115 = tpu.memref_slice %arg7[%dma_start3A_2112, %dma_start3A_2113, %dma_start3A_2114] : memref<4x64x128xf32, #tpu.memory_space<vmem>> -> memref<1x64x128xf32, #tpu.memory_space<vmem>>
        %dma_start3A_2116 = tpu.memref_squeeze %dma_start3A_2115 : memref<1x64x128xf32, #tpu.memory_space<vmem>> -> memref<64x128xf32, #tpu.memory_space<vmem>>
        %dma_start3A_2117 = arith.constant 0 : i32
        %dma_start3A_2118 = tpu.memref_slice %arg4[%dma_start3A_2117, %multiple_of3A_2111] : memref<64x1000000xf32, #tpu.memory_space<hbm>> -> memref<64x128xf32, #tpu.memory_space<hbm>>
        %dma_start3A_2119 = arith.constant 0 : i32
        %dma_start3A_2120 = arith.constant 0 : i32
        %dma_start3A_2121 = tpu.memref_slice %arg7[%dma_start3A_2112, %dma_start3A_2119, %dma_start3A_2120] : memref<4x64x128xf32, #tpu.memory_space<vmem>> -> memref<1x64x128xf32, #tpu.memory_space<vmem>>
        %dma_start3A_2122 = tpu.memref_squeeze %dma_start3A_2121 : memref<1x64x128xf32, #tpu.memory_space<vmem>> -> memref<64x128xf32, #tpu.memory_space<vmem>>
        %dma_start3A_2123 = arith.constant 0 : i32
        %dma_start3A_2124 = tpu.memref_slice %arg4[%dma_start3A_2123, %multiple_of3A_2111] : memref<64x1000000xf32, #tpu.memory_space<hbm>> -> memref<64x128xf32, #tpu.memory_space<hbm>>
        tpu.enqueue_dma source(%dma_start3A_2124 : memref<64x128xf32, #tpu.memory_space<hbm>>) target(%dma_start3A_2122 : memref<64x128xf32, #tpu.memory_space<vmem>>) target_semaphore(%arg12 : memref<!tpu.dma_semaphore, #tpu.memory_space<semaphore_mem>>)
      } else {
      }
      %mul3A_1473 = arith.constant 16 : i32
      %mul3A_1474 = arith.muli %scan3A_97, %mul3A_1473 : i32
      %get3A_1475 = arith.index_cast %mul3A_1474 : i32 to index
      %get3A_1476 = tpu.vector_load %arg6[%get3A_1475] {strides = array<i32>} : memref<512xi32, #tpu.memory_space<vmem>>, vector<16xi32>,
      %slice3A_1477 = vector.extract_strided_slice %get3A_1476 {offsets = [11], sizes = [1], strides = [1]} : vector<16xi32> to vector<1xi32>
      %squeeze3A_1478 = vector.extract %slice3A_1477[0] : i32 from vector<1xi32>
      %shift_right_logical3A_1479 = arith.constant 7 : i32
      %shift_right_logical3A_1480 = arith.shrui %squeeze3A_1478, %shift_right_logical3A_1479 : i32
      %mul3A_1481 = arith.constant 128 : i32
      %mul3A_1482 = arith.muli %shift_right_logical3A_1480, %mul3A_1481 : i32
      %multiple_of3A_1483 = tpu.assume_multiple %mul3A_1482, 128 : i32
      %dma_wait3A_1484 = arith.constant 3 : i32
      %dma_wait3A_1485 = arith.constant 0 : i32
      %dma_wait3A_1486 = arith.constant 0 : i32
      %dma_wait3A_1487 = tpu.memref_slice %arg7[%dma_wait3A_1484, %dma_wait3A_1485, %dma_wait3A_1486] : memref<4x64x128xf32, #tpu.memory_space<vmem>> -> memref<1x64x128xf32, #tpu.memory_space<vmem>>
      %dma_wait3A_1488 = tpu.memref_squeeze %dma_wait3A_1487 : memref<1x64x128xf32, #tpu.memory_space<vmem>> -> memref<64x128xf32, #tpu.memory_space<vmem>>
      %dma_wait3A_1489 = arith.constant 0 : i32
      %dma_wait3A_1490 = tpu.memref_slice %arg4[%dma_wait3A_1489, %multiple_of3A_1483] : memref<64x1000000xf32, #tpu.memory_space<hbm>> -> memref<64x128xf32, #tpu.memory_space<hbm>>
      %dma_wait3A_1491 = arith.constant 0 : i32
      %dma_wait3A_1492 = arith.constant 0 : i32
      %dma_wait3A_1493 = tpu.memref_slice %arg7[%dma_wait3A_1484, %dma_wait3A_1491, %dma_wait3A_1492] : memref<4x64x128xf32, #tpu.memory_space<vmem>> -> memref<1x64x128xf32, #tpu.memory_space<vmem>>
      %dma_wait3A_1494 = tpu.memref_squeeze %dma_wait3A_1493 : memref<1x64x128xf32, #tpu.memory_space<vmem>> -> memref<64x128xf32, #tpu.memory_space<vmem>>
      %dma_wait3A_1495 = arith.constant 0 : i32
      %dma_wait3A_1496 = tpu.memref_slice %arg4[%dma_wait3A_1495, %multiple_of3A_1483] : memref<64x1000000xf32, #tpu.memory_space<hbm>> -> memref<64x128xf32, #tpu.memory_space<hbm>>
      tpu.wait_dma2 semaphore(%arg13 : memref<!tpu.dma_semaphore, #tpu.memory_space<semaphore_mem>>) src(%dma_wait3A_1496 : memref<64x128xf32, #tpu.memory_space<hbm>>) dst(%dma_wait3A_1494 : memref<64x128xf32, #tpu.memory_space<vmem>>)
      %slice3A_1497 = vector.extract_strided_slice %and3A_103 {offsets = [11], sizes = [1], strides = [1]} : vector<16xi32> to vector<1xi32>
      %squeeze3A_1498 = vector.extract %slice3A_1497[0] : i32 from vector<1xi32>
      %add3A_1499 = arith.constant 0 : i32
      %add3A_1500 = vector.broadcast %add3A_1499 : i32 to vector<16xi32>
      %add3A_1501 = arith.addi %iota3A, %add3A_1500 : vector<16xi32>
      %broadcast_in_dim3A_1502 = vector.broadcast %squeeze3A_1498 : i32 to vector<16xi32>
      %gather3A_1503 = arith.constant 3 : i32
      %gather3A_1504 = arith.constant 0 : i32
      %gather3A_1505 = arith.constant 0 : i32
      %gather3A_1506 = tpu.memref_slice %arg7[%gather3A_1503, %gather3A_1504, %gather3A_1505] : memref<4x64x128xf32, #tpu.memory_space<vmem>> -> memref<1x64x128xf32, #tpu.memory_space<vmem>>
      %gather3A_1507 = tpu.memref_squeeze %gather3A_1506 : memref<1x64x128xf32, #tpu.memory_space<vmem>> -> memref<64x128xf32, #tpu.memory_space<vmem>>
      %gather3A_1508 = tpu.vector_load_idx %gather3A_1507[%add3A_1501, %broadcast_in_dim3A_1502] : memref<64x128xf32, #tpu.memory_space<vmem>>[vector<16xi32>, vector<16xi32>], vector<16xf32>,
      %mul3A_1509 = arith.constant 16 : i32
      %mul3A_1510 = arith.muli %scan3A_97, %mul3A_1509 : i32
      %add3A_1511 = arith.constant 11 : i32
      %add3A_1512 = arith.addi %mul3A_1510, %add3A_1511 : i32
      %get3A_1513 = arith.index_cast %add3A_1512 : i32 to index
      %get3A_1514 = arith.constant 0 : index
      %get3A_1515 = tpu.vector_load %arg9[%get3A_1513, %get3A_1514] {strides = array<i32>} : memref<512x64xf32, #tpu.memory_space<vmem>>, vector<16xf32>,
      %add3A_1516 = arith.addf %gather3A_1508, %get3A_1515 : vector<16xf32>
      %swap3A_1517 = arith.constant 11 : i32
      %swap3A_1518 = arith.index_cast %swap3A_1517 : i32 to index
      %swap3A_1519 = arith.constant 0 : index
      %swap3A_1520 = tpu.vector_load %arg8[%swap3A_1518, %swap3A_1519] {strides = array<i32>} : memref<16x64xf32, #tpu.memory_space<vmem>>, vector<16xf32>,
      tpu.vector_store %arg8[%swap3A_1518, %swap3A_1519], %add3A_1516 {strides = array<i32>} : memref<16x64xf32, #tpu.memory_space<vmem>>, vector<16xf32>,
      %add3A_1521 = arith.constant 16 : i32
      %add3A_1522 = vector.broadcast %add3A_1521 : i32 to vector<16xi32>
      %add3A_1523 = arith.addi %iota3A, %add3A_1522 : vector<16xi32>
      %broadcast_in_dim3A_1524 = vector.broadcast %squeeze3A_1498 : i32 to vector<16xi32>
      %gather3A_1525 = arith.constant 3 : i32
      %gather3A_1526 = arith.constant 0 : i32
      %gather3A_1527 = arith.constant 0 : i32
      %gather3A_1528 = tpu.memref_slice %arg7[%gather3A_1525, %gather3A_1526, %gather3A_1527] : memref<4x64x128xf32, #tpu.memory_space<vmem>> -> memref<1x64x128xf32, #tpu.memory_space<vmem>>
      %gather3A_1529 = tpu.memref_squeeze %gather3A_1528 : memref<1x64x128xf32, #tpu.memory_space<vmem>> -> memref<64x128xf32, #tpu.memory_space<vmem>>
      %gather3A_1530 = tpu.vector_load_idx %gather3A_1529[%add3A_1523, %broadcast_in_dim3A_1524] : memref<64x128xf32, #tpu.memory_space<vmem>>[vector<16xi32>, vector<16xi32>], vector<16xf32>,
      %mul3A_1531 = arith.constant 16 : i32
      %mul3A_1532 = arith.muli %scan3A_97, %mul3A_1531 : i32
      %add3A_1533 = arith.constant 11 : i32
      %add3A_1534 = arith.addi %mul3A_1532, %add3A_1533 : i32
      %get3A_1535 = arith.index_cast %add3A_1534 : i32 to index
      %get3A_1536 = arith.constant 16 : index
      %get3A_1537 = tpu.vector_load %arg9[%get3A_1535, %get3A_1536] {strides = array<i32>} : memref<512x64xf32, #tpu.memory_space<vmem>>, vector<16xf32>,
      %add3A_1538 = arith.addf %gather3A_1530, %get3A_1537 : vector<16xf32>
      %swap3A_1539 = arith.constant 11 : i32
      %swap3A_1540 = arith.index_cast %swap3A_1539 : i32 to index
      %swap3A_1541 = arith.constant 16 : index
      %swap3A_1542 = tpu.vector_load %arg8[%swap3A_1540, %swap3A_1541] {strides = array<i32>} : memref<16x64xf32, #tpu.memory_space<vmem>>, vector<16xf32>,
      tpu.vector_store %arg8[%swap3A_1540, %swap3A_1541], %add3A_1538 {strides = array<i32>} : memref<16x64xf32, #tpu.memory_space<vmem>>, vector<16xf32>,
      %add3A_1543 = arith.constant 32 : i32
      %add3A_1544 = vector.broadcast %add3A_1543 : i32 to vector<16xi32>
      %add3A_1545 = arith.addi %iota3A, %add3A_1544 : vector<16xi32>
      %broadcast_in_dim3A_1546 = vector.broadcast %squeeze3A_1498 : i32 to vector<16xi32>
      %gather3A_1547 = arith.constant 3 : i32
      %gather3A_1548 = arith.constant 0 : i32
      %gather3A_1549 = arith.constant 0 : i32
      %gather3A_1550 = tpu.memref_slice %arg7[%gather3A_1547, %gather3A_1548, %gather3A_1549] : memref<4x64x128xf32, #tpu.memory_space<vmem>> -> memref<1x64x128xf32, #tpu.memory_space<vmem>>
      %gather3A_1551 = tpu.memref_squeeze %gather3A_1550 : memref<1x64x128xf32, #tpu.memory_space<vmem>> -> memref<64x128xf32, #tpu.memory_space<vmem>>
      %gather3A_1552 = tpu.vector_load_idx %gather3A_1551[%add3A_1545, %broadcast_in_dim3A_1546] : memref<64x128xf32, #tpu.memory_space<vmem>>[vector<16xi32>, vector<16xi32>], vector<16xf32>,
      %mul3A_1553 = arith.constant 16 : i32
      %mul3A_1554 = arith.muli %scan3A_97, %mul3A_1553 : i32
      %add3A_1555 = arith.constant 11 : i32
      %add3A_1556 = arith.addi %mul3A_1554, %add3A_1555 : i32
      %get3A_1557 = arith.index_cast %add3A_1556 : i32 to index
      %get3A_1558 = arith.constant 32 : index
      %get3A_1559 = tpu.vector_load %arg9[%get3A_1557, %get3A_1558] {strides = array<i32>} : memref<512x64xf32, #tpu.memory_space<vmem>>, vector<16xf32>,
      %add3A_1560 = arith.addf %gather3A_1552, %get3A_1559 : vector<16xf32>
      %swap3A_1561 = arith.constant 11 : i32
      %swap3A_1562 = arith.index_cast %swap3A_1561 : i32 to index
      %swap3A_1563 = arith.constant 32 : index
      %swap3A_1564 = tpu.vector_load %arg8[%swap3A_1562, %swap3A_1563] {strides = array<i32>} : memref<16x64xf32, #tpu.memory_space<vmem>>, vector<16xf32>,
      tpu.vector_store %arg8[%swap3A_1562, %swap3A_1563], %add3A_1560 {strides = array<i32>} : memref<16x64xf32, #tpu.memory_space<vmem>>, vector<16xf32>,
      %add3A_1565 = arith.constant 48 : i32
      %add3A_1566 = vector.broadcast %add3A_1565 : i32 to vector<16xi32>
      %add3A_1567 = arith.addi %iota3A, %add3A_1566 : vector<16xi32>
      %broadcast_in_dim3A_1568 = vector.broadcast %squeeze3A_1498 : i32 to vector<16xi32>
      %gather3A_1569 = arith.constant 3 : i32
      %gather3A_1570 = arith.constant 0 : i32
      %gather3A_1571 = arith.constant 0 : i32
      %gather3A_1572 = tpu.memref_slice %arg7[%gather3A_1569, %gather3A_1570, %gather3A_1571] : memref<4x64x128xf32, #tpu.memory_space<vmem>> -> memref<1x64x128xf32, #tpu.memory_space<vmem>>
      %gather3A_1573 = tpu.memref_squeeze %gather3A_1572 : memref<1x64x128xf32, #tpu.memory_space<vmem>> -> memref<64x128xf32, #tpu.memory_space<vmem>>
      %gather3A_1574 = tpu.vector_load_idx %gather3A_1573[%add3A_1567, %broadcast_in_dim3A_1568] : memref<64x128xf32, #tpu.memory_space<vmem>>[vector<16xi32>, vector<16xi32>], vector<16xf32>,
      %mul3A_1575 = arith.constant 16 : i32
      %mul3A_1576 = arith.muli %scan3A_97, %mul3A_1575 : i32
      %add3A_1577 = arith.constant 11 : i32
      %add3A_1578 = arith.addi %mul3A_1576, %add3A_1577 : i32
      %get3A_1579 = arith.index_cast %add3A_1578 : i32 to index
      %get3A_1580 = arith.constant 48 : index
      %get3A_1581 = tpu.vector_load %arg9[%get3A_1579, %get3A_1580] {strides = array<i32>} : memref<512x64xf32, #tpu.memory_space<vmem>>, vector<16xf32>,
      %add3A_1582 = arith.addf %gather3A_1574, %get3A_1581 : vector<16xf32>
      %swap3A_1583 = arith.constant 11 : i32
      %swap3A_1584 = arith.index_cast %swap3A_1583 : i32 to index
      %swap3A_1585 = arith.constant 48 : index
      %swap3A_1586 = tpu.vector_load %arg8[%swap3A_1584, %swap3A_1585] {strides = array<i32>} : memref<16x64xf32, #tpu.memory_space<vmem>>, vector<16xf32>,
      tpu.vector_store %arg8[%swap3A_1584, %swap3A_1585], %add3A_1582 {strides = array<i32>} : memref<16x64xf32, #tpu.memory_space<vmem>>, vector<16xf32>,
      %add3A_1587 = arith.constant 0 : i32
      %add3A_1588 = arith.addi %scan3A_97, %add3A_1587 : i32
      %mul3A_1589 = arith.constant 16 : i32
      %mul3A_1590 = arith.muli %add3A_1588, %mul3A_1589 : i32
      %add3A_1591 = arith.constant 15 : i32
      %add3A_1592 = arith.addi %mul3A_1590, %add3A_1591 : i32
      %lt3A_1593 = arith.constant 512 : i32
      %lt3A_1594 = arith.cmpi slt, %add3A_1592, %lt3A_1593 : i32
      %convert_element_type3A_1595 = arith.extui %lt3A_1594 : i1 to i32
      %cond3A_1596 = arith.constant 0 : i32
      %cond3A_1597 = arith.cmpi ne, %convert_element_type3A_1595, %cond3A_1596 : i32
      scf.if %cond3A_1597 {
        %mul3A_2101 = arith.constant 16 : i32
        %mul3A_2102 = arith.muli %add3A_1588, %mul3A_2101 : i32
        %get3A_2103 = arith.index_cast %mul3A_2102 : i32 to index
        %get3A_2104 = tpu.vector_load %arg6[%get3A_2103] {strides = array<i32>} : memref<512xi32, #tpu.memory_space<vmem>>, vector<16xi32>,
        %slice3A_2105 = vector.extract_strided_slice %get3A_2104 {offsets = [15], sizes = [1], strides = [1]} : vector<16xi32> to vector<1xi32>
        %squeeze3A_2106 = vector.extract %slice3A_2105[0] : i32 from vector<1xi32>
        %shift_right_logical3A_2107 = arith.constant 7 : i32
        %shift_right_logical3A_2108 = arith.shrui %squeeze3A_2106, %shift_right_logical3A_2107 : i32
        %mul3A_2109 = arith.constant 128 : i32
        %mul3A_2110 = arith.muli %shift_right_logical3A_2108, %mul3A_2109 : i32
        %multiple_of3A_2111 = tpu.assume_multiple %mul3A_2110, 128 : i32
        %dma_start3A_2112 = arith.constant 3 : i32
        %dma_start3A_2113 = arith.constant 0 : i32
        %dma_start3A_2114 = arith.constant 0 : i32
        %dma_start3A_2115 = tpu.memref_slice %arg7[%dma_start3A_2112, %dma_start3A_2113, %dma_start3A_2114] : memref<4x64x128xf32, #tpu.memory_space<vmem>> -> memref<1x64x128xf32, #tpu.memory_space<vmem>>
        %dma_start3A_2116 = tpu.memref_squeeze %dma_start3A_2115 : memref<1x64x128xf32, #tpu.memory_space<vmem>> -> memref<64x128xf32, #tpu.memory_space<vmem>>
        %dma_start3A_2117 = arith.constant 0 : i32
        %dma_start3A_2118 = tpu.memref_slice %arg4[%dma_start3A_2117, %multiple_of3A_2111] : memref<64x1000000xf32, #tpu.memory_space<hbm>> -> memref<64x128xf32, #tpu.memory_space<hbm>>
        %dma_start3A_2119 = arith.constant 0 : i32
        %dma_start3A_2120 = arith.constant 0 : i32
        %dma_start3A_2121 = tpu.memref_slice %arg7[%dma_start3A_2112, %dma_start3A_2119, %dma_start3A_2120] : memref<4x64x128xf32, #tpu.memory_space<vmem>> -> memref<1x64x128xf32, #tpu.memory_space<vmem>>
        %dma_start3A_2122 = tpu.memref_squeeze %dma_start3A_2121 : memref<1x64x128xf32, #tpu.memory_space<vmem>> -> memref<64x128xf32, #tpu.memory_space<vmem>>
        %dma_start3A_2123 = arith.constant 0 : i32
        %dma_start3A_2124 = tpu.memref_slice %arg4[%dma_start3A_2123, %multiple_of3A_2111] : memref<64x1000000xf32, #tpu.memory_space<hbm>> -> memref<64x128xf32, #tpu.memory_space<hbm>>
        tpu.enqueue_dma source(%dma_start3A_2124 : memref<64x128xf32, #tpu.memory_space<hbm>>) target(%dma_start3A_2122 : memref<64x128xf32, #tpu.memory_space<vmem>>) target_semaphore(%arg13 : memref<!tpu.dma_semaphore, #tpu.memory_space<semaphore_mem>>)
      } else {
      }
      %mul3A_1598 = arith.constant 16 : i32
      %mul3A_1599 = arith.muli %scan3A_97, %mul3A_1598 : i32
      %get3A_1600 = arith.index_cast %mul3A_1599 : i32 to index
      %get3A_1601 = tpu.vector_load %arg6[%get3A_1600] {strides = array<i32>} : memref<512xi32, #tpu.memory_space<vmem>>, vector<16xi32>,
      %slice3A_1602 = vector.extract_strided_slice %get3A_1601 {offsets = [12], sizes = [1], strides = [1]} : vector<16xi32> to vector<1xi32>
      %squeeze3A_1603 = vector.extract %slice3A_1602[0] : i32 from vector<1xi32>
      %shift_right_logical3A_1604 = arith.constant 7 : i32
      %shift_right_logical3A_1605 = arith.shrui %squeeze3A_1603, %shift_right_logical3A_1604 : i32
      %mul3A_1606 = arith.constant 128 : i32
      %mul3A_1607 = arith.muli %shift_right_logical3A_1605, %mul3A_1606 : i32
      %multiple_of3A_1608 = tpu.assume_multiple %mul3A_1607, 128 : i32
      %dma_wait3A_1609 = arith.constant 0 : i32
      %dma_wait3A_1610 = arith.constant 0 : i32
      %dma_wait3A_1611 = arith.constant 0 : i32
      %dma_wait3A_1612 = tpu.memref_slice %arg7[%dma_wait3A_1609, %dma_wait3A_1610, %dma_wait3A_1611] : memref<4x64x128xf32, #tpu.memory_space<vmem>> -> memref<1x64x128xf32, #tpu.memory_space<vmem>>
      %dma_wait3A_1613 = tpu.memref_squeeze %dma_wait3A_1612 : memref<1x64x128xf32, #tpu.memory_space<vmem>> -> memref<64x128xf32, #tpu.memory_space<vmem>>
      %dma_wait3A_1614 = arith.constant 0 : i32
      %dma_wait3A_1615 = tpu.memref_slice %arg4[%dma_wait3A_1614, %multiple_of3A_1608] : memref<64x1000000xf32, #tpu.memory_space<hbm>> -> memref<64x128xf32, #tpu.memory_space<hbm>>
      %dma_wait3A_1616 = arith.constant 0 : i32
      %dma_wait3A_1617 = arith.constant 0 : i32
      %dma_wait3A_1618 = tpu.memref_slice %arg7[%dma_wait3A_1609, %dma_wait3A_1616, %dma_wait3A_1617] : memref<4x64x128xf32, #tpu.memory_space<vmem>> -> memref<1x64x128xf32, #tpu.memory_space<vmem>>
      %dma_wait3A_1619 = tpu.memref_squeeze %dma_wait3A_1618 : memref<1x64x128xf32, #tpu.memory_space<vmem>> -> memref<64x128xf32, #tpu.memory_space<vmem>>
      %dma_wait3A_1620 = arith.constant 0 : i32
      %dma_wait3A_1621 = tpu.memref_slice %arg4[%dma_wait3A_1620, %multiple_of3A_1608] : memref<64x1000000xf32, #tpu.memory_space<hbm>> -> memref<64x128xf32, #tpu.memory_space<hbm>>
      tpu.wait_dma2 semaphore(%arg10 : memref<!tpu.dma_semaphore, #tpu.memory_space<semaphore_mem>>) src(%dma_wait3A_1621 : memref<64x128xf32, #tpu.memory_space<hbm>>) dst(%dma_wait3A_1619 : memref<64x128xf32, #tpu.memory_space<vmem>>)
      %slice3A_1622 = vector.extract_strided_slice %and3A_103 {offsets = [12], sizes = [1], strides = [1]} : vector<16xi32> to vector<1xi32>
      %squeeze3A_1623 = vector.extract %slice3A_1622[0] : i32 from vector<1xi32>
      %add3A_1624 = arith.constant 0 : i32
      %add3A_1625 = vector.broadcast %add3A_1624 : i32 to vector<16xi32>
      %add3A_1626 = arith.addi %iota3A, %add3A_1625 : vector<16xi32>
      %broadcast_in_dim3A_1627 = vector.broadcast %squeeze3A_1623 : i32 to vector<16xi32>
      %gather3A_1628 = arith.constant 0 : i32
      %gather3A_1629 = arith.constant 0 : i32
      %gather3A_1630 = arith.constant 0 : i32
      %gather3A_1631 = tpu.memref_slice %arg7[%gather3A_1628, %gather3A_1629, %gather3A_1630] : memref<4x64x128xf32, #tpu.memory_space<vmem>> -> memref<1x64x128xf32, #tpu.memory_space<vmem>>
      %gather3A_1632 = tpu.memref_squeeze %gather3A_1631 : memref<1x64x128xf32, #tpu.memory_space<vmem>> -> memref<64x128xf32, #tpu.memory_space<vmem>>
      %gather3A_1633 = tpu.vector_load_idx %gather3A_1632[%add3A_1626, %broadcast_in_dim3A_1627] : memref<64x128xf32, #tpu.memory_space<vmem>>[vector<16xi32>, vector<16xi32>], vector<16xf32>,
      %mul3A_1634 = arith.constant 16 : i32
      %mul3A_1635 = arith.muli %scan3A_97, %mul3A_1634 : i32
      %add3A_1636 = arith.constant 12 : i32
      %add3A_1637 = arith.addi %mul3A_1635, %add3A_1636 : i32
      %get3A_1638 = arith.index_cast %add3A_1637 : i32 to index
      %get3A_1639 = arith.constant 0 : index
      %get3A_1640 = tpu.vector_load %arg9[%get3A_1638, %get3A_1639] {strides = array<i32>} : memref<512x64xf32, #tpu.memory_space<vmem>>, vector<16xf32>,
      %add3A_1641 = arith.addf %gather3A_1633, %get3A_1640 : vector<16xf32>
      %swap3A_1642 = arith.constant 12 : i32
      %swap3A_1643 = arith.index_cast %swap3A_1642 : i32 to index
      %swap3A_1644 = arith.constant 0 : index
      %swap3A_1645 = tpu.vector_load %arg8[%swap3A_1643, %swap3A_1644] {strides = array<i32>} : memref<16x64xf32, #tpu.memory_space<vmem>>, vector<16xf32>,
      tpu.vector_store %arg8[%swap3A_1643, %swap3A_1644], %add3A_1641 {strides = array<i32>} : memref<16x64xf32, #tpu.memory_space<vmem>>, vector<16xf32>,
      %add3A_1646 = arith.constant 16 : i32
      %add3A_1647 = vector.broadcast %add3A_1646 : i32 to vector<16xi32>
      %add3A_1648 = arith.addi %iota3A, %add3A_1647 : vector<16xi32>
      %broadcast_in_dim3A_1649 = vector.broadcast %squeeze3A_1623 : i32 to vector<16xi32>
      %gather3A_1650 = arith.constant 0 : i32
      %gather3A_1651 = arith.constant 0 : i32
      %gather3A_1652 = arith.constant 0 : i32
      %gather3A_1653 = tpu.memref_slice %arg7[%gather3A_1650, %gather3A_1651, %gather3A_1652] : memref<4x64x128xf32, #tpu.memory_space<vmem>> -> memref<1x64x128xf32, #tpu.memory_space<vmem>>
      %gather3A_1654 = tpu.memref_squeeze %gather3A_1653 : memref<1x64x128xf32, #tpu.memory_space<vmem>> -> memref<64x128xf32, #tpu.memory_space<vmem>>
      %gather3A_1655 = tpu.vector_load_idx %gather3A_1654[%add3A_1648, %broadcast_in_dim3A_1649] : memref<64x128xf32, #tpu.memory_space<vmem>>[vector<16xi32>, vector<16xi32>], vector<16xf32>,
      %mul3A_1656 = arith.constant 16 : i32
      %mul3A_1657 = arith.muli %scan3A_97, %mul3A_1656 : i32
      %add3A_1658 = arith.constant 12 : i32
      %add3A_1659 = arith.addi %mul3A_1657, %add3A_1658 : i32
      %get3A_1660 = arith.index_cast %add3A_1659 : i32 to index
      %get3A_1661 = arith.constant 16 : index
      %get3A_1662 = tpu.vector_load %arg9[%get3A_1660, %get3A_1661] {strides = array<i32>} : memref<512x64xf32, #tpu.memory_space<vmem>>, vector<16xf32>,
      %add3A_1663 = arith.addf %gather3A_1655, %get3A_1662 : vector<16xf32>
      %swap3A_1664 = arith.constant 12 : i32
      %swap3A_1665 = arith.index_cast %swap3A_1664 : i32 to index
      %swap3A_1666 = arith.constant 16 : index
      %swap3A_1667 = tpu.vector_load %arg8[%swap3A_1665, %swap3A_1666] {strides = array<i32>} : memref<16x64xf32, #tpu.memory_space<vmem>>, vector<16xf32>,
      tpu.vector_store %arg8[%swap3A_1665, %swap3A_1666], %add3A_1663 {strides = array<i32>} : memref<16x64xf32, #tpu.memory_space<vmem>>, vector<16xf32>,
      %add3A_1668 = arith.constant 32 : i32
      %add3A_1669 = vector.broadcast %add3A_1668 : i32 to vector<16xi32>
      %add3A_1670 = arith.addi %iota3A, %add3A_1669 : vector<16xi32>
      %broadcast_in_dim3A_1671 = vector.broadcast %squeeze3A_1623 : i32 to vector<16xi32>
      %gather3A_1672 = arith.constant 0 : i32
      %gather3A_1673 = arith.constant 0 : i32
      %gather3A_1674 = arith.constant 0 : i32
      %gather3A_1675 = tpu.memref_slice %arg7[%gather3A_1672, %gather3A_1673, %gather3A_1674] : memref<4x64x128xf32, #tpu.memory_space<vmem>> -> memref<1x64x128xf32, #tpu.memory_space<vmem>>
      %gather3A_1676 = tpu.memref_squeeze %gather3A_1675 : memref<1x64x128xf32, #tpu.memory_space<vmem>> -> memref<64x128xf32, #tpu.memory_space<vmem>>
      %gather3A_1677 = tpu.vector_load_idx %gather3A_1676[%add3A_1670, %broadcast_in_dim3A_1671] : memref<64x128xf32, #tpu.memory_space<vmem>>[vector<16xi32>, vector<16xi32>], vector<16xf32>,
      %mul3A_1678 = arith.constant 16 : i32
      %mul3A_1679 = arith.muli %scan3A_97, %mul3A_1678 : i32
      %add3A_1680 = arith.constant 12 : i32
      %add3A_1681 = arith.addi %mul3A_1679, %add3A_1680 : i32
      %get3A_1682 = arith.index_cast %add3A_1681 : i32 to index
      %get3A_1683 = arith.constant 32 : index
      %get3A_1684 = tpu.vector_load %arg9[%get3A_1682, %get3A_1683] {strides = array<i32>} : memref<512x64xf32, #tpu.memory_space<vmem>>, vector<16xf32>,
      %add3A_1685 = arith.addf %gather3A_1677, %get3A_1684 : vector<16xf32>
      %swap3A_1686 = arith.constant 12 : i32
      %swap3A_1687 = arith.index_cast %swap3A_1686 : i32 to index
      %swap3A_1688 = arith.constant 32 : index
      %swap3A_1689 = tpu.vector_load %arg8[%swap3A_1687, %swap3A_1688] {strides = array<i32>} : memref<16x64xf32, #tpu.memory_space<vmem>>, vector<16xf32>,
      tpu.vector_store %arg8[%swap3A_1687, %swap3A_1688], %add3A_1685 {strides = array<i32>} : memref<16x64xf32, #tpu.memory_space<vmem>>, vector<16xf32>,
      %add3A_1690 = arith.constant 48 : i32
      %add3A_1691 = vector.broadcast %add3A_1690 : i32 to vector<16xi32>
      %add3A_1692 = arith.addi %iota3A, %add3A_1691 : vector<16xi32>
      %broadcast_in_dim3A_1693 = vector.broadcast %squeeze3A_1623 : i32 to vector<16xi32>
      %gather3A_1694 = arith.constant 0 : i32
      %gather3A_1695 = arith.constant 0 : i32
      %gather3A_1696 = arith.constant 0 : i32
      %gather3A_1697 = tpu.memref_slice %arg7[%gather3A_1694, %gather3A_1695, %gather3A_1696] : memref<4x64x128xf32, #tpu.memory_space<vmem>> -> memref<1x64x128xf32, #tpu.memory_space<vmem>>
      %gather3A_1698 = tpu.memref_squeeze %gather3A_1697 : memref<1x64x128xf32, #tpu.memory_space<vmem>> -> memref<64x128xf32, #tpu.memory_space<vmem>>
      %gather3A_1699 = tpu.vector_load_idx %gather3A_1698[%add3A_1692, %broadcast_in_dim3A_1693] : memref<64x128xf32, #tpu.memory_space<vmem>>[vector<16xi32>, vector<16xi32>], vector<16xf32>,
      %mul3A_1700 = arith.constant 16 : i32
      %mul3A_1701 = arith.muli %scan3A_97, %mul3A_1700 : i32
      %add3A_1702 = arith.constant 12 : i32
      %add3A_1703 = arith.addi %mul3A_1701, %add3A_1702 : i32
      %get3A_1704 = arith.index_cast %add3A_1703 : i32 to index
      %get3A_1705 = arith.constant 48 : index
      %get3A_1706 = tpu.vector_load %arg9[%get3A_1704, %get3A_1705] {strides = array<i32>} : memref<512x64xf32, #tpu.memory_space<vmem>>, vector<16xf32>,
      %add3A_1707 = arith.addf %gather3A_1699, %get3A_1706 : vector<16xf32>
      %swap3A_1708 = arith.constant 12 : i32
      %swap3A_1709 = arith.index_cast %swap3A_1708 : i32 to index
      %swap3A_1710 = arith.constant 48 : index
      %swap3A_1711 = tpu.vector_load %arg8[%swap3A_1709, %swap3A_1710] {strides = array<i32>} : memref<16x64xf32, #tpu.memory_space<vmem>>, vector<16xf32>,
      tpu.vector_store %arg8[%swap3A_1709, %swap3A_1710], %add3A_1707 {strides = array<i32>} : memref<16x64xf32, #tpu.memory_space<vmem>>, vector<16xf32>,
      %add3A_1712 = arith.constant 1 : i32
      %add3A_1713 = arith.addi %scan3A_97, %add3A_1712 : i32
      %mul3A_1714 = arith.constant 16 : i32
      %mul3A_1715 = arith.muli %add3A_1713, %mul3A_1714 : i32
      %add3A_1716 = arith.constant 0 : i32
      %add3A_1717 = arith.addi %mul3A_1715, %add3A_1716 : i32
      %lt3A_1718 = arith.constant 512 : i32
      %lt3A_1719 = arith.cmpi slt, %add3A_1717, %lt3A_1718 : i32
      %convert_element_type3A_1720 = arith.extui %lt3A_1719 : i1 to i32
      %cond3A_1721 = arith.constant 0 : i32
      %cond3A_1722 = arith.cmpi ne, %convert_element_type3A_1720, %cond3A_1721 : i32
      scf.if %cond3A_1722 {
        %mul3A_2101 = arith.constant 16 : i32
        %mul3A_2102 = arith.muli %add3A_1713, %mul3A_2101 : i32
        %get3A_2103 = arith.index_cast %mul3A_2102 : i32 to index
        %get3A_2104 = tpu.vector_load %arg6[%get3A_2103] {strides = array<i32>} : memref<512xi32, #tpu.memory_space<vmem>>, vector<16xi32>,
        %slice3A_2105 = vector.extract_strided_slice %get3A_2104 {offsets = [0], sizes = [1], strides = [1]} : vector<16xi32> to vector<1xi32>
        %squeeze3A_2106 = vector.extract %slice3A_2105[0] : i32 from vector<1xi32>
        %shift_right_logical3A_2107 = arith.constant 7 : i32
        %shift_right_logical3A_2108 = arith.shrui %squeeze3A_2106, %shift_right_logical3A_2107 : i32
        %mul3A_2109 = arith.constant 128 : i32
        %mul3A_2110 = arith.muli %shift_right_logical3A_2108, %mul3A_2109 : i32
        %multiple_of3A_2111 = tpu.assume_multiple %mul3A_2110, 128 : i32
        %dma_start3A_2112 = arith.constant 0 : i32
        %dma_start3A_2113 = arith.constant 0 : i32
        %dma_start3A_2114 = arith.constant 0 : i32
        %dma_start3A_2115 = tpu.memref_slice %arg7[%dma_start3A_2112, %dma_start3A_2113, %dma_start3A_2114] : memref<4x64x128xf32, #tpu.memory_space<vmem>> -> memref<1x64x128xf32, #tpu.memory_space<vmem>>
        %dma_start3A_2116 = tpu.memref_squeeze %dma_start3A_2115 : memref<1x64x128xf32, #tpu.memory_space<vmem>> -> memref<64x128xf32, #tpu.memory_space<vmem>>
        %dma_start3A_2117 = arith.constant 0 : i32
        %dma_start3A_2118 = tpu.memref_slice %arg4[%dma_start3A_2117, %multiple_of3A_2111] : memref<64x1000000xf32, #tpu.memory_space<hbm>> -> memref<64x128xf32, #tpu.memory_space<hbm>>
        %dma_start3A_2119 = arith.constant 0 : i32
        %dma_start3A_2120 = arith.constant 0 : i32
        %dma_start3A_2121 = tpu.memref_slice %arg7[%dma_start3A_2112, %dma_start3A_2119, %dma_start3A_2120] : memref<4x64x128xf32, #tpu.memory_space<vmem>> -> memref<1x64x128xf32, #tpu.memory_space<vmem>>
        %dma_start3A_2122 = tpu.memref_squeeze %dma_start3A_2121 : memref<1x64x128xf32, #tpu.memory_space<vmem>> -> memref<64x128xf32, #tpu.memory_space<vmem>>
        %dma_start3A_2123 = arith.constant 0 : i32
        %dma_start3A_2124 = tpu.memref_slice %arg4[%dma_start3A_2123, %multiple_of3A_2111] : memref<64x1000000xf32, #tpu.memory_space<hbm>> -> memref<64x128xf32, #tpu.memory_space<hbm>>
        tpu.enqueue_dma source(%dma_start3A_2124 : memref<64x128xf32, #tpu.memory_space<hbm>>) target(%dma_start3A_2122 : memref<64x128xf32, #tpu.memory_space<vmem>>) target_semaphore(%arg10 : memref<!tpu.dma_semaphore, #tpu.memory_space<semaphore_mem>>)
      } else {
      }
      %mul3A_1723 = arith.constant 16 : i32
      %mul3A_1724 = arith.muli %scan3A_97, %mul3A_1723 : i32
      %get3A_1725 = arith.index_cast %mul3A_1724 : i32 to index
      %get3A_1726 = tpu.vector_load %arg6[%get3A_1725] {strides = array<i32>} : memref<512xi32, #tpu.memory_space<vmem>>, vector<16xi32>,
      %slice3A_1727 = vector.extract_strided_slice %get3A_1726 {offsets = [13], sizes = [1], strides = [1]} : vector<16xi32> to vector<1xi32>
      %squeeze3A_1728 = vector.extract %slice3A_1727[0] : i32 from vector<1xi32>
      %shift_right_logical3A_1729 = arith.constant 7 : i32
      %shift_right_logical3A_1730 = arith.shrui %squeeze3A_1728, %shift_right_logical3A_1729 : i32
      %mul3A_1731 = arith.constant 128 : i32
      %mul3A_1732 = arith.muli %shift_right_logical3A_1730, %mul3A_1731 : i32
      %multiple_of3A_1733 = tpu.assume_multiple %mul3A_1732, 128 : i32
      %dma_wait3A_1734 = arith.constant 1 : i32
      %dma_wait3A_1735 = arith.constant 0 : i32
      %dma_wait3A_1736 = arith.constant 0 : i32
      %dma_wait3A_1737 = tpu.memref_slice %arg7[%dma_wait3A_1734, %dma_wait3A_1735, %dma_wait3A_1736] : memref<4x64x128xf32, #tpu.memory_space<vmem>> -> memref<1x64x128xf32, #tpu.memory_space<vmem>>
      %dma_wait3A_1738 = tpu.memref_squeeze %dma_wait3A_1737 : memref<1x64x128xf32, #tpu.memory_space<vmem>> -> memref<64x128xf32, #tpu.memory_space<vmem>>
      %dma_wait3A_1739 = arith.constant 0 : i32
      %dma_wait3A_1740 = tpu.memref_slice %arg4[%dma_wait3A_1739, %multiple_of3A_1733] : memref<64x1000000xf32, #tpu.memory_space<hbm>> -> memref<64x128xf32, #tpu.memory_space<hbm>>
      %dma_wait3A_1741 = arith.constant 0 : i32
      %dma_wait3A_1742 = arith.constant 0 : i32
      %dma_wait3A_1743 = tpu.memref_slice %arg7[%dma_wait3A_1734, %dma_wait3A_1741, %dma_wait3A_1742] : memref<4x64x128xf32, #tpu.memory_space<vmem>> -> memref<1x64x128xf32, #tpu.memory_space<vmem>>
      %dma_wait3A_1744 = tpu.memref_squeeze %dma_wait3A_1743 : memref<1x64x128xf32, #tpu.memory_space<vmem>> -> memref<64x128xf32, #tpu.memory_space<vmem>>
      %dma_wait3A_1745 = arith.constant 0 : i32
      %dma_wait3A_1746 = tpu.memref_slice %arg4[%dma_wait3A_1745, %multiple_of3A_1733] : memref<64x1000000xf32, #tpu.memory_space<hbm>> -> memref<64x128xf32, #tpu.memory_space<hbm>>
      tpu.wait_dma2 semaphore(%arg11 : memref<!tpu.dma_semaphore, #tpu.memory_space<semaphore_mem>>) src(%dma_wait3A_1746 : memref<64x128xf32, #tpu.memory_space<hbm>>) dst(%dma_wait3A_1744 : memref<64x128xf32, #tpu.memory_space<vmem>>)
      %slice3A_1747 = vector.extract_strided_slice %and3A_103 {offsets = [13], sizes = [1], strides = [1]} : vector<16xi32> to vector<1xi32>
      %squeeze3A_1748 = vector.extract %slice3A_1747[0] : i32 from vector<1xi32>
      %add3A_1749 = arith.constant 0 : i32
      %add3A_1750 = vector.broadcast %add3A_1749 : i32 to vector<16xi32>
      %add3A_1751 = arith.addi %iota3A, %add3A_1750 : vector<16xi32>
      %broadcast_in_dim3A_1752 = vector.broadcast %squeeze3A_1748 : i32 to vector<16xi32>
      %gather3A_1753 = arith.constant 1 : i32
      %gather3A_1754 = arith.constant 0 : i32
      %gather3A_1755 = arith.constant 0 : i32
      %gather3A_1756 = tpu.memref_slice %arg7[%gather3A_1753, %gather3A_1754, %gather3A_1755] : memref<4x64x128xf32, #tpu.memory_space<vmem>> -> memref<1x64x128xf32, #tpu.memory_space<vmem>>
      %gather3A_1757 = tpu.memref_squeeze %gather3A_1756 : memref<1x64x128xf32, #tpu.memory_space<vmem>> -> memref<64x128xf32, #tpu.memory_space<vmem>>
      %gather3A_1758 = tpu.vector_load_idx %gather3A_1757[%add3A_1751, %broadcast_in_dim3A_1752] : memref<64x128xf32, #tpu.memory_space<vmem>>[vector<16xi32>, vector<16xi32>], vector<16xf32>,
      %mul3A_1759 = arith.constant 16 : i32
      %mul3A_1760 = arith.muli %scan3A_97, %mul3A_1759 : i32
      %add3A_1761 = arith.constant 13 : i32
      %add3A_1762 = arith.addi %mul3A_1760, %add3A_1761 : i32
      %get3A_1763 = arith.index_cast %add3A_1762 : i32 to index
      %get3A_1764 = arith.constant 0 : index
      %get3A_1765 = tpu.vector_load %arg9[%get3A_1763, %get3A_1764] {strides = array<i32>} : memref<512x64xf32, #tpu.memory_space<vmem>>, vector<16xf32>,
      %add3A_1766 = arith.addf %gather3A_1758, %get3A_1765 : vector<16xf32>
      %swap3A_1767 = arith.constant 13 : i32
      %swap3A_1768 = arith.index_cast %swap3A_1767 : i32 to index
      %swap3A_1769 = arith.constant 0 : index
      %swap3A_1770 = tpu.vector_load %arg8[%swap3A_1768, %swap3A_1769] {strides = array<i32>} : memref<16x64xf32, #tpu.memory_space<vmem>>, vector<16xf32>,
      tpu.vector_store %arg8[%swap3A_1768, %swap3A_1769], %add3A_1766 {strides = array<i32>} : memref<16x64xf32, #tpu.memory_space<vmem>>, vector<16xf32>,
      %add3A_1771 = arith.constant 16 : i32
      %add3A_1772 = vector.broadcast %add3A_1771 : i32 to vector<16xi32>
      %add3A_1773 = arith.addi %iota3A, %add3A_1772 : vector<16xi32>
      %broadcast_in_dim3A_1774 = vector.broadcast %squeeze3A_1748 : i32 to vector<16xi32>
      %gather3A_1775 = arith.constant 1 : i32
      %gather3A_1776 = arith.constant 0 : i32
      %gather3A_1777 = arith.constant 0 : i32
      %gather3A_1778 = tpu.memref_slice %arg7[%gather3A_1775, %gather3A_1776, %gather3A_1777] : memref<4x64x128xf32, #tpu.memory_space<vmem>> -> memref<1x64x128xf32, #tpu.memory_space<vmem>>
      %gather3A_1779 = tpu.memref_squeeze %gather3A_1778 : memref<1x64x128xf32, #tpu.memory_space<vmem>> -> memref<64x128xf32, #tpu.memory_space<vmem>>
      %gather3A_1780 = tpu.vector_load_idx %gather3A_1779[%add3A_1773, %broadcast_in_dim3A_1774] : memref<64x128xf32, #tpu.memory_space<vmem>>[vector<16xi32>, vector<16xi32>], vector<16xf32>,
      %mul3A_1781 = arith.constant 16 : i32
      %mul3A_1782 = arith.muli %scan3A_97, %mul3A_1781 : i32
      %add3A_1783 = arith.constant 13 : i32
      %add3A_1784 = arith.addi %mul3A_1782, %add3A_1783 : i32
      %get3A_1785 = arith.index_cast %add3A_1784 : i32 to index
      %get3A_1786 = arith.constant 16 : index
      %get3A_1787 = tpu.vector_load %arg9[%get3A_1785, %get3A_1786] {strides = array<i32>} : memref<512x64xf32, #tpu.memory_space<vmem>>, vector<16xf32>,
      %add3A_1788 = arith.addf %gather3A_1780, %get3A_1787 : vector<16xf32>
      %swap3A_1789 = arith.constant 13 : i32
      %swap3A_1790 = arith.index_cast %swap3A_1789 : i32 to index
      %swap3A_1791 = arith.constant 16 : index
      %swap3A_1792 = tpu.vector_load %arg8[%swap3A_1790, %swap3A_1791] {strides = array<i32>} : memref<16x64xf32, #tpu.memory_space<vmem>>, vector<16xf32>,
      tpu.vector_store %arg8[%swap3A_1790, %swap3A_1791], %add3A_1788 {strides = array<i32>} : memref<16x64xf32, #tpu.memory_space<vmem>>, vector<16xf32>,
      %add3A_1793 = arith.constant 32 : i32
      %add3A_1794 = vector.broadcast %add3A_1793 : i32 to vector<16xi32>
      %add3A_1795 = arith.addi %iota3A, %add3A_1794 : vector<16xi32>
      %broadcast_in_dim3A_1796 = vector.broadcast %squeeze3A_1748 : i32 to vector<16xi32>
      %gather3A_1797 = arith.constant 1 : i32
      %gather3A_1798 = arith.constant 0 : i32
      %gather3A_1799 = arith.constant 0 : i32
      %gather3A_1800 = tpu.memref_slice %arg7[%gather3A_1797, %gather3A_1798, %gather3A_1799] : memref<4x64x128xf32, #tpu.memory_space<vmem>> -> memref<1x64x128xf32, #tpu.memory_space<vmem>>
      %gather3A_1801 = tpu.memref_squeeze %gather3A_1800 : memref<1x64x128xf32, #tpu.memory_space<vmem>> -> memref<64x128xf32, #tpu.memory_space<vmem>>
      %gather3A_1802 = tpu.vector_load_idx %gather3A_1801[%add3A_1795, %broadcast_in_dim3A_1796] : memref<64x128xf32, #tpu.memory_space<vmem>>[vector<16xi32>, vector<16xi32>], vector<16xf32>,
      %mul3A_1803 = arith.constant 16 : i32
      %mul3A_1804 = arith.muli %scan3A_97, %mul3A_1803 : i32
      %add3A_1805 = arith.constant 13 : i32
      %add3A_1806 = arith.addi %mul3A_1804, %add3A_1805 : i32
      %get3A_1807 = arith.index_cast %add3A_1806 : i32 to index
      %get3A_1808 = arith.constant 32 : index
      %get3A_1809 = tpu.vector_load %arg9[%get3A_1807, %get3A_1808] {strides = array<i32>} : memref<512x64xf32, #tpu.memory_space<vmem>>, vector<16xf32>,
      %add3A_1810 = arith.addf %gather3A_1802, %get3A_1809 : vector<16xf32>
      %swap3A_1811 = arith.constant 13 : i32
      %swap3A_1812 = arith.index_cast %swap3A_1811 : i32 to index
      %swap3A_1813 = arith.constant 32 : index
      %swap3A_1814 = tpu.vector_load %arg8[%swap3A_1812, %swap3A_1813] {strides = array<i32>} : memref<16x64xf32, #tpu.memory_space<vmem>>, vector<16xf32>,
      tpu.vector_store %arg8[%swap3A_1812, %swap3A_1813], %add3A_1810 {strides = array<i32>} : memref<16x64xf32, #tpu.memory_space<vmem>>, vector<16xf32>,
      %add3A_1815 = arith.constant 48 : i32
      %add3A_1816 = vector.broadcast %add3A_1815 : i32 to vector<16xi32>
      %add3A_1817 = arith.addi %iota3A, %add3A_1816 : vector<16xi32>
      %broadcast_in_dim3A_1818 = vector.broadcast %squeeze3A_1748 : i32 to vector<16xi32>
      %gather3A_1819 = arith.constant 1 : i32
      %gather3A_1820 = arith.constant 0 : i32
      %gather3A_1821 = arith.constant 0 : i32
      %gather3A_1822 = tpu.memref_slice %arg7[%gather3A_1819, %gather3A_1820, %gather3A_1821] : memref<4x64x128xf32, #tpu.memory_space<vmem>> -> memref<1x64x128xf32, #tpu.memory_space<vmem>>
      %gather3A_1823 = tpu.memref_squeeze %gather3A_1822 : memref<1x64x128xf32, #tpu.memory_space<vmem>> -> memref<64x128xf32, #tpu.memory_space<vmem>>
      %gather3A_1824 = tpu.vector_load_idx %gather3A_1823[%add3A_1817, %broadcast_in_dim3A_1818] : memref<64x128xf32, #tpu.memory_space<vmem>>[vector<16xi32>, vector<16xi32>], vector<16xf32>,
      %mul3A_1825 = arith.constant 16 : i32
      %mul3A_1826 = arith.muli %scan3A_97, %mul3A_1825 : i32
      %add3A_1827 = arith.constant 13 : i32
      %add3A_1828 = arith.addi %mul3A_1826, %add3A_1827 : i32
      %get3A_1829 = arith.index_cast %add3A_1828 : i32 to index
      %get3A_1830 = arith.constant 48 : index
      %get3A_1831 = tpu.vector_load %arg9[%get3A_1829, %get3A_1830] {strides = array<i32>} : memref<512x64xf32, #tpu.memory_space<vmem>>, vector<16xf32>,
      %add3A_1832 = arith.addf %gather3A_1824, %get3A_1831 : vector<16xf32>
      %swap3A_1833 = arith.constant 13 : i32
      %swap3A_1834 = arith.index_cast %swap3A_1833 : i32 to index
      %swap3A_1835 = arith.constant 48 : index
      %swap3A_1836 = tpu.vector_load %arg8[%swap3A_1834, %swap3A_1835] {strides = array<i32>} : memref<16x64xf32, #tpu.memory_space<vmem>>, vector<16xf32>,
      tpu.vector_store %arg8[%swap3A_1834, %swap3A_1835], %add3A_1832 {strides = array<i32>} : memref<16x64xf32, #tpu.memory_space<vmem>>, vector<16xf32>,
      %add3A_1837 = arith.constant 1 : i32
      %add3A_1838 = arith.addi %scan3A_97, %add3A_1837 : i32
      %mul3A_1839 = arith.constant 16 : i32
      %mul3A_1840 = arith.muli %add3A_1838, %mul3A_1839 : i32
      %add3A_1841 = arith.constant 1 : i32
      %add3A_1842 = arith.addi %mul3A_1840, %add3A_1841 : i32
      %lt3A_1843 = arith.constant 512 : i32
      %lt3A_1844 = arith.cmpi slt, %add3A_1842, %lt3A_1843 : i32
      %convert_element_type3A_1845 = arith.extui %lt3A_1844 : i1 to i32
      %cond3A_1846 = arith.constant 0 : i32
      %cond3A_1847 = arith.cmpi ne, %convert_element_type3A_1845, %cond3A_1846 : i32
      scf.if %cond3A_1847 {
        %mul3A_2101 = arith.constant 16 : i32
        %mul3A_2102 = arith.muli %add3A_1838, %mul3A_2101 : i32
        %get3A_2103 = arith.index_cast %mul3A_2102 : i32 to index
        %get3A_2104 = tpu.vector_load %arg6[%get3A_2103] {strides = array<i32>} : memref<512xi32, #tpu.memory_space<vmem>>, vector<16xi32>,
        %slice3A_2105 = vector.extract_strided_slice %get3A_2104 {offsets = [1], sizes = [1], strides = [1]} : vector<16xi32> to vector<1xi32>
        %squeeze3A_2106 = vector.extract %slice3A_2105[0] : i32 from vector<1xi32>
        %shift_right_logical3A_2107 = arith.constant 7 : i32
        %shift_right_logical3A_2108 = arith.shrui %squeeze3A_2106, %shift_right_logical3A_2107 : i32
        %mul3A_2109 = arith.constant 128 : i32
        %mul3A_2110 = arith.muli %shift_right_logical3A_2108, %mul3A_2109 : i32
        %multiple_of3A_2111 = tpu.assume_multiple %mul3A_2110, 128 : i32
        %dma_start3A_2112 = arith.constant 1 : i32
        %dma_start3A_2113 = arith.constant 0 : i32
        %dma_start3A_2114 = arith.constant 0 : i32
        %dma_start3A_2115 = tpu.memref_slice %arg7[%dma_start3A_2112, %dma_start3A_2113, %dma_start3A_2114] : memref<4x64x128xf32, #tpu.memory_space<vmem>> -> memref<1x64x128xf32, #tpu.memory_space<vmem>>
        %dma_start3A_2116 = tpu.memref_squeeze %dma_start3A_2115 : memref<1x64x128xf32, #tpu.memory_space<vmem>> -> memref<64x128xf32, #tpu.memory_space<vmem>>
        %dma_start3A_2117 = arith.constant 0 : i32
        %dma_start3A_2118 = tpu.memref_slice %arg4[%dma_start3A_2117, %multiple_of3A_2111] : memref<64x1000000xf32, #tpu.memory_space<hbm>> -> memref<64x128xf32, #tpu.memory_space<hbm>>
        %dma_start3A_2119 = arith.constant 0 : i32
        %dma_start3A_2120 = arith.constant 0 : i32
        %dma_start3A_2121 = tpu.memref_slice %arg7[%dma_start3A_2112, %dma_start3A_2119, %dma_start3A_2120] : memref<4x64x128xf32, #tpu.memory_space<vmem>> -> memref<1x64x128xf32, #tpu.memory_space<vmem>>
        %dma_start3A_2122 = tpu.memref_squeeze %dma_start3A_2121 : memref<1x64x128xf32, #tpu.memory_space<vmem>> -> memref<64x128xf32, #tpu.memory_space<vmem>>
        %dma_start3A_2123 = arith.constant 0 : i32
        %dma_start3A_2124 = tpu.memref_slice %arg4[%dma_start3A_2123, %multiple_of3A_2111] : memref<64x1000000xf32, #tpu.memory_space<hbm>> -> memref<64x128xf32, #tpu.memory_space<hbm>>
        tpu.enqueue_dma source(%dma_start3A_2124 : memref<64x128xf32, #tpu.memory_space<hbm>>) target(%dma_start3A_2122 : memref<64x128xf32, #tpu.memory_space<vmem>>) target_semaphore(%arg11 : memref<!tpu.dma_semaphore, #tpu.memory_space<semaphore_mem>>)
      } else {
      }
      %mul3A_1848 = arith.constant 16 : i32
      %mul3A_1849 = arith.muli %scan3A_97, %mul3A_1848 : i32
      %get3A_1850 = arith.index_cast %mul3A_1849 : i32 to index
      %get3A_1851 = tpu.vector_load %arg6[%get3A_1850] {strides = array<i32>} : memref<512xi32, #tpu.memory_space<vmem>>, vector<16xi32>,
      %slice3A_1852 = vector.extract_strided_slice %get3A_1851 {offsets = [14], sizes = [1], strides = [1]} : vector<16xi32> to vector<1xi32>
      %squeeze3A_1853 = vector.extract %slice3A_1852[0] : i32 from vector<1xi32>
      %shift_right_logical3A_1854 = arith.constant 7 : i32
      %shift_right_logical3A_1855 = arith.shrui %squeeze3A_1853, %shift_right_logical3A_1854 : i32
      %mul3A_1856 = arith.constant 128 : i32
      %mul3A_1857 = arith.muli %shift_right_logical3A_1855, %mul3A_1856 : i32
      %multiple_of3A_1858 = tpu.assume_multiple %mul3A_1857, 128 : i32
      %dma_wait3A_1859 = arith.constant 2 : i32
      %dma_wait3A_1860 = arith.constant 0 : i32
      %dma_wait3A_1861 = arith.constant 0 : i32
      %dma_wait3A_1862 = tpu.memref_slice %arg7[%dma_wait3A_1859, %dma_wait3A_1860, %dma_wait3A_1861] : memref<4x64x128xf32, #tpu.memory_space<vmem>> -> memref<1x64x128xf32, #tpu.memory_space<vmem>>
      %dma_wait3A_1863 = tpu.memref_squeeze %dma_wait3A_1862 : memref<1x64x128xf32, #tpu.memory_space<vmem>> -> memref<64x128xf32, #tpu.memory_space<vmem>>
      %dma_wait3A_1864 = arith.constant 0 : i32
      %dma_wait3A_1865 = tpu.memref_slice %arg4[%dma_wait3A_1864, %multiple_of3A_1858] : memref<64x1000000xf32, #tpu.memory_space<hbm>> -> memref<64x128xf32, #tpu.memory_space<hbm>>
      %dma_wait3A_1866 = arith.constant 0 : i32
      %dma_wait3A_1867 = arith.constant 0 : i32
      %dma_wait3A_1868 = tpu.memref_slice %arg7[%dma_wait3A_1859, %dma_wait3A_1866, %dma_wait3A_1867] : memref<4x64x128xf32, #tpu.memory_space<vmem>> -> memref<1x64x128xf32, #tpu.memory_space<vmem>>
      %dma_wait3A_1869 = tpu.memref_squeeze %dma_wait3A_1868 : memref<1x64x128xf32, #tpu.memory_space<vmem>> -> memref<64x128xf32, #tpu.memory_space<vmem>>
      %dma_wait3A_1870 = arith.constant 0 : i32
      %dma_wait3A_1871 = tpu.memref_slice %arg4[%dma_wait3A_1870, %multiple_of3A_1858] : memref<64x1000000xf32, #tpu.memory_space<hbm>> -> memref<64x128xf32, #tpu.memory_space<hbm>>
      tpu.wait_dma2 semaphore(%arg12 : memref<!tpu.dma_semaphore, #tpu.memory_space<semaphore_mem>>) src(%dma_wait3A_1871 : memref<64x128xf32, #tpu.memory_space<hbm>>) dst(%dma_wait3A_1869 : memref<64x128xf32, #tpu.memory_space<vmem>>)
      %slice3A_1872 = vector.extract_strided_slice %and3A_103 {offsets = [14], sizes = [1], strides = [1]} : vector<16xi32> to vector<1xi32>
      %squeeze3A_1873 = vector.extract %slice3A_1872[0] : i32 from vector<1xi32>
      %add3A_1874 = arith.constant 0 : i32
      %add3A_1875 = vector.broadcast %add3A_1874 : i32 to vector<16xi32>
      %add3A_1876 = arith.addi %iota3A, %add3A_1875 : vector<16xi32>
      %broadcast_in_dim3A_1877 = vector.broadcast %squeeze3A_1873 : i32 to vector<16xi32>
      %gather3A_1878 = arith.constant 2 : i32
      %gather3A_1879 = arith.constant 0 : i32
      %gather3A_1880 = arith.constant 0 : i32
      %gather3A_1881 = tpu.memref_slice %arg7[%gather3A_1878, %gather3A_1879, %gather3A_1880] : memref<4x64x128xf32, #tpu.memory_space<vmem>> -> memref<1x64x128xf32, #tpu.memory_space<vmem>>
      %gather3A_1882 = tpu.memref_squeeze %gather3A_1881 : memref<1x64x128xf32, #tpu.memory_space<vmem>> -> memref<64x128xf32, #tpu.memory_space<vmem>>
      %gather3A_1883 = tpu.vector_load_idx %gather3A_1882[%add3A_1876, %broadcast_in_dim3A_1877] : memref<64x128xf32, #tpu.memory_space<vmem>>[vector<16xi32>, vector<16xi32>], vector<16xf32>,
      %mul3A_1884 = arith.constant 16 : i32
      %mul3A_1885 = arith.muli %scan3A_97, %mul3A_1884 : i32
      %add3A_1886 = arith.constant 14 : i32
      %add3A_1887 = arith.addi %mul3A_1885, %add3A_1886 : i32
      %get3A_1888 = arith.index_cast %add3A_1887 : i32 to index
      %get3A_1889 = arith.constant 0 : index
      %get3A_1890 = tpu.vector_load %arg9[%get3A_1888, %get3A_1889] {strides = array<i32>} : memref<512x64xf32, #tpu.memory_space<vmem>>, vector<16xf32>,
      %add3A_1891 = arith.addf %gather3A_1883, %get3A_1890 : vector<16xf32>
      %swap3A_1892 = arith.constant 14 : i32
      %swap3A_1893 = arith.index_cast %swap3A_1892 : i32 to index
      %swap3A_1894 = arith.constant 0 : index
      %swap3A_1895 = tpu.vector_load %arg8[%swap3A_1893, %swap3A_1894] {strides = array<i32>} : memref<16x64xf32, #tpu.memory_space<vmem>>, vector<16xf32>,
      tpu.vector_store %arg8[%swap3A_1893, %swap3A_1894], %add3A_1891 {strides = array<i32>} : memref<16x64xf32, #tpu.memory_space<vmem>>, vector<16xf32>,
      %add3A_1896 = arith.constant 16 : i32
      %add3A_1897 = vector.broadcast %add3A_1896 : i32 to vector<16xi32>
      %add3A_1898 = arith.addi %iota3A, %add3A_1897 : vector<16xi32>
      %broadcast_in_dim3A_1899 = vector.broadcast %squeeze3A_1873 : i32 to vector<16xi32>
      %gather3A_1900 = arith.constant 2 : i32
      %gather3A_1901 = arith.constant 0 : i32
      %gather3A_1902 = arith.constant 0 : i32
      %gather3A_1903 = tpu.memref_slice %arg7[%gather3A_1900, %gather3A_1901, %gather3A_1902] : memref<4x64x128xf32, #tpu.memory_space<vmem>> -> memref<1x64x128xf32, #tpu.memory_space<vmem>>
      %gather3A_1904 = tpu.memref_squeeze %gather3A_1903 : memref<1x64x128xf32, #tpu.memory_space<vmem>> -> memref<64x128xf32, #tpu.memory_space<vmem>>
      %gather3A_1905 = tpu.vector_load_idx %gather3A_1904[%add3A_1898, %broadcast_in_dim3A_1899] : memref<64x128xf32, #tpu.memory_space<vmem>>[vector<16xi32>, vector<16xi32>], vector<16xf32>,
      %mul3A_1906 = arith.constant 16 : i32
      %mul3A_1907 = arith.muli %scan3A_97, %mul3A_1906 : i32
      %add3A_1908 = arith.constant 14 : i32
      %add3A_1909 = arith.addi %mul3A_1907, %add3A_1908 : i32
      %get3A_1910 = arith.index_cast %add3A_1909 : i32 to index
      %get3A_1911 = arith.constant 16 : index
      %get3A_1912 = tpu.vector_load %arg9[%get3A_1910, %get3A_1911] {strides = array<i32>} : memref<512x64xf32, #tpu.memory_space<vmem>>, vector<16xf32>,
      %add3A_1913 = arith.addf %gather3A_1905, %get3A_1912 : vector<16xf32>
      %swap3A_1914 = arith.constant 14 : i32
      %swap3A_1915 = arith.index_cast %swap3A_1914 : i32 to index
      %swap3A_1916 = arith.constant 16 : index
      %swap3A_1917 = tpu.vector_load %arg8[%swap3A_1915, %swap3A_1916] {strides = array<i32>} : memref<16x64xf32, #tpu.memory_space<vmem>>, vector<16xf32>,
      tpu.vector_store %arg8[%swap3A_1915, %swap3A_1916], %add3A_1913 {strides = array<i32>} : memref<16x64xf32, #tpu.memory_space<vmem>>, vector<16xf32>,
      %add3A_1918 = arith.constant 32 : i32
      %add3A_1919 = vector.broadcast %add3A_1918 : i32 to vector<16xi32>
      %add3A_1920 = arith.addi %iota3A, %add3A_1919 : vector<16xi32>
      %broadcast_in_dim3A_1921 = vector.broadcast %squeeze3A_1873 : i32 to vector<16xi32>
      %gather3A_1922 = arith.constant 2 : i32
      %gather3A_1923 = arith.constant 0 : i32
      %gather3A_1924 = arith.constant 0 : i32
      %gather3A_1925 = tpu.memref_slice %arg7[%gather3A_1922, %gather3A_1923, %gather3A_1924] : memref<4x64x128xf32, #tpu.memory_space<vmem>> -> memref<1x64x128xf32, #tpu.memory_space<vmem>>
      %gather3A_1926 = tpu.memref_squeeze %gather3A_1925 : memref<1x64x128xf32, #tpu.memory_space<vmem>> -> memref<64x128xf32, #tpu.memory_space<vmem>>
      %gather3A_1927 = tpu.vector_load_idx %gather3A_1926[%add3A_1920, %broadcast_in_dim3A_1921] : memref<64x128xf32, #tpu.memory_space<vmem>>[vector<16xi32>, vector<16xi32>], vector<16xf32>,
      %mul3A_1928 = arith.constant 16 : i32
      %mul3A_1929 = arith.muli %scan3A_97, %mul3A_1928 : i32
      %add3A_1930 = arith.constant 14 : i32
      %add3A_1931 = arith.addi %mul3A_1929, %add3A_1930 : i32
      %get3A_1932 = arith.index_cast %add3A_1931 : i32 to index
      %get3A_1933 = arith.constant 32 : index
      %get3A_1934 = tpu.vector_load %arg9[%get3A_1932, %get3A_1933] {strides = array<i32>} : memref<512x64xf32, #tpu.memory_space<vmem>>, vector<16xf32>,
      %add3A_1935 = arith.addf %gather3A_1927, %get3A_1934 : vector<16xf32>
      %swap3A_1936 = arith.constant 14 : i32
      %swap3A_1937 = arith.index_cast %swap3A_1936 : i32 to index
      %swap3A_1938 = arith.constant 32 : index
      %swap3A_1939 = tpu.vector_load %arg8[%swap3A_1937, %swap3A_1938] {strides = array<i32>} : memref<16x64xf32, #tpu.memory_space<vmem>>, vector<16xf32>,
      tpu.vector_store %arg8[%swap3A_1937, %swap3A_1938], %add3A_1935 {strides = array<i32>} : memref<16x64xf32, #tpu.memory_space<vmem>>, vector<16xf32>,
      %add3A_1940 = arith.constant 48 : i32
      %add3A_1941 = vector.broadcast %add3A_1940 : i32 to vector<16xi32>
      %add3A_1942 = arith.addi %iota3A, %add3A_1941 : vector<16xi32>
      %broadcast_in_dim3A_1943 = vector.broadcast %squeeze3A_1873 : i32 to vector<16xi32>
      %gather3A_1944 = arith.constant 2 : i32
      %gather3A_1945 = arith.constant 0 : i32
      %gather3A_1946 = arith.constant 0 : i32
      %gather3A_1947 = tpu.memref_slice %arg7[%gather3A_1944, %gather3A_1945, %gather3A_1946] : memref<4x64x128xf32, #tpu.memory_space<vmem>> -> memref<1x64x128xf32, #tpu.memory_space<vmem>>
      %gather3A_1948 = tpu.memref_squeeze %gather3A_1947 : memref<1x64x128xf32, #tpu.memory_space<vmem>> -> memref<64x128xf32, #tpu.memory_space<vmem>>
      %gather3A_1949 = tpu.vector_load_idx %gather3A_1948[%add3A_1942, %broadcast_in_dim3A_1943] : memref<64x128xf32, #tpu.memory_space<vmem>>[vector<16xi32>, vector<16xi32>], vector<16xf32>,
      %mul3A_1950 = arith.constant 16 : i32
      %mul3A_1951 = arith.muli %scan3A_97, %mul3A_1950 : i32
      %add3A_1952 = arith.constant 14 : i32
      %add3A_1953 = arith.addi %mul3A_1951, %add3A_1952 : i32
      %get3A_1954 = arith.index_cast %add3A_1953 : i32 to index
      %get3A_1955 = arith.constant 48 : index
      %get3A_1956 = tpu.vector_load %arg9[%get3A_1954, %get3A_1955] {strides = array<i32>} : memref<512x64xf32, #tpu.memory_space<vmem>>, vector<16xf32>,
      %add3A_1957 = arith.addf %gather3A_1949, %get3A_1956 : vector<16xf32>
      %swap3A_1958 = arith.constant 14 : i32
      %swap3A_1959 = arith.index_cast %swap3A_1958 : i32 to index
      %swap3A_1960 = arith.constant 48 : index
      %swap3A_1961 = tpu.vector_load %arg8[%swap3A_1959, %swap3A_1960] {strides = array<i32>} : memref<16x64xf32, #tpu.memory_space<vmem>>, vector<16xf32>,
      tpu.vector_store %arg8[%swap3A_1959, %swap3A_1960], %add3A_1957 {strides = array<i32>} : memref<16x64xf32, #tpu.memory_space<vmem>>, vector<16xf32>,
      %add3A_1962 = arith.constant 1 : i32
      %add3A_1963 = arith.addi %scan3A_97, %add3A_1962 : i32
      %mul3A_1964 = arith.constant 16 : i32
      %mul3A_1965 = arith.muli %add3A_1963, %mul3A_1964 : i32
      %add3A_1966 = arith.constant 2 : i32
      %add3A_1967 = arith.addi %mul3A_1965, %add3A_1966 : i32
      %lt3A_1968 = arith.constant 512 : i32
      %lt3A_1969 = arith.cmpi slt, %add3A_1967, %lt3A_1968 : i32
      %convert_element_type3A_1970 = arith.extui %lt3A_1969 : i1 to i32
      %cond3A_1971 = arith.constant 0 : i32
      %cond3A_1972 = arith.cmpi ne, %convert_element_type3A_1970, %cond3A_1971 : i32
      scf.if %cond3A_1972 {
        %mul3A_2101 = arith.constant 16 : i32
        %mul3A_2102 = arith.muli %add3A_1963, %mul3A_2101 : i32
        %get3A_2103 = arith.index_cast %mul3A_2102 : i32 to index
        %get3A_2104 = tpu.vector_load %arg6[%get3A_2103] {strides = array<i32>} : memref<512xi32, #tpu.memory_space<vmem>>, vector<16xi32>,
        %slice3A_2105 = vector.extract_strided_slice %get3A_2104 {offsets = [2], sizes = [1], strides = [1]} : vector<16xi32> to vector<1xi32>
        %squeeze3A_2106 = vector.extract %slice3A_2105[0] : i32 from vector<1xi32>
        %shift_right_logical3A_2107 = arith.constant 7 : i32
        %shift_right_logical3A_2108 = arith.shrui %squeeze3A_2106, %shift_right_logical3A_2107 : i32
        %mul3A_2109 = arith.constant 128 : i32
        %mul3A_2110 = arith.muli %shift_right_logical3A_2108, %mul3A_2109 : i32
        %multiple_of3A_2111 = tpu.assume_multiple %mul3A_2110, 128 : i32
        %dma_start3A_2112 = arith.constant 2 : i32
        %dma_start3A_2113 = arith.constant 0 : i32
        %dma_start3A_2114 = arith.constant 0 : i32
        %dma_start3A_2115 = tpu.memref_slice %arg7[%dma_start3A_2112, %dma_start3A_2113, %dma_start3A_2114] : memref<4x64x128xf32, #tpu.memory_space<vmem>> -> memref<1x64x128xf32, #tpu.memory_space<vmem>>
        %dma_start3A_2116 = tpu.memref_squeeze %dma_start3A_2115 : memref<1x64x128xf32, #tpu.memory_space<vmem>> -> memref<64x128xf32, #tpu.memory_space<vmem>>
        %dma_start3A_2117 = arith.constant 0 : i32
        %dma_start3A_2118 = tpu.memref_slice %arg4[%dma_start3A_2117, %multiple_of3A_2111] : memref<64x1000000xf32, #tpu.memory_space<hbm>> -> memref<64x128xf32, #tpu.memory_space<hbm>>
        %dma_start3A_2119 = arith.constant 0 : i32
        %dma_start3A_2120 = arith.constant 0 : i32
        %dma_start3A_2121 = tpu.memref_slice %arg7[%dma_start3A_2112, %dma_start3A_2119, %dma_start3A_2120] : memref<4x64x128xf32, #tpu.memory_space<vmem>> -> memref<1x64x128xf32, #tpu.memory_space<vmem>>
        %dma_start3A_2122 = tpu.memref_squeeze %dma_start3A_2121 : memref<1x64x128xf32, #tpu.memory_space<vmem>> -> memref<64x128xf32, #tpu.memory_space<vmem>>
        %dma_start3A_2123 = arith.constant 0 : i32
        %dma_start3A_2124 = tpu.memref_slice %arg4[%dma_start3A_2123, %multiple_of3A_2111] : memref<64x1000000xf32, #tpu.memory_space<hbm>> -> memref<64x128xf32, #tpu.memory_space<hbm>>
        tpu.enqueue_dma source(%dma_start3A_2124 : memref<64x128xf32, #tpu.memory_space<hbm>>) target(%dma_start3A_2122 : memref<64x128xf32, #tpu.memory_space<vmem>>) target_semaphore(%arg12 : memref<!tpu.dma_semaphore, #tpu.memory_space<semaphore_mem>>)
      } else {
      }
      %mul3A_1973 = arith.constant 16 : i32
      %mul3A_1974 = arith.muli %scan3A_97, %mul3A_1973 : i32
      %get3A_1975 = arith.index_cast %mul3A_1974 : i32 to index
      %get3A_1976 = tpu.vector_load %arg6[%get3A_1975] {strides = array<i32>} : memref<512xi32, #tpu.memory_space<vmem>>, vector<16xi32>,
      %slice3A_1977 = vector.extract_strided_slice %get3A_1976 {offsets = [15], sizes = [1], strides = [1]} : vector<16xi32> to vector<1xi32>
      %squeeze3A_1978 = vector.extract %slice3A_1977[0] : i32 from vector<1xi32>
      %shift_right_logical3A_1979 = arith.constant 7 : i32
      %shift_right_logical3A_1980 = arith.shrui %squeeze3A_1978, %shift_right_logical3A_1979 : i32
      %mul3A_1981 = arith.constant 128 : i32
      %mul3A_1982 = arith.muli %shift_right_logical3A_1980, %mul3A_1981 : i32
      %multiple_of3A_1983 = tpu.assume_multiple %mul3A_1982, 128 : i32
      %dma_wait3A_1984 = arith.constant 3 : i32
      %dma_wait3A_1985 = arith.constant 0 : i32
      %dma_wait3A_1986 = arith.constant 0 : i32
      %dma_wait3A_1987 = tpu.memref_slice %arg7[%dma_wait3A_1984, %dma_wait3A_1985, %dma_wait3A_1986] : memref<4x64x128xf32, #tpu.memory_space<vmem>> -> memref<1x64x128xf32, #tpu.memory_space<vmem>>
      %dma_wait3A_1988 = tpu.memref_squeeze %dma_wait3A_1987 : memref<1x64x128xf32, #tpu.memory_space<vmem>> -> memref<64x128xf32, #tpu.memory_space<vmem>>
      %dma_wait3A_1989 = arith.constant 0 : i32
      %dma_wait3A_1990 = tpu.memref_slice %arg4[%dma_wait3A_1989, %multiple_of3A_1983] : memref<64x1000000xf32, #tpu.memory_space<hbm>> -> memref<64x128xf32, #tpu.memory_space<hbm>>
      %dma_wait3A_1991 = arith.constant 0 : i32
      %dma_wait3A_1992 = arith.constant 0 : i32
      %dma_wait3A_1993 = tpu.memref_slice %arg7[%dma_wait3A_1984, %dma_wait3A_1991, %dma_wait3A_1992] : memref<4x64x128xf32, #tpu.memory_space<vmem>> -> memref<1x64x128xf32, #tpu.memory_space<vmem>>
      %dma_wait3A_1994 = tpu.memref_squeeze %dma_wait3A_1993 : memref<1x64x128xf32, #tpu.memory_space<vmem>> -> memref<64x128xf32, #tpu.memory_space<vmem>>
      %dma_wait3A_1995 = arith.constant 0 : i32
      %dma_wait3A_1996 = tpu.memref_slice %arg4[%dma_wait3A_1995, %multiple_of3A_1983] : memref<64x1000000xf32, #tpu.memory_space<hbm>> -> memref<64x128xf32, #tpu.memory_space<hbm>>
      tpu.wait_dma2 semaphore(%arg13 : memref<!tpu.dma_semaphore, #tpu.memory_space<semaphore_mem>>) src(%dma_wait3A_1996 : memref<64x128xf32, #tpu.memory_space<hbm>>) dst(%dma_wait3A_1994 : memref<64x128xf32, #tpu.memory_space<vmem>>)
      %slice3A_1997 = vector.extract_strided_slice %and3A_103 {offsets = [15], sizes = [1], strides = [1]} : vector<16xi32> to vector<1xi32>
      %squeeze3A_1998 = vector.extract %slice3A_1997[0] : i32 from vector<1xi32>
      %add3A_1999 = arith.constant 0 : i32
      %add3A_2000 = vector.broadcast %add3A_1999 : i32 to vector<16xi32>
      %add3A_2001 = arith.addi %iota3A, %add3A_2000 : vector<16xi32>
      %broadcast_in_dim3A_2002 = vector.broadcast %squeeze3A_1998 : i32 to vector<16xi32>
      %gather3A_2003 = arith.constant 3 : i32
      %gather3A_2004 = arith.constant 0 : i32
      %gather3A_2005 = arith.constant 0 : i32
      %gather3A_2006 = tpu.memref_slice %arg7[%gather3A_2003, %gather3A_2004, %gather3A_2005] : memref<4x64x128xf32, #tpu.memory_space<vmem>> -> memref<1x64x128xf32, #tpu.memory_space<vmem>>
      %gather3A_2007 = tpu.memref_squeeze %gather3A_2006 : memref<1x64x128xf32, #tpu.memory_space<vmem>> -> memref<64x128xf32, #tpu.memory_space<vmem>>
      %gather3A_2008 = tpu.vector_load_idx %gather3A_2007[%add3A_2001, %broadcast_in_dim3A_2002] : memref<64x128xf32, #tpu.memory_space<vmem>>[vector<16xi32>, vector<16xi32>], vector<16xf32>,
      %mul3A_2009 = arith.constant 16 : i32
      %mul3A_2010 = arith.muli %scan3A_97, %mul3A_2009 : i32
      %add3A_2011 = arith.constant 15 : i32
      %add3A_2012 = arith.addi %mul3A_2010, %add3A_2011 : i32
      %get3A_2013 = arith.index_cast %add3A_2012 : i32 to index
      %get3A_2014 = arith.constant 0 : index
      %get3A_2015 = tpu.vector_load %arg9[%get3A_2013, %get3A_2014] {strides = array<i32>} : memref<512x64xf32, #tpu.memory_space<vmem>>, vector<16xf32>,
      %add3A_2016 = arith.addf %gather3A_2008, %get3A_2015 : vector<16xf32>
      %swap3A_2017 = arith.constant 15 : i32
      %swap3A_2018 = arith.index_cast %swap3A_2017 : i32 to index
      %swap3A_2019 = arith.constant 0 : index
      %swap3A_2020 = tpu.vector_load %arg8[%swap3A_2018, %swap3A_2019] {strides = array<i32>} : memref<16x64xf32, #tpu.memory_space<vmem>>, vector<16xf32>,
      tpu.vector_store %arg8[%swap3A_2018, %swap3A_2019], %add3A_2016 {strides = array<i32>} : memref<16x64xf32, #tpu.memory_space<vmem>>, vector<16xf32>,
      %add3A_2021 = arith.constant 16 : i32
      %add3A_2022 = vector.broadcast %add3A_2021 : i32 to vector<16xi32>
      %add3A_2023 = arith.addi %iota3A, %add3A_2022 : vector<16xi32>
      %broadcast_in_dim3A_2024 = vector.broadcast %squeeze3A_1998 : i32 to vector<16xi32>
      %gather3A_2025 = arith.constant 3 : i32
      %gather3A_2026 = arith.constant 0 : i32
      %gather3A_2027 = arith.constant 0 : i32
      %gather3A_2028 = tpu.memref_slice %arg7[%gather3A_2025, %gather3A_2026, %gather3A_2027] : memref<4x64x128xf32, #tpu.memory_space<vmem>> -> memref<1x64x128xf32, #tpu.memory_space<vmem>>
      %gather3A_2029 = tpu.memref_squeeze %gather3A_2028 : memref<1x64x128xf32, #tpu.memory_space<vmem>> -> memref<64x128xf32, #tpu.memory_space<vmem>>
      %gather3A_2030 = tpu.vector_load_idx %gather3A_2029[%add3A_2023, %broadcast_in_dim3A_2024] : memref<64x128xf32, #tpu.memory_space<vmem>>[vector<16xi32>, vector<16xi32>], vector<16xf32>,
      %mul3A_2031 = arith.constant 16 : i32
      %mul3A_2032 = arith.muli %scan3A_97, %mul3A_2031 : i32
      %add3A_2033 = arith.constant 15 : i32
      %add3A_2034 = arith.addi %mul3A_2032, %add3A_2033 : i32
      %get3A_2035 = arith.index_cast %add3A_2034 : i32 to index
      %get3A_2036 = arith.constant 16 : index
      %get3A_2037 = tpu.vector_load %arg9[%get3A_2035, %get3A_2036] {strides = array<i32>} : memref<512x64xf32, #tpu.memory_space<vmem>>, vector<16xf32>,
      %add3A_2038 = arith.addf %gather3A_2030, %get3A_2037 : vector<16xf32>
      %swap3A_2039 = arith.constant 15 : i32
      %swap3A_2040 = arith.index_cast %swap3A_2039 : i32 to index
      %swap3A_2041 = arith.constant 16 : index
      %swap3A_2042 = tpu.vector_load %arg8[%swap3A_2040, %swap3A_2041] {strides = array<i32>} : memref<16x64xf32, #tpu.memory_space<vmem>>, vector<16xf32>,
      tpu.vector_store %arg8[%swap3A_2040, %swap3A_2041], %add3A_2038 {strides = array<i32>} : memref<16x64xf32, #tpu.memory_space<vmem>>, vector<16xf32>,
      %add3A_2043 = arith.constant 32 : i32
      %add3A_2044 = vector.broadcast %add3A_2043 : i32 to vector<16xi32>
      %add3A_2045 = arith.addi %iota3A, %add3A_2044 : vector<16xi32>
      %broadcast_in_dim3A_2046 = vector.broadcast %squeeze3A_1998 : i32 to vector<16xi32>
      %gather3A_2047 = arith.constant 3 : i32
      %gather3A_2048 = arith.constant 0 : i32
      %gather3A_2049 = arith.constant 0 : i32
      %gather3A_2050 = tpu.memref_slice %arg7[%gather3A_2047, %gather3A_2048, %gather3A_2049] : memref<4x64x128xf32, #tpu.memory_space<vmem>> -> memref<1x64x128xf32, #tpu.memory_space<vmem>>
      %gather3A_2051 = tpu.memref_squeeze %gather3A_2050 : memref<1x64x128xf32, #tpu.memory_space<vmem>> -> memref<64x128xf32, #tpu.memory_space<vmem>>
      %gather3A_2052 = tpu.vector_load_idx %gather3A_2051[%add3A_2045, %broadcast_in_dim3A_2046] : memref<64x128xf32, #tpu.memory_space<vmem>>[vector<16xi32>, vector<16xi32>], vector<16xf32>,
      %mul3A_2053 = arith.constant 16 : i32
      %mul3A_2054 = arith.muli %scan3A_97, %mul3A_2053 : i32
      %add3A_2055 = arith.constant 15 : i32
      %add3A_2056 = arith.addi %mul3A_2054, %add3A_2055 : i32
      %get3A_2057 = arith.index_cast %add3A_2056 : i32 to index
      %get3A_2058 = arith.constant 32 : index
      %get3A_2059 = tpu.vector_load %arg9[%get3A_2057, %get3A_2058] {strides = array<i32>} : memref<512x64xf32, #tpu.memory_space<vmem>>, vector<16xf32>,
      %add3A_2060 = arith.addf %gather3A_2052, %get3A_2059 : vector<16xf32>
      %swap3A_2061 = arith.constant 15 : i32
      %swap3A_2062 = arith.index_cast %swap3A_2061 : i32 to index
      %swap3A_2063 = arith.constant 32 : index
      %swap3A_2064 = tpu.vector_load %arg8[%swap3A_2062, %swap3A_2063] {strides = array<i32>} : memref<16x64xf32, #tpu.memory_space<vmem>>, vector<16xf32>,
      tpu.vector_store %arg8[%swap3A_2062, %swap3A_2063], %add3A_2060 {strides = array<i32>} : memref<16x64xf32, #tpu.memory_space<vmem>>, vector<16xf32>,
      %add3A_2065 = arith.constant 48 : i32
      %add3A_2066 = vector.broadcast %add3A_2065 : i32 to vector<16xi32>
      %add3A_2067 = arith.addi %iota3A, %add3A_2066 : vector<16xi32>
      %broadcast_in_dim3A_2068 = vector.broadcast %squeeze3A_1998 : i32 to vector<16xi32>
      %gather3A_2069 = arith.constant 3 : i32
      %gather3A_2070 = arith.constant 0 : i32
      %gather3A_2071 = arith.constant 0 : i32
      %gather3A_2072 = tpu.memref_slice %arg7[%gather3A_2069, %gather3A_2070, %gather3A_2071] : memref<4x64x128xf32, #tpu.memory_space<vmem>> -> memref<1x64x128xf32, #tpu.memory_space<vmem>>
      %gather3A_2073 = tpu.memref_squeeze %gather3A_2072 : memref<1x64x128xf32, #tpu.memory_space<vmem>> -> memref<64x128xf32, #tpu.memory_space<vmem>>
      %gather3A_2074 = tpu.vector_load_idx %gather3A_2073[%add3A_2067, %broadcast_in_dim3A_2068] : memref<64x128xf32, #tpu.memory_space<vmem>>[vector<16xi32>, vector<16xi32>], vector<16xf32>,
      %mul3A_2075 = arith.constant 16 : i32
      %mul3A_2076 = arith.muli %scan3A_97, %mul3A_2075 : i32
      %add3A_2077 = arith.constant 15 : i32
      %add3A_2078 = arith.addi %mul3A_2076, %add3A_2077 : i32
      %get3A_2079 = arith.index_cast %add3A_2078 : i32 to index
      %get3A_2080 = arith.constant 48 : index
      %get3A_2081 = tpu.vector_load %arg9[%get3A_2079, %get3A_2080] {strides = array<i32>} : memref<512x64xf32, #tpu.memory_space<vmem>>, vector<16xf32>,
      %add3A_2082 = arith.addf %gather3A_2074, %get3A_2081 : vector<16xf32>
      %swap3A_2083 = arith.constant 15 : i32
      %swap3A_2084 = arith.index_cast %swap3A_2083 : i32 to index
      %swap3A_2085 = arith.constant 48 : index
      %swap3A_2086 = tpu.vector_load %arg8[%swap3A_2084, %swap3A_2085] {strides = array<i32>} : memref<16x64xf32, #tpu.memory_space<vmem>>, vector<16xf32>,
      tpu.vector_store %arg8[%swap3A_2084, %swap3A_2085], %add3A_2082 {strides = array<i32>} : memref<16x64xf32, #tpu.memory_space<vmem>>, vector<16xf32>,
      %add3A_2087 = arith.constant 1 : i32
      %add3A_2088 = arith.addi %scan3A_97, %add3A_2087 : i32
      %mul3A_2089 = arith.constant 16 : i32
      %mul3A_2090 = arith.muli %add3A_2088, %mul3A_2089 : i32
      %add3A_2091 = arith.constant 3 : i32
      %add3A_2092 = arith.addi %mul3A_2090, %add3A_2091 : i32
      %lt3A_2093 = arith.constant 512 : i32
      %lt3A_2094 = arith.cmpi slt, %add3A_2092, %lt3A_2093 : i32
      %convert_element_type3A_2095 = arith.extui %lt3A_2094 : i1 to i32
      %cond3A_2096 = arith.constant 0 : i32
      %cond3A_2097 = arith.cmpi ne, %convert_element_type3A_2095, %cond3A_2096 : i32
      scf.if %cond3A_2097 {
        %mul3A_2101 = arith.constant 16 : i32
        %mul3A_2102 = arith.muli %add3A_2088, %mul3A_2101 : i32
        %get3A_2103 = arith.index_cast %mul3A_2102 : i32 to index
        %get3A_2104 = tpu.vector_load %arg6[%get3A_2103] {strides = array<i32>} : memref<512xi32, #tpu.memory_space<vmem>>, vector<16xi32>,
        %slice3A_2105 = vector.extract_strided_slice %get3A_2104 {offsets = [3], sizes = [1], strides = [1]} : vector<16xi32> to vector<1xi32>
        %squeeze3A_2106 = vector.extract %slice3A_2105[0] : i32 from vector<1xi32>
        %shift_right_logical3A_2107 = arith.constant 7 : i32
        %shift_right_logical3A_2108 = arith.shrui %squeeze3A_2106, %shift_right_logical3A_2107 : i32
        %mul3A_2109 = arith.constant 128 : i32
        %mul3A_2110 = arith.muli %shift_right_logical3A_2108, %mul3A_2109 : i32
        %multiple_of3A_2111 = tpu.assume_multiple %mul3A_2110, 128 : i32
        %dma_start3A_2112 = arith.constant 3 : i32
        %dma_start3A_2113 = arith.constant 0 : i32
        %dma_start3A_2114 = arith.constant 0 : i32
        %dma_start3A_2115 = tpu.memref_slice %arg7[%dma_start3A_2112, %dma_start3A_2113, %dma_start3A_2114] : memref<4x64x128xf32, #tpu.memory_space<vmem>> -> memref<1x64x128xf32, #tpu.memory_space<vmem>>
        %dma_start3A_2116 = tpu.memref_squeeze %dma_start3A_2115 : memref<1x64x128xf32, #tpu.memory_space<vmem>> -> memref<64x128xf32, #tpu.memory_space<vmem>>
        %dma_start3A_2117 = arith.constant 0 : i32
        %dma_start3A_2118 = tpu.memref_slice %arg4[%dma_start3A_2117, %multiple_of3A_2111] : memref<64x1000000xf32, #tpu.memory_space<hbm>> -> memref<64x128xf32, #tpu.memory_space<hbm>>
        %dma_start3A_2119 = arith.constant 0 : i32
        %dma_start3A_2120 = arith.constant 0 : i32
        %dma_start3A_2121 = tpu.memref_slice %arg7[%dma_start3A_2112, %dma_start3A_2119, %dma_start3A_2120] : memref<4x64x128xf32, #tpu.memory_space<vmem>> -> memref<1x64x128xf32, #tpu.memory_space<vmem>>
        %dma_start3A_2122 = tpu.memref_squeeze %dma_start3A_2121 : memref<1x64x128xf32, #tpu.memory_space<vmem>> -> memref<64x128xf32, #tpu.memory_space<vmem>>
        %dma_start3A_2123 = arith.constant 0 : i32
        %dma_start3A_2124 = tpu.memref_slice %arg4[%dma_start3A_2123, %multiple_of3A_2111] : memref<64x1000000xf32, #tpu.memory_space<hbm>> -> memref<64x128xf32, #tpu.memory_space<hbm>>
        tpu.enqueue_dma source(%dma_start3A_2124 : memref<64x128xf32, #tpu.memory_space<hbm>>) target(%dma_start3A_2122 : memref<64x128xf32, #tpu.memory_space<vmem>>) target_semaphore(%arg13 : memref<!tpu.dma_semaphore, #tpu.memory_space<semaphore_mem>>)
      } else {
      }
      %mul3A_2098 = arith.constant 16 : i32
      %mul3A_2099 = arith.muli %scan3A_97, %mul3A_2098 : i32
      %add3A_2100 = arith.addi %mul3A_2, %mul3A_2099 : i32
      "tpu.region"() ({
        %run_scoped3A = tpu.sem_alloc : memref<!tpu.dma_semaphore, #tpu.memory_space<semaphore_mem>>
        %dma_start3A_2101 = arith.constant 0 : i32
        %dma_start3A_2102 = tpu.memref_slice %arg5[%add3A_2100, %dma_start3A_2101] : memref<16384x64xf32, #tpu.memory_space<hbm>> -> memref<16x64xf32, #tpu.memory_space<hbm>>
        %dma_start3A_2103 = arith.constant 0 : i32
        %dma_start3A_2104 = tpu.memref_slice %arg5[%add3A_2100, %dma_start3A_2103] : memref<16384x64xf32, #tpu.memory_space<hbm>> -> memref<16x64xf32, #tpu.memory_space<hbm>>
        tpu.enqueue_dma source(%arg8 : memref<16x64xf32, #tpu.memory_space<vmem>>) target(%dma_start3A_2104 : memref<16x64xf32, #tpu.memory_space<hbm>>) target_semaphore(%run_scoped3A : memref<!tpu.dma_semaphore, #tpu.memory_space<semaphore_mem>>)
        %dma_wait3A_2105 = arith.constant 0 : i32
        %dma_wait3A_2106 = tpu.memref_slice %arg5[%add3A_2100, %dma_wait3A_2105] : memref<16384x64xf32, #tpu.memory_space<hbm>> -> memref<16x64xf32, #tpu.memory_space<hbm>>
        %dma_wait3A_2107 = arith.constant 0 : i32
        %dma_wait3A_2108 = tpu.memref_slice %arg5[%add3A_2100, %dma_wait3A_2107] : memref<16384x64xf32, #tpu.memory_space<hbm>> -> memref<16x64xf32, #tpu.memory_space<hbm>>
        tpu.wait_dma2 semaphore(%run_scoped3A : memref<!tpu.dma_semaphore, #tpu.memory_space<semaphore_mem>>) src(%arg8 : memref<16x64xf32, #tpu.memory_space<vmem>>) dst(%dma_wait3A_2108 : memref<16x64xf32, #tpu.memory_space<hbm>>)
        tpu.yield
      }) : () -> ()
    }
    %scan3A_96 = arith.constant 32 : i32
    return
  }
}

</mosaic_0001>

<sc_bundles>
// kernel: kernel.3.cloned.1.call-start
scs
__scs_entry_jumppad:
0x0: {  	(pc) =	sbr.rel $0x88, $3  }
0x1: {  	(tag) =	ssettag $0x0;
	lr =	simm.s32 $0x1  }
0x2: {  	[smem:$0x3F9F] =	sst lr;
	_ =	strace $0xD0000000  }
0x3: {  	_ = 	snop  }
0x4: {  	_ = 	snop  }
0x5: {  	_ = 	snop  }
0x6: {  	_ = 	snop  }
0x7: {  	_ = 	snop  }
__scs_overlays_trampoline_lowered:
0x8: {  	[smem:$0x3FAE] =	sst s0  }
0x9: {  	[smem:$0x3FAF] =	sst s1  }
0xa: {  	[smem:$0x3FB0] =	sst s2  }
0xb: {  	[smem:$0x3FB1] =	sst s3  }
0xc: {  	[smem:$0x3FB2] =	sst s4  }
0xd: {  	[smem:$0x3FB3] =	sst s5  }
0xe: {  	[smem:$0x3FB4] =	sst s6  }
0xf: {  	[smem:$0x3FB5] =	sst s7  }
0x10: {  	[smem:$0x3FB6] =	sst s8  }
0x11: {  	[smem:$0x3FB7] =	sst s9;
	s0 =	simm.s32 @!p0 $0x0  }
0x12: {  	s1 =	sld [smem:$0x3F9D];
	s0 =	simm.s32 @p0 $0x1  }
0x13: {  	[smem:$0x3FB8] =	sst s0;
	s0 =	simm.s32 @!p1 $0x0  }
0x14: {  	s2 =	sld [smem:$0x3F9C];
	s0 =	simm.s32 @p1 $0x1  }
0x15: {  	[smem:$0x3FB9] =	sst s0;
	s0 =	simm.s32 @!p2 $0x0  }
0x16: {  	s3 =	sld [smem:$0x3FDB];
	s0 =	simm.s32 @p2 $0x1  }
0x17: {  	s4 =	simm.s32 $0x1BF5;
	[smem:$0x3FBB] =	sst s0  }
0x18: {  	s0 =	sld [smem:$0x3F9E];
	_ =	swait.ge [sflag:s4], $0x0  }
0x19: {  	s7 =	sld [smem:$0x3F9F]  }
0x1a: {  	s8 =	sadd.s32 $0xFFFFE003, lr  }
0x1b: {  	s9 =	sadd.s32 $0xFFFFFEF7, lr;
	s5 =	simm.s32 $0xFFFFFFFF;
	p2 =	slt.u32 s8, $0xFFFFF086  }
0x1c: {  	p1 =	slt.u32 s9, $0xF7A;
	s5 =	simm.s32 @!p2 $0x0  }
0x1d: {  	s5 =	simm.s32 @p1 $0x1;
	p0 =	seq.s32 s7, s2  }
0x1e: {  	s7 =	smul.u32 @!p0 $0xF7A, s2;
	p2 =	seq.s32 @!p0 s5, $0x0  }
0x1f: {  	s9 =	smul.u32 $0xF7A, s1;
	s8 =	simm.s32 @!p0 $0x1BF5;
	p2 =	por !p2, p0  }
0x20: {  	[sflag:s8] =	ssyncset.s32 @!p0 $0xFFFFF086;
	s6 =	sadd.s32 @!p0 s3, s7;
	s7 =	simm.s32 @!p0 $0x108  }
0x21: {  	s3 =	sadd.s32 s3, s9;
	s6 =	sadd.s32 @!p0 $0x88, s6;
	s7 =	simm.s32 @p2 $0x1082  }
0x22: {  	[simem:s7], [sflag:s8] =	dma.local @!p0 [hbm:s6], $0xF7A  }
0x23: {  	s9 =	sor.u32 $0xD0000000, s2;
	s6 =	simm.s32 $0x108;
	_ =	swait.ge @!p0 [sflag:s8], $0x0  }
0x24: {  	s3 =	sadd.s32 $0x88, s3;
	s6 =	simm.s32 @!p1 $0x1082;
	[sflag:s4] =	ssyncset.s32 $0xFFFFF086  }
0x25: {  	[simem:s6], [sflag:s4] =	dma.local [hbm:s3], $0xF7A  }
0x26: {  	[smem:$0x3F9F] =	sst s1;
	(tag) =	ssettag s2;
	_ =	strace s9  }
0x27: {  	s1 =	sld [smem:$0x3FAF]  }
0x28: {  	s2 =	sld [smem:$0x3FB0]  }
0x29: {  	s4 =	sld [smem:$0x3FB2]  }
0x2a: {  	p0 =	seq.s32 s5, $0x0;
	s5 =	sld [smem:$0x3FB3]  }
0x2b: {  	s6 =	sld [smem:$0x3FB4]  }
0x2c: {  	s7 =	sld [smem:$0x3FB5]  }
0x2d: {  	s3 =	simm.s32 $0x108;
	s8 =	sld [smem:$0x3FB6]  }
0x2e: {  	s3 =	simm.s32 @!p0 $0x1082;
	s9 =	sld [smem:$0x3FB7]  }
0x2f: {  	lr =	sadd.s32 s0, s3;
	s0 =	sld [smem:$0x3FAE]  }
0x30: {  	s3 =	sld [smem:$0x3FB1]  }
0x31: {  	[smem:$0x3FBA] =	sst s10  }
0x32: {  	s10 =	sld [smem:$0x3FB8];
	_ =	sdelay $0x3  }
0x33: {  	p0 =	seq.s32 s10, $0x1;
	s10 =	sld [smem:$0x3FBA];
	_ =	sdelay $0x3  }
0x34: {  	[smem:$0x3FBA] =	sst s10  }
0x35: {  	s10 =	sld [smem:$0x3FB9];
	_ =	sdelay $0x3  }
0x36: {  	p1 =	seq.s32 s10, $0x1;
	s10 =	sld [smem:$0x3FBA];
	_ =	sdelay $0x3  }
0x37: {  	[smem:$0x3FBA] =	sst s10  }
0x38: {  	s10 =	sld [smem:$0x3FBB]  }
0x39: {  	_ = 	snop;
	(pc) =	sbr.ind lr, $3  }
0x3a: {  	_ = 	snop  }
0x3b: {  	_ = 	snop  }
0x3c: {  	p2 =	seq.s32 s10, $0x1;
	s10 =	sld [smem:$0x3FBA]  }
0x3d: {  	_ =	shalt  }
0x3e: {  	_ =	shalt  }
0x3f: {  	_ =	shalt  }
0x40: {  	_ =	shalt  }
0x41: {  	_ =	shalt  }
0x42: {  	_ =	shalt  }
0x43: {  	_ =	shalt  }
0x44: {  	_ =	shalt  }
0x45: {  	_ =	shalt  }
0x46: {  	_ =	shalt  }
0x47: {  	_ =	shalt  }
0x48: {  	_ =	shalt  }
0x49: {  	_ =	shalt  }
0x4a: {  	_ =	shalt  }
0x4b: {  	_ =	shalt  }
0x4c: {  	_ =	shalt  }
0x4d: {  	_ =	shalt  }
0x4e: {  	_ =	shalt  }
0x4f: {  	_ =	shalt  }
0x50: {  	_ =	shalt  }
0x51: {  	_ =	shalt  }
0x52: {  	_ =	shalt  }
0x53: {  	_ =	shalt  }
0x54: {  	_ =	shalt  }
0x55: {  	_ =	shalt  }
0x56: {  	_ =	shalt  }
0x57: {  	_ =	shalt  }
0x58: {  	_ =	shalt  }
0x59: {  	_ =	shalt  }
0x5a: {  	_ =	shalt  }
0x5b: {  	_ =	shalt  }
0x5c: {  	_ =	shalt  }
0x5d: {  	_ =	shalt  }
0x5e: {  	_ =	shalt  }
0x5f: {  	_ =	shalt  }
0x60: {  	_ =	shalt  }
0x61: {  	_ =	shalt  }
0x62: {  	_ =	shalt  }
0x63: {  	_ =	shalt  }
0x64: {  	_ =	shalt  }
0x65: {  	_ =	shalt  }
0x66: {  	_ =	shalt  }
0x67: {  	_ =	shalt  }
0x68: {  	_ =	shalt  }
0x69: {  	_ =	shalt  }
0x6a: {  	_ =	shalt  }
0x6b: {  	_ =	shalt  }
0x6c: {  	_ =	shalt  }
0x6d: {  	_ =	shalt  }
0x6e: {  	_ =	shalt  }
0x6f: {  	_ =	shalt  }
0x70: {  	_ =	shalt  }
0x71: {  	_ =	shalt  }
0x72: {  	_ =	shalt  }
0x73: {  	_ =	shalt  }
0x74: {  	_ =	shalt  }
0x75: {  	_ =	shalt  }
0x76: {  	_ =	shalt  }
0x77: {  	_ =	shalt  }
0x78: {  	_ =	shalt  }
0x79: {  	_ =	shalt  }
0x7a: {  	_ =	shalt  }
0x7b: {  	_ =	shalt  }
0x7c: {  	_ =	shalt  }
0x7d: {  	_ =	shalt  }
0x7e: {  	_ =	shalt  }
0x7f: {  	_ =	shalt  }
0x80: {  	_ =	shalt  }
0x81: {  	_ =	shalt  }
0x82: {  	_ =	shalt  }
0x83: {  	_ =	shalt  }
0x84: {  	_ =	shalt  }
0x85: {  	_ =	shalt  }
0x86: {  	_ =	shalt  }
0x87: {  	_ =	shalt  }
.Lfunc_end0:
.L_simem_size_0:
called_computation_lowered:
.L_overlay_start_0:
0x88: {  	s2 =	sld [smem:$0x3FD9]  }
0x89: {  	s3 =	sld [smem:$0x3FFE];
	_ =	sdelay $0x1  }
0x8a: {  	s1 =	srdreg.scid  }
0x8b: {  	s0 =	sand.u32 $0x1, s1  }
0x8c: {  	s17 =	sshll.u32 s0, $0xA;
	s2 =	sadd.s32 s3, s2  }
0x8d: {  	s2 =	sadd.s32 s2, s17  }
0x8e: {  	[smem:$0x3FC6] =	sst s2  }
0x8f: {  	_ = 	snop  }
0x90: {  	s2 =	sld [smem:$0x3FC9]  }
0x91: {  	s18 =	sld [smem:$0x3FC8];
	(tm) =	ssettm $0x1  }
0x92: {  	s4 =	sld [smem:$0x3FFB];
	_ =	sdelay $0x3  }
0x93: {  	_ =	strace s4  }
0x94: {  	s4 =	sld [smem:$0x3FFC];
	_ =	sdelay $0x3  }
0x95: {  	_ =	strace s4  }
0x96: {  	s4 =	sld [smem:$0x3FFD];
	_ =	sdelay $0x3  }
0x97: {  	_ =	strace s4  }
0x98: {  	_ =	strace $0x8FFFFFFF  }
0x99: {  	s19 =	sld [smem:$0x3FDB];
	_ =	sdelay $0x1  }
0x9a: {  	s5 =	simm.s32 $_scs_section_size  }
0x9b: {  	s6 =	simm.s32 $_size__tile_overlayer_lowered;
	s7 =	simm.s32 $_tile_overlayer_lowered  }
0x9c: {  	s22 =	simm.s32 $0x1BFF;
	s21 =	sshll.u32 s7, $0x1;
	s4 =	sadd.s32 s5, s19  }
0x9d: {  	s8 =	simm.s32 $0x0;
	s20 =	sshll.u32 s6, $0x1;
	s6 =	sadd.s32 s21, s4  }
0x9e: {  	[timem:s8], [sflag:s22] =	dma.local [hbm:s6], s20  }
0x9f: {  	_ =	swait.ge [sflag:s22], s20  }
0xa0: {  	s5 =	ssub.s32 $0x0, s20;
	[sflag:s22] =	ssyncset.done $0x0  }
0xa1: {  	[sflag:s22] =	ssyncadd.s32 s5;
	_ =	sdelay $0x1  }
0xa2: {  	s23 =	simm.s32 $0x1B8B  }
0xa3: {  	_ =	swait.ge [sflag:s23], $0x1  }
0xa4: {  	[sflag:s23] =	ssyncset.done $0x0  }
0xa5: {  	s25 =	simm.s32 $0x1B8E;
	s24 =	sld [smem:$0x3FFE];
	[sflag:s23] =	ssyncadd.s32 $0xFFFFFFFF  }
0xa6: {  	s26 =	simm.s32 $execute0_lowered;
	[smem:$0x3FD2] =	sst s25  }
0xa7: {  	s6 =	sshll.u32 s26, $0x1;
	_ =	strace $0x80000046;
	[dreg:$0x1] =	wrdreg $0xFFFFFFFF  }
0xa8: {  	s28 =	simm.s32 $_size_execute0_lowered;
	s4 =	sadd.s32 s4, s6;
	[dreg:$0x0] =	wrdreg $0x0  }
0xa9: {  	s6 =	sshll.u32 s28, $0x1;
	[dreg:$0x2] =	wrdreg s4  }
0xaa: {  	[dreg:$0x3] =	wrdreg s6  }
0xab: {  	[dreg:$0x4] =	wrdreg $0xC0  }
0xac: {  	_ =	task [dreg:s8], $0x5FFFF  }
0xad: {  	[dreg:$0x1] =	wrdreg $0xFFFFFFFF  }
0xae: {  	[dreg:$0x0] =	wrdreg $0x60  }
0xaf: {  	[dreg:$0x2] =	wrdreg s2  }
0xb0: {  	[dreg:$0x3] =	wrdreg s24  }
0xb1: {  	[dreg:$0x4] =	wrdreg s18  }
0xb2: {  	[dreg:$0x5] =	wrdreg $0x9  }
0xb3: {  	_ =	task.clear_ibuf [dreg:s8], $0x6FFFF;
	_ =	strace $0x90000046  }
0xb4: {  	s29 =	simm.s32 $0x9;
	_ =	strace $0x80000048  }
0xb5: {  	_ =	swait.ge [sflag:s29], $0x1  }
0xb6: {  	[sflag:s29] =	ssyncadd.s32 $0xFFFFFFFF  }
0xb7: {  	_ =	strace $0x90000048  }
0xb8: {  	_ =	sfence  }
0xb9: {  	s30 =	sld [smem:$0x0];
	_ =	sdelay $0x2  }
0xba: {  	s31 =	sshll.u32 s1, $0xD;
	s1 =	sshrl.u32 s1, $0x2  }
0xbb: {  	s3 =	sand.u32 $0x4000, s31;
	s1 =	sadd.s32 s1, s30  }
0xbc: {  	s0 =	sor.u32 s3, s0;
	s1 =	sshll.u32 s1, $0x11  }
0xbd: {  	s0 =	sor.u32 s1, s0  }
0xbe: {  	s0 =	sadd.s32 $0x8F2B, s0  }
0xbf: {  	[sflag:s0] =	ssyncadd.remote.s32 $0x1  }
0xc0: {  	_ =	sfence.sel $0xFFFF  }
0xc1: {  	[dreg:$0x0] =	wrdreg $0xFFFFFFFF;
	(pc) =	sbr.abs _section_cstart, $3  }
0xc2: {  	[dreg:$0x1] =	wrdreg $0xFFFFFFFF  }
0xc3: {  	_ =	task.clear_ibuf [dreg:s8], $0x2FFFF;
	_ =	strace $0x9FFFFFFF  }
0xc4: {  	(tm) =	ssettm $0x7FFFFFFF  }
0xc5: {  	_ =	shalt  }
tec
execute0_lowered:
.L_overlay_start_1:
0x0: {  	(tag) =	ssettag $0x1  }
0x1: {  	s5 =	rddreg [dreg:$0x0]  }
0x2: {  	s4 =	rddreg [dreg:$0x1]  }
0x3: {  	s2 =	rddreg [dreg:$0x2]  }
0x4: {  	s3 =	srdreg.scid;
	s0 =	rddreg [dreg:$0x3]  }
0x5: {  	s1 =	stileid.u32;
	s11 =	simm.s32 $0x200;
	s12 =	simm.s32 $0x2200  }
0x6: {  	s13 =	simm.s32 $0x4200;
	s14 =	simm.s32 $0x6200;
	s15 =	simm.s32 $0x5  }
0x7: {  	s16 =	simm.s32 $0x1;
	s17 =	simm.s32 $0x2;
	s18 =	simm.s32 $0x3  }
0x8: {  	s20 =	simm.s32 $0x8200;
	s19 =	simm.s32 $0x4;
	s6 =	sand.u32 $0x1, s3  }
0x9: {  	s3 =	simm.s32 $0x0;
	s7 =	sshll.u32 s1, $0xA;
	s9 =	sshll.u32 s1, $0xE  }
0xa: {  	s8 =	sshll.u32 s6, $0x9;
	[smem:$0x7FF] =	sst s3;
	s10 =	ssub.s32 $0x2, s6  }
0xb: {  	s6 =	sshll.u32 s6, $0xD;
	s7 =	sor.u32 s8, s7;
	_ =	strace $0x80000047  }
0xc: {  	s30 =	sshrl.u32 s10, $0x1;
	[dreg:$0x5] =	wrdreg s20;
	s8 =	sshll.u32 s7, $0x4  }
0xd: {  	s20 =	simm.s32 $0x0;
	s7 =	sshrl.u32 s7, $0x3;
	s8 =	sadd.s32 s8, s4  }
0xe: {  	v0 =	vlaneseq.u32;
	s4 =	sadd.s32 s9, s4;
	s9 =	ssub.s32 s10, s30;
	s5 =	sadd.s32 s5, s7  }
0xf: {  	v0 =	vmul.u32 $0x80, v0;
	s7 =	simm.s32 $0x8A00;
	s10 =	simm.s32 $0x7A1400;
	s6 =	sadd.s32 s6, s4  }
0x10: {  	s4 =	sadd.s32 $0x400, s8;
	s8 =	simm.s32 $0x6;
	s31 =	sadd.s32 $0x40400, s6  }
0x11: {  	v1 =	vor.u32 $0x800, v0;
	v2 =	vor.u32 $0x1000, v0;
	v3 =	vor.u32 $0x1800, v0;
	s6 =	smax.u32 s9, $0x1;
	s9 =	simm.s32 $0x400;
	[dreg:$0x4] =	wrdreg s31  }
.LBB2_1:
0x12: {  	[tilespmem:s7], [sflag:$0x5] =	stream.linear.gather [hbm4b:s4+s3], $0x10000, $0x38;
	[tilespmem:$0x18A00] =	vst v63  }
0x13: {  	_ = 	snop  }
0x14: {  	[tilespmem:s3], [sflag:$0x6] =	stream.linear.gather [hbm4b:s5+s3], $0x200, $0x38;
	[tilespmem:$0x18A00] =	vst v63  }
0x15: {  	_ =	swait.ge [sflag:s8], $0x200  }
0x16: {  	[sflag:s8] =	ssyncset.done $0x0  }
0x17: {  	[sflag:s8] =	ssyncadd.s32 $0xFFFFFE00  }
0x18: {  	v4 =	vld [tilespmem:$0x0];
	_ =	sdelay $0x4  }
0x19: {  	(v2sf) =	vpush v4, $0x2  }
0x1a: {  	(v2sf) =	vpush v4, $0x3  }
0x1b: {  	(v2sf) =	vpush v4, $0x0;
	_ =	sdelay $0x1  }
0x1c: {  	(v2sf) =	vpush v4, $0x1;
	_ =	sdelay $0xa  }
0x1d: {  	s21 =	spop (v2sf)  }
0x1e: {  	s22 =	spop (v2sf)  }
0x1f: {  	s23 =	spop (v2sf)  }
0x20: {  	s23 =	sand.u32 $0xFFFFF80, s23  }
0x21: {  	s30 =	spop (v2sf);
	s23 =	sadd.s32 s2, s23  }
0x22: {  	[tilespmem:s11], [sflag:$0x1] =	stream.strided.gather [hbm4b:s23+s9], $0x2000, s10, s9, $0x38;
	[tilespmem:$0x18A00] =	vst v63  }
0x23: {  	s23 =	sand.u32 $0xFFFFF80, s30  }
0x24: {  	s21 =	sand.u32 $0xFFFFF80, s21;
	s23 =	sadd.s32 s2, s23  }
0x25: {  	[tilespmem:s12], [sflag:$0x2] =	stream.strided.gather [hbm4b:s23+s9], $0x2000, s10, s9, $0x38;
	[tilespmem:$0x18A00] =	vst v63  }
0x26: {  	s21 =	sadd.s32 s2, s21;
	s31 =	sand.u32 $0xFFFFF80, s22  }
0x27: {  	[tilespmem:s13], [sflag:$0x3] =	stream.strided.gather [hbm4b:s21+s9], $0x2000, s10, s9, $0x38;
	[tilespmem:$0x18A00] =	vst v63  }
0x28: {  	s21 =	sadd.s32 s2, s31  }
0x29: {  	[tilespmem:s14], [sflag:$0x4] =	stream.strided.gather [hbm4b:s21+s9], $0x2000, s10, s9, $0x38;
	[tilespmem:$0x18A00] =	vst v63  }
0x2a: {  	_ =	swait.ge [sflag:s15], $0x10000  }
0x2b: {  	s22 =	simm.s32 $0x0;
	[sflag:s15] =	ssyncset.done $0x0  }
0x2c: {  	s23 =	simm.s32 $0x0;
	s21 =	simm.s32 $0x8E00;
	[sflag:s15] =	ssyncadd.s32 $0xFFFF0000  }
.LBB2_2:
0x2d: {  	v4 =	vld [tilespmem:s22+$0x0];
	_ =	sdelay $0x4  }
0x2e: {  	v4 =	vand.u32 $0x7F, v4  }
0x2f: {  	v5 =	vbroadcast v4, $0x0;
	_ =	sdelay $0x1  }
0x30: {  	v6 =	vor.u32 v0, v5  }
0x31: {  	_ =	swait.ge [sflag:s16], $0x2000  }
0x32: {  	[sflag:s16] =	ssyncset.done $0x0  }
0x33: {  	[sflag:s16] =	ssyncadd.s32 $0xFFFFE000  }
0x34: {  	v7 =	vld [tilespmem:s21+$0xFFFFFC00]  }
0x35: {  	v6 =	vld.idx.msk [tilespmem:v6+s11+$0x0], $0xffff;
	_ =	sdelay $0x2  }
0x36: {  	v8 =	vor.u32 v1, v5;
	_ =	sdelay $0x1  }
0x37: {  	v6 =	vadd.f32 v7, v6;
	_ =	sdelay $0x1  }
0x38: {  	[tilespmem:$0x8200] =	vst v6  }
0x39: {  	v6 =	vld.idx.msk [tilespmem:v8+s11+$0x0], $0xffff  }
0x3a: {  	v26 =	vld [tilespmem:s21+$0xFFFFFC10];
	_ =	sdelay $0x2  }
0x3b: {  	v27 =	vor.u32 v2, v5;
	_ =	sdelay $0x1  }
0x3c: {  	v6 =	vadd.f32 v26, v6;
	_ =	sdelay $0x1  }
0x3d: {  	[tilespmem:$0x8210] =	vst v6  }
0x3e: {  	v6 =	vld.idx.msk [tilespmem:v27+s11+$0x0], $0xffff  }
0x3f: {  	v28 =	vld [tilespmem:s21+$0xFFFFFC20];
	_ =	sdelay $0x2  }
0x40: {  	v5 =	vor.u32 v3, v5;
	_ =	sdelay $0x1  }
0x41: {  	v6 =	vadd.f32 v28, v6;
	_ =	sdelay $0x1  }
0x42: {  	[tilespmem:$0x8220] =	vst v6  }
0x43: {  	v5 =	vld.idx.msk [tilespmem:v5+s11+$0x0], $0xffff  }
0x44: {  	v6 =	vld [tilespmem:s21+$0xFFFFFC30];
	_ =	sdelay $0x4  }
0x45: {  	v5 =	vadd.f32 v6, v5;
	_ =	sdelay $0x1  }
0x46: {  	[tilespmem:$0x8230] =	vst v5  }
0x47: {  	v5 =	vld [tilespmem:s22+$0x0];
	_ =	sdelay $0x4  }
0x48: {  	(v2sf) =	vpush v5, $0x4;
	_ =	sdelay $0xe  }
0x49: {  	v5 =	vbroadcast v4, $0x1;
	s24 =	spop (v2sf)  }
0x4a: {  	s24 =	sand.u32 $0xFFFFF80, s24  }
0x4b: {  	v29 =	vor.u32 v0, v5;
	s24 =	sadd.s32 s2, s24  }
0x4c: {  	[tilespmem:s11], [sflag:$0x1] =	stream.strided.gather [hbm4b:s24+s9], $0x2000, s10, s9, $0x38;
	[tilespmem:$0x18A00] =	vst v63  }
0x4d: {  	_ =	swait.ge [sflag:s17], $0x2000  }
0x4e: {  	[sflag:s17] =	ssyncset.done $0x0  }
0x4f: {  	[sflag:s17] =	ssyncadd.s32 $0xFFFFE000  }
0x50: {  	v6 =	vld.idx.msk [tilespmem:v29+s12+$0x0], $0xffff  }
0x51: {  	v30 =	vld [tilespmem:s21+$0xFFFFFC80];
	_ =	sdelay $0x2  }
0x52: {  	v31 =	vor.u32 v1, v5;
	_ =	sdelay $0x1  }
0x53: {  	v6 =	vadd.f32 v30, v6;
	_ =	sdelay $0x1  }
0x54: {  	[tilespmem:$0x8280] =	vst v6  }
0x55: {  	v6 =	vld.idx.msk [tilespmem:v31+s12+$0x0], $0xffff  }
0x56: {  	v32 =	vld [tilespmem:s21+$0xFFFFFC90];
	_ =	sdelay $0x2  }
0x57: {  	v33 =	vor.u32 v2, v5;
	_ =	sdelay $0x1  }
0x58: {  	v6 =	vadd.f32 v32, v6;
	_ =	sdelay $0x1  }
0x59: {  	[tilespmem:$0x8290] =	vst v6  }
0x5a: {  	v6 =	vld.idx.msk [tilespmem:v33+s12+$0x0], $0xffff  }
0x5b: {  	v34 =	vld [tilespmem:s21+$0xFFFFFCA0];
	_ =	sdelay $0x2  }
0x5c: {  	v5 =	vor.u32 v3, v5;
	_ =	sdelay $0x1  }
0x5d: {  	v6 =	vadd.f32 v34, v6;
	_ =	sdelay $0x1  }
0x5e: {  	[tilespmem:$0x82A0] =	vst v6  }
0x5f: {  	v5 =	vld.idx.msk [tilespmem:v5+s12+$0x0], $0xffff  }
0x60: {  	v6 =	vld [tilespmem:s21+$0xFFFFFCB0];
	_ =	sdelay $0x4  }
0x61: {  	v5 =	vadd.f32 v6, v5;
	_ =	sdelay $0x1  }
0x62: {  	[tilespmem:$0x82B0] =	vst v5  }
0x63: {  	v5 =	vld [tilespmem:s22+$0x0];
	_ =	sdelay $0x4  }
0x64: {  	(v2sf) =	vpush v5, $0x5;
	_ =	sdelay $0xe  }
0x65: {  	v5 =	vbroadcast v4, $0x2;
	s25 =	spop (v2sf)  }
0x66: {  	s24 =	sand.u32 $0xFFFFF80, s25  }
0x67: {  	v35 =	vor.u32 v0, v5;
	s24 =	sadd.s32 s2, s24  }
0x68: {  	[tilespmem:s12], [sflag:$0x2] =	stream.strided.gather [hbm4b:s24+s9], $0x2000, s10, s9, $0x38;
	[tilespmem:$0x18A00] =	vst v63  }
0x69: {  	_ =	swait.ge [sflag:s18], $0x2000  }
0x6a: {  	[sflag:s18] =	ssyncset.done $0x0  }
0x6b: {  	[sflag:s18] =	ssyncadd.s32 $0xFFFFE000  }
0x6c: {  	v6 =	vld.idx.msk [tilespmem:v35+s13+$0x0], $0xffff  }
0x6d: {  	v36 =	vld [tilespmem:s21+$0xFFFFFD00];
	_ =	sdelay $0x2  }
0x6e: {  	v37 =	vor.u32 v1, v5;
	_ =	sdelay $0x1  }
0x6f: {  	v6 =	vadd.f32 v36, v6;
	_ =	sdelay $0x1  }
0x70: {  	[tilespmem:$0x8300] =	vst v6  }
0x71: {  	v6 =	vld.idx.msk [tilespmem:v37+s13+$0x0], $0xffff  }
0x72: {  	v38 =	vld [tilespmem:s21+$0xFFFFFD10];
	_ =	sdelay $0x2  }
0x73: {  	v39 =	vor.u32 v2, v5;
	_ =	sdelay $0x1  }
0x74: {  	v6 =	vadd.f32 v38, v6;
	_ =	sdelay $0x1  }
0x75: {  	[tilespmem:$0x8310] =	vst v6  }
0x76: {  	v6 =	vld.idx.msk [tilespmem:v39+s13+$0x0], $0xffff  }
0x77: {  	v40 =	vld [tilespmem:s21+$0xFFFFFD20];
	_ =	sdelay $0x2  }
0x78: {  	v5 =	vor.u32 v3, v5;
	_ =	sdelay $0x1  }
0x79: {  	v6 =	vadd.f32 v40, v6;
	_ =	sdelay $0x1  }
0x7a: {  	[tilespmem:$0x8320] =	vst v6  }
0x7b: {  	v5 =	vld.idx.msk [tilespmem:v5+s13+$0x0], $0xffff  }
0x7c: {  	v6 =	vld [tilespmem:s21+$0xFFFFFD30];
	_ =	sdelay $0x4  }
0x7d: {  	v5 =	vadd.f32 v6, v5;
	_ =	sdelay $0x1  }
0x7e: {  	[tilespmem:$0x8330] =	vst v5  }
0x7f: {  	v5 =	vld [tilespmem:s22+$0x0];
	_ =	sdelay $0x4  }
0x80: {  	(v2sf) =	vpush v5, $0x6;
	_ =	sdelay $0xe  }
0x81: {  	v5 =	vbroadcast v4, $0x3;
	s26 =	spop (v2sf)  }
0x82: {  	s24 =	sand.u32 $0xFFFFF80, s26  }
0x83: {  	v41 =	vor.u32 v0, v5;
	s24 =	sadd.s32 s2, s24  }
0x84: {  	[tilespmem:s13], [sflag:$0x3] =	stream.strided.gather [hbm4b:s24+s9], $0x2000, s10, s9, $0x38;
	[tilespmem:$0x18A00] =	vst v63  }
0x85: {  	_ =	swait.ge [sflag:s19], $0x2000  }
0x86: {  	[sflag:s19] =	ssyncset.done $0x0  }
0x87: {  	[sflag:s19] =	ssyncadd.s32 $0xFFFFE000  }
0x88: {  	v6 =	vld.idx.msk [tilespmem:v41+s14+$0x0], $0xffff  }
0x89: {  	v42 =	vld [tilespmem:s21+$0xFFFFFD80];
	_ =	sdelay $0x2  }
0x8a: {  	v43 =	vor.u32 v1, v5;
	_ =	sdelay $0x1  }
0x8b: {  	v6 =	vadd.f32 v42, v6;
	_ =	sdelay $0x1  }
0x8c: {  	[tilespmem:$0x8380] =	vst v6  }
0x8d: {  	v6 =	vld.idx.msk [tilespmem:v43+s14+$0x0], $0xffff  }
0x8e: {  	v44 =	vld [tilespmem:s21+$0xFFFFFD90];
	_ =	sdelay $0x2  }
0x8f: {  	v45 =	vor.u32 v2, v5;
	_ =	sdelay $0x1  }
0x90: {  	v6 =	vadd.f32 v44, v6;
	_ =	sdelay $0x1  }
0x91: {  	[tilespmem:$0x8390] =	vst v6  }
0x92: {  	v6 =	vld.idx.msk [tilespmem:v45+s14+$0x0], $0xffff  }
0x93: {  	v46 =	vld [tilespmem:s21+$0xFFFFFDA0];
	_ =	sdelay $0x2  }
0x94: {  	v5 =	vor.u32 v3, v5;
	_ =	sdelay $0x1  }
0x95: {  	v6 =	vadd.f32 v46, v6;
	_ =	sdelay $0x1  }
0x96: {  	[tilespmem:$0x83A0] =	vst v6  }
0x97: {  	v5 =	vld.idx.msk [tilespmem:v5+s14+$0x0], $0xffff  }
0x98: {  	v6 =	vld [tilespmem:s21+$0xFFFFFDB0];
	_ =	sdelay $0x4  }
0x99: {  	v5 =	vadd.f32 v6, v5;
	_ =	sdelay $0x1  }
0x9a: {  	[tilespmem:$0x83B0] =	vst v5  }
0x9b: {  	v5 =	vld [tilespmem:s22+$0x0];
	_ =	sdelay $0x4  }
0x9c: {  	(v2sf) =	vpush v5, $0x7;
	_ =	sdelay $0xe  }
0x9d: {  	v5 =	vbroadcast v4, $0x4;
	s28 =	spop (v2sf)  }
0x9e: {  	s24 =	sand.u32 $0xFFFFF80, s28  }
0x9f: {  	v47 =	vor.u32 v0, v5;
	s24 =	sadd.s32 s2, s24  }
0xa0: {  	[tilespmem:s14], [sflag:$0x4] =	stream.strided.gather [hbm4b:s24+s9], $0x2000, s10, s9, $0x38;
	[tilespmem:$0x18A00] =	vst v63  }
0xa1: {  	_ =	swait.ge [sflag:s16], $0x2000  }
0xa2: {  	[sflag:s16] =	ssyncset.done $0x0  }
0xa3: {  	[sflag:s16] =	ssyncadd.s32 $0xFFFFE000  }
0xa4: {  	v6 =	vld.idx.msk [tilespmem:v47+s11+$0x0], $0xffff  }
0xa5: {  	v48 =	vld [tilespmem:s21+$0xFFFFFE00];
	_ =	sdelay $0x2  }
0xa6: {  	v49 =	vor.u32 v1, v5;
	_ =	sdelay $0x1  }
0xa7: {  	v6 =	vadd.f32 v48, v6;
	_ =	sdelay $0x1  }
0xa8: {  	[tilespmem:$0x8400] =	vst v6  }
0xa9: {  	v6 =	vld.idx.msk [tilespmem:v49+s11+$0x0], $0xffff  }
0xaa: {  	v50 =	vld [tilespmem:s21+$0xFFFFFE10];
	_ =	sdelay $0x2  }
0xab: {  	v51 =	vor.u32 v2, v5;
	_ =	sdelay $0x1  }
0xac: {  	v6 =	vadd.f32 v50, v6;
	_ =	sdelay $0x1  }
0xad: {  	[tilespmem:$0x8410] =	vst v6  }
0xae: {  	v6 =	vld.idx.msk [tilespmem:v51+s11+$0x0], $0xffff  }
0xaf: {  	v52 =	vld [tilespmem:s21+$0xFFFFFE20];
	_ =	sdelay $0x2  }
0xb0: {  	v5 =	vor.u32 v3, v5;
	_ =	sdelay $0x1  }
0xb1: {  	v6 =	vadd.f32 v52, v6;
	_ =	sdelay $0x1  }
0xb2: {  	[tilespmem:$0x8420] =	vst v6  }
0xb3: {  	v5 =	vld.idx.msk [tilespmem:v5+s11+$0x0], $0xffff  }
0xb4: {  	v6 =	vld [tilespmem:s21+$0xFFFFFE30];
	_ =	sdelay $0x4  }
0xb5: {  	v5 =	vadd.f32 v6, v5;
	_ =	sdelay $0x1  }
0xb6: {  	[tilespmem:$0x8430] =	vst v5  }
0xb7: {  	v5 =	vld [tilespmem:s22+$0x0];
	_ =	sdelay $0x4  }
0xb8: {  	(v2sf) =	vpush v5, $0x8;
	_ =	sdelay $0xe  }
0xb9: {  	v5 =	vbroadcast v4, $0x5;
	s29 =	spop (v2sf)  }
0xba: {  	s24 =	sand.u32 $0xFFFFF80, s29  }
0xbb: {  	v53 =	vor.u32 v0, v5;
	s24 =	sadd.s32 s2, s24  }
0xbc: {  	[tilespmem:s11], [sflag:$0x1] =	stream.strided.gather [hbm4b:s24+s9], $0x2000, s10, s9, $0x38;
	[tilespmem:$0x18A00] =	vst v63  }
0xbd: {  	_ =	swait.ge [sflag:s17], $0x2000  }
0xbe: {  	[sflag:s17] =	ssyncset.done $0x0  }
0xbf: {  	[sflag:s17] =	ssyncadd.s32 $0xFFFFE000  }
0xc0: {  	v6 =	vld.idx.msk [tilespmem:v53+s12+$0x0], $0xffff  }
0xc1: {  	v54 =	vld [tilespmem:s21+$0xFFFFFE80];
	_ =	sdelay $0x2  }
0xc2: {  	v55 =	vor.u32 v1, v5;
	_ =	sdelay $0x1  }
0xc3: {  	v6 =	vadd.f32 v54, v6;
	_ =	sdelay $0x1  }
0xc4: {  	[tilespmem:$0x8480] =	vst v6  }
0xc5: {  	v6 =	vld.idx.msk [tilespmem:v55+s12+$0x0], $0xffff  }
0xc6: {  	v56 =	vld [tilespmem:s21+$0xFFFFFE90];
	_ =	sdelay $0x2  }
0xc7: {  	v57 =	vor.u32 v2, v5;
	_ =	sdelay $0x1  }
0xc8: {  	v6 =	vadd.f32 v56, v6;
	_ =	sdelay $0x1  }
0xc9: {  	[tilespmem:$0x8490] =	vst v6  }
0xca: {  	v6 =	vld.idx.msk [tilespmem:v57+s12+$0x0], $0xffff  }
0xcb: {  	v58 =	vld [tilespmem:s21+$0xFFFFFEA0];
	_ =	sdelay $0x2  }
0xcc: {  	v5 =	vor.u32 v3, v5;
	_ =	sdelay $0x1  }
0xcd: {  	v6 =	vadd.f32 v58, v6;
	_ =	sdelay $0x1  }
0xce: {  	[tilespmem:$0x84A0] =	vst v6  }
0xcf: {  	v5 =	vld.idx.msk [tilespmem:v5+s12+$0x0], $0xffff  }
0xd0: {  	v6 =	vld [tilespmem:s21+$0xFFFFFEB0];
	_ =	sdelay $0x4  }
0xd1: {  	v5 =	vadd.f32 v6, v5;
	_ =	sdelay $0x1  }
0xd2: {  	[tilespmem:$0x84B0] =	vst v5  }
0xd3: {  	v5 =	vld [tilespmem:s22+$0x0];
	_ =	sdelay $0x4  }
0xd4: {  	(v2sf) =	vpush v5, $0x9;
	_ =	sdelay $0xe  }
0xd5: {  	v5 =	vbroadcast v4, $0x6;
	s30 =	spop (v2sf)  }
0xd6: {  	s24 =	sand.u32 $0xFFFFF80, s30  }
0xd7: {  	v59 =	vor.u32 v0, v5;
	s24 =	sadd.s32 s2, s24  }
0xd8: {  	[tilespmem:s12], [sflag:$0x2] =	stream.strided.gather [hbm4b:s24+s9], $0x2000, s10, s9, $0x38;
	[tilespmem:$0x18A00] =	vst v63  }
0xd9: {  	_ =	swait.ge [sflag:s18], $0x2000  }
0xda: {  	[sflag:s18] =	ssyncset.done $0x0  }
0xdb: {  	[sflag:s18] =	ssyncadd.s32 $0xFFFFE000  }
0xdc: {  	v6 =	vld.idx.msk [tilespmem:v59+s13+$0x0], $0xffff  }
0xdd: {  	v60 =	vld [tilespmem:s21+$0xFFFFFF00];
	_ =	sdelay $0x2  }
0xde: {  	v61 =	vor.u32 v1, v5;
	_ =	sdelay $0x1  }
0xdf: {  	v6 =	vadd.f32 v60, v6;
	_ =	sdelay $0x1  }
0xe0: {  	[tilespmem:$0x8500] =	vst v6  }
0xe1: {  	v6 =	vld.idx.msk [tilespmem:v61+s13+$0x0], $0xffff  }
0xe2: {  	v62 =	vld [tilespmem:s21+$0xFFFFFF10];
	_ =	sdelay $0x2  }
0xe3: {  	v63 =	vor.u32 v2, v5;
	_ =	sdelay $0x1  }
0xe4: {  	v6 =	vadd.f32 v62, v6;
	_ =	sdelay $0x1  }
0xe5: {  	[tilespmem:$0x8510] =	vst v6  }
0xe6: {  	v6 =	vld.idx.msk [tilespmem:v63+s13+$0x0], $0xffff  }
0xe7: {  	v10 =	vld [tilespmem:s21+$0xFFFFFF20];
	_ =	sdelay $0x2  }
0xe8: {  	v5 =	vor.u32 v3, v5;
	_ =	sdelay $0x1  }
0xe9: {  	v6 =	vadd.f32 v10, v6;
	_ =	sdelay $0x1  }
0xea: {  	[tilespmem:$0x8520] =	vst v6  }
0xeb: {  	v5 =	vld.idx.msk [tilespmem:v5+s13+$0x0], $0xffff  }
0xec: {  	v6 =	vld [tilespmem:s21+$0xFFFFFF30];
	_ =	sdelay $0x4  }
0xed: {  	v5 =	vadd.f32 v6, v5;
	_ =	sdelay $0x1  }
0xee: {  	[tilespmem:$0x8530] =	vst v5  }
0xef: {  	v5 =	vld [tilespmem:s22+$0x0];
	_ =	sdelay $0x4  }
0xf0: {  	(v2sf) =	vpush v5, $0xA;
	_ =	sdelay $0xe  }
0xf1: {  	v5 =	vbroadcast v4, $0x7;
	s31 =	spop (v2sf)  }
0xf2: {  	s24 =	sand.u32 $0xFFFFF80, s31  }
0xf3: {  	v11 =	vor.u32 v0, v5;
	s24 =	sadd.s32 s2, s24  }
0xf4: {  	[tilespmem:s13], [sflag:$0x3] =	stream.strided.gather [hbm4b:s24+s9], $0x2000, s10, s9, $0x38;
	[tilespmem:$0x18A00] =	vst v63  }
0xf5: {  	_ =	swait.ge [sflag:s19], $0x2000  }
0xf6: {  	[sflag:s19] =	ssyncset.done $0x0  }
0xf7: {  	[sflag:s19] =	ssyncadd.s32 $0xFFFFE000  }
0xf8: {  	v6 =	vld.idx.msk [tilespmem:v11+s14+$0x0], $0xffff  }
0xf9: {  	v12 =	vld [tilespmem:s21+$0xFFFFFF80];
	_ =	sdelay $0x2  }
0xfa: {  	v13 =	vor.u32 v1, v5;
	_ =	sdelay $0x1  }
0xfb: {  	v6 =	vadd.f32 v12, v6;
	_ =	sdelay $0x1  }
0xfc: {  	[tilespmem:$0x8580] =	vst v6  }
0xfd: {  	v6 =	vld.idx.msk [tilespmem:v13+s14+$0x0], $0xffff  }
0xfe: {  	v14 =	vld [tilespmem:s21+$0xFFFFFF90];
	_ =	sdelay $0x2  }
0xff: {  	v15 =	vor.u32 v2, v5;
	_ =	sdelay $0x1  }
0x100: {  	v6 =	vadd.f32 v14, v6;
	_ =	sdelay $0x1  }
0x101: {  	[tilespmem:$0x8590] =	vst v6  }
0x102: {  	v6 =	vld.idx.msk [tilespmem:v15+s14+$0x0], $0xffff  }
0x103: {  	v16 =	vld [tilespmem:s21+$0xFFFFFFA0];
	_ =	sdelay $0x2  }
0x104: {  	v5 =	vor.u32 v3, v5;
	_ =	sdelay $0x1  }
0x105: {  	v6 =	vadd.f32 v16, v6;
	_ =	sdelay $0x1  }
0x106: {  	[tilespmem:$0x85A0] =	vst v6  }
0x107: {  	v5 =	vld.idx.msk [tilespmem:v5+s14+$0x0], $0xffff  }
0x108: {  	v6 =	vld [tilespmem:s21+$0xFFFFFFB0];
	_ =	sdelay $0x4  }
0x109: {  	v5 =	vadd.f32 v6, v5;
	_ =	sdelay $0x1  }
0x10a: {  	[tilespmem:$0x85B0] =	vst v5  }
0x10b: {  	v5 =	vld [tilespmem:s22+$0x0];
	_ =	sdelay $0x4  }
0x10c: {  	(v2sf) =	vpush v5, $0xB;
	_ =	sdelay $0xe  }
0x10d: {  	v5 =	vbroadcast v4, $0x8;
	s25 =	spop (v2sf)  }
0x10e: {  	s24 =	sand.u32 $0xFFFFF80, s25  }
0x10f: {  	v17 =	vor.u32 v0, v5;
	s24 =	sadd.s32 s2, s24  }
0x110: {  	[tilespmem:s14], [sflag:$0x4] =	stream.strided.gather [hbm4b:s24+s9], $0x2000, s10, s9, $0x38;
	[tilespmem:$0x18A00] =	vst v63  }
0x111: {  	_ =	swait.ge [sflag:s16], $0x2000  }
0x112: {  	[sflag:s16] =	ssyncset.done $0x0  }
0x113: {  	[sflag:s16] =	ssyncadd.s32 $0xFFFFE000  }
0x114: {  	v6 =	vld.idx.msk [tilespmem:v17+s11+$0x0], $0xffff  }
0x115: {  	v18 =	vld [tilespmem:s21+$0x0];
	_ =	sdelay $0x2  }
0x116: {  	v19 =	vor.u32 v1, v5;
	_ =	sdelay $0x1  }
0x117: {  	v6 =	vadd.f32 v18, v6;
	_ =	sdelay $0x1  }
0x118: {  	[tilespmem:$0x8600] =	vst v6  }
0x119: {  	v6 =	vld.idx.msk [tilespmem:v19+s11+$0x0], $0xffff  }
0x11a: {  	v20 =	vld [tilespmem:s21+$0x10];
	_ =	sdelay $0x2  }
0x11b: {  	v21 =	vor.u32 v2, v5;
	_ =	sdelay $0x1  }
0x11c: {  	v6 =	vadd.f32 v20, v6;
	_ =	sdelay $0x1  }
0x11d: {  	[tilespmem:$0x8610] =	vst v6  }
0x11e: {  	v6 =	vld.idx.msk [tilespmem:v21+s11+$0x0], $0xffff  }
0x11f: {  	v22 =	vld [tilespmem:s21+$0x20];
	_ =	sdelay $0x2  }
0x120: {  	v5 =	vor.u32 v3, v5;
	_ =	sdelay $0x1  }
0x121: {  	v6 =	vadd.f32 v22, v6;
	_ =	sdelay $0x1  }
0x122: {  	[tilespmem:$0x8620] =	vst v6  }
0x123: {  	v5 =	vld.idx.msk [tilespmem:v5+s11+$0x0], $0xffff  }
0x124: {  	v6 =	vld [tilespmem:s21+$0x30];
	_ =	sdelay $0x4  }
0x125: {  	v5 =	vadd.f32 v6, v5;
	_ =	sdelay $0x1  }
0x126: {  	[tilespmem:$0x8630] =	vst v5  }
0x127: {  	v5 =	vld [tilespmem:s22+$0x0];
	_ =	sdelay $0x4  }
0x128: {  	(v2sf) =	vpush v5, $0xC;
	_ =	sdelay $0xe  }
0x129: {  	v5 =	vbroadcast v4, $0x9;
	s26 =	spop (v2sf)  }
0x12a: {  	s24 =	sand.u32 $0xFFFFF80, s26  }
0x12b: {  	v23 =	vor.u32 v0, v5;
	s24 =	sadd.s32 s2, s24  }
0x12c: {  	[tilespmem:s11], [sflag:$0x1] =	stream.strided.gather [hbm4b:s24+s9], $0x2000, s10, s9, $0x38;
	[tilespmem:$0x18A00] =	vst v63  }
0x12d: {  	_ =	swait.ge [sflag:s17], $0x2000  }
0x12e: {  	[sflag:s17] =	ssyncset.done $0x0  }
0x12f: {  	[sflag:s17] =	ssyncadd.s32 $0xFFFFE000  }
0x130: {  	v6 =	vld.idx.msk [tilespmem:v23+s12+$0x0], $0xffff  }
0x131: {  	v24 =	vld [tilespmem:s21+$0x80];
	_ =	sdelay $0x2  }
0x132: {  	v25 =	vor.u32 v1, v5;
	_ =	sdelay $0x1  }
0x133: {  	v6 =	vadd.f32 v24, v6;
	_ =	sdelay $0x1  }
0x134: {  	[tilespmem:$0x8680] =	vst v6  }
0x135: {  	v6 =	vld.idx.msk [tilespmem:v25+s12+$0x0], $0xffff  }
0x136: {  	v26 =	vld [tilespmem:s21+$0x90];
	_ =	sdelay $0x2  }
0x137: {  	v27 =	vor.u32 v2, v5;
	_ =	sdelay $0x1  }
0x138: {  	v6 =	vadd.f32 v26, v6;
	_ =	sdelay $0x1  }
0x139: {  	[tilespmem:$0x8690] =	vst v6  }
0x13a: {  	v6 =	vld.idx.msk [tilespmem:v27+s12+$0x0], $0xffff  }
0x13b: {  	v28 =	vld [tilespmem:s21+$0xA0];
	_ =	sdelay $0x2  }
0x13c: {  	v5 =	vor.u32 v3, v5;
	_ =	sdelay $0x1  }
0x13d: {  	v6 =	vadd.f32 v28, v6;
	_ =	sdelay $0x1  }
0x13e: {  	[tilespmem:$0x86A0] =	vst v6  }
0x13f: {  	v5 =	vld.idx.msk [tilespmem:v5+s12+$0x0], $0xffff  }
0x140: {  	v6 =	vld [tilespmem:s21+$0xB0];
	_ =	sdelay $0x4  }
0x141: {  	v5 =	vadd.f32 v6, v5;
	_ =	sdelay $0x1  }
0x142: {  	[tilespmem:$0x86B0] =	vst v5  }
0x143: {  	v5 =	vld [tilespmem:s22+$0x0];
	_ =	sdelay $0x4  }
0x144: {  	(v2sf) =	vpush v5, $0xD;
	_ =	sdelay $0xe  }
0x145: {  	v5 =	vbroadcast v4, $0xA;
	s28 =	spop (v2sf)  }
0x146: {  	s24 =	sand.u32 $0xFFFFF80, s28  }
0x147: {  	v29 =	vor.u32 v0, v5;
	s24 =	sadd.s32 s2, s24  }
0x148: {  	[tilespmem:s12], [sflag:$0x2] =	stream.strided.gather [hbm4b:s24+s9], $0x2000, s10, s9, $0x38;
	[tilespmem:$0x18A00] =	vst v63  }
0x149: {  	_ =	swait.ge [sflag:s18], $0x2000  }
0x14a: {  	[sflag:s18] =	ssyncset.done $0x0  }
0x14b: {  	[sflag:s18] =	ssyncadd.s32 $0xFFFFE000  }
0x14c: {  	v6 =	vld.idx.msk [tilespmem:v29+s13+$0x0], $0xffff  }
0x14d: {  	v30 =	vld [tilespmem:s21+$0x100];
	_ =	sdelay $0x2  }
0x14e: {  	v31 =	vor.u32 v1, v5;
	_ =	sdelay $0x1  }
0x14f: {  	v6 =	vadd.f32 v30, v6;
	_ =	sdelay $0x1  }
0x150: {  	[tilespmem:$0x8700] =	vst v6  }
0x151: {  	v6 =	vld.idx.msk [tilespmem:v31+s13+$0x0], $0xffff  }
0x152: {  	v32 =	vld [tilespmem:s21+$0x110];
	_ =	sdelay $0x2  }
0x153: {  	v33 =	vor.u32 v2, v5;
	_ =	sdelay $0x1  }
0x154: {  	v6 =	vadd.f32 v32, v6;
	_ =	sdelay $0x1  }
0x155: {  	[tilespmem:$0x8710] =	vst v6  }
0x156: {  	v6 =	vld.idx.msk [tilespmem:v33+s13+$0x0], $0xffff  }
0x157: {  	v34 =	vld [tilespmem:s21+$0x120];
	_ =	sdelay $0x2  }
0x158: {  	v5 =	vor.u32 v3, v5;
	_ =	sdelay $0x1  }
0x159: {  	v6 =	vadd.f32 v34, v6;
	_ =	sdelay $0x1  }
0x15a: {  	[tilespmem:$0x8720] =	vst v6  }
0x15b: {  	v5 =	vld.idx.msk [tilespmem:v5+s13+$0x0], $0xffff  }
0x15c: {  	v6 =	vld [tilespmem:s21+$0x130];
	_ =	sdelay $0x4  }
0x15d: {  	v5 =	vadd.f32 v6, v5;
	_ =	sdelay $0x1  }
0x15e: {  	[tilespmem:$0x8730] =	vst v5  }
0x15f: {  	v5 =	vld [tilespmem:s22+$0x0];
	_ =	sdelay $0x4  }
0x160: {  	(v2sf) =	vpush v5, $0xE;
	_ =	sdelay $0xe  }
0x161: {  	v5 =	vbroadcast v4, $0xB;
	s29 =	spop (v2sf)  }
0x162: {  	s24 =	sand.u32 $0xFFFFF80, s29  }
0x163: {  	v35 =	vor.u32 v0, v5;
	s24 =	sadd.s32 s2, s24  }
0x164: {  	[tilespmem:s13], [sflag:$0x3] =	stream.strided.gather [hbm4b:s24+s9], $0x2000, s10, s9, $0x38;
	[tilespmem:$0x18A00] =	vst v63  }
0x165: {  	_ =	swait.ge [sflag:s19], $0x2000  }
0x166: {  	[sflag:s19] =	ssyncset.done $0x0  }
0x167: {  	[sflag:s19] =	ssyncadd.s32 $0xFFFFE000  }
0x168: {  	v6 =	vld.idx.msk [tilespmem:v35+s14+$0x0], $0xffff  }
0x169: {  	v36 =	vld [tilespmem:s21+$0x180];
	_ =	sdelay $0x2  }
0x16a: {  	v37 =	vor.u32 v1, v5;
	_ =	sdelay $0x1  }
0x16b: {  	v6 =	vadd.f32 v36, v6;
	_ =	sdelay $0x1  }
0x16c: {  	[tilespmem:$0x8780] =	vst v6  }
0x16d: {  	v6 =	vld.idx.msk [tilespmem:v37+s14+$0x0], $0xffff  }
0x16e: {  	v38 =	vld [tilespmem:s21+$0x190];
	_ =	sdelay $0x2  }
0x16f: {  	v39 =	vor.u32 v2, v5;
	_ =	sdelay $0x1  }
0x170: {  	v6 =	vadd.f32 v38, v6;
	_ =	sdelay $0x1  }
0x171: {  	[tilespmem:$0x8790] =	vst v6  }
0x172: {  	v6 =	vld.idx.msk [tilespmem:v39+s14+$0x0], $0xffff  }
0x173: {  	v40 =	vld [tilespmem:s21+$0x1A0];
	_ =	sdelay $0x2  }
0x174: {  	v5 =	vor.u32 v3, v5;
	_ =	sdelay $0x1  }
0x175: {  	v6 =	vadd.f32 v40, v6;
	_ =	sdelay $0x1  }
0x176: {  	[tilespmem:$0x87A0] =	vst v6  }
0x177: {  	v5 =	vld.idx.msk [tilespmem:v5+s14+$0x0], $0xffff  }
0x178: {  	v6 =	vld [tilespmem:s21+$0x1B0];
	_ =	sdelay $0x4  }
0x179: {  	v5 =	vadd.f32 v6, v5;
	_ =	sdelay $0x1  }
0x17a: {  	[tilespmem:$0x87B0] =	vst v5  }
0x17b: {  	v5 =	vld [tilespmem:s22+$0x0];
	_ =	sdelay $0x4  }
0x17c: {  	(v2sf) =	vpush v5, $0xF;
	_ =	sdelay $0xe  }
0x17d: {  	v5 =	vbroadcast v4, $0xC;
	s30 =	spop (v2sf)  }
0x17e: {  	s24 =	sand.u32 $0xFFFFF80, s30  }
0x17f: {  	v41 =	vor.u32 v0, v5;
	s24 =	sadd.s32 s2, s24  }
0x180: {  	[tilespmem:s14], [sflag:$0x4] =	stream.strided.gather [hbm4b:s24+s9], $0x2000, s10, s9, $0x38;
	[tilespmem:$0x18A00] =	vst v63  }
0x181: {  	_ =	swait.ge [sflag:s16], $0x2000  }
0x182: {  	[sflag:s16] =	ssyncset.done $0x0  }
0x183: {  	[sflag:s16] =	ssyncadd.s32 $0xFFFFE000  }
0x184: {  	v6 =	vld.idx.msk [tilespmem:v41+s11+$0x0], $0xffff  }
0x185: {  	v42 =	vld [tilespmem:s21+$0x200];
	_ =	sdelay $0x2  }
0x186: {  	v43 =	vor.u32 v1, v5;
	_ =	sdelay $0x1  }
0x187: {  	v6 =	vadd.f32 v42, v6;
	_ =	sdelay $0x1  }
0x188: {  	[tilespmem:$0x8800] =	vst v6  }
0x189: {  	v6 =	vld.idx.msk [tilespmem:v43+s11+$0x0], $0xffff  }
0x18a: {  	v44 =	vld [tilespmem:s21+$0x210];
	_ =	sdelay $0x2  }
0x18b: {  	v45 =	vor.u32 v2, v5;
	_ =	sdelay $0x1  }
0x18c: {  	v6 =	vadd.f32 v44, v6;
	_ =	sdelay $0x1  }
0x18d: {  	[tilespmem:$0x8810] =	vst v6  }
0x18e: {  	v6 =	vld.idx.msk [tilespmem:v45+s11+$0x0], $0xffff  }
0x18f: {  	v46 =	vld [tilespmem:s21+$0x220];
	_ =	sdelay $0x2  }
0x190: {  	v5 =	vor.u32 v3, v5;
	_ =	sdelay $0x1  }
0x191: {  	v6 =	vadd.f32 v46, v6;
	_ =	sdelay $0x1  }
0x192: {  	[tilespmem:$0x8820] =	vst v6  }
0x193: {  	v5 =	vld.idx.msk [tilespmem:v5+s11+$0x0], $0xffff  }
0x194: {  	v6 =	vld [tilespmem:s21+$0x230];
	_ =	sdelay $0x4  }
0x195: {  	v5 =	vadd.f32 v6, v5;
	_ =	sdelay $0x1  }
0x196: {  	p0 =	seq.s32 s23, $0x1F00;
	[tilespmem:$0x8830] =	vst v5  }
0x197: {  	v5 =	vld @!p0 [tilespmem:s22+$0x10];
	_ =	sdelay $0x4  }
0x198: {  	(v2sf) =	vpush @!p0 v5, $0x0;
	_ =	sdelay $0xe  }
0x199: {  	v5 =	vbroadcast v4, $0xD;
	s24 =	spop @!p0 (v2sf)  }
0x19a: {  	s25 =	simm.s32 @!p0 $0x7A1400;
	s24 =	sand.u32 @!p0 $0xFFFFF80, s24  }
0x19b: {  	s28 =	simm.s32 @!p0 $0x200;
	v47 =	vor.u32 v0, v5;
	s26 =	sadd.s32 @!p0 s2, s24;
	s24 =	simm.s32 @!p0 $0x400  }
0x19c: {  	[tilespmem:s28], [sflag:$0x1] =	stream.strided.gather @!p0 [hbm4b:s26+s24], $0x2000, s25, s24, $0x38;
	[tilespmem:$0x18A00] =	vst v63  }
0x19d: {  	_ =	swait.ge [sflag:s17], $0x2000  }
0x19e: {  	[sflag:s17] =	ssyncset.done $0x0  }
0x19f: {  	[sflag:s17] =	ssyncadd.s32 $0xFFFFE000  }
0x1a0: {  	v6 =	vld.idx.msk [tilespmem:v47+s12+$0x0], $0xffff  }
0x1a1: {  	v48 =	vld [tilespmem:s21+$0x280];
	_ =	sdelay $0x2  }
0x1a2: {  	v49 =	vor.u32 v1, v5;
	_ =	sdelay $0x1  }
0x1a3: {  	v6 =	vadd.f32 v48, v6;
	_ =	sdelay $0x1  }
0x1a4: {  	[tilespmem:$0x8880] =	vst v6  }
0x1a5: {  	v6 =	vld.idx.msk [tilespmem:v49+s12+$0x0], $0xffff  }
0x1a6: {  	v50 =	vld [tilespmem:s21+$0x290];
	_ =	sdelay $0x2  }
0x1a7: {  	v51 =	vor.u32 v2, v5;
	_ =	sdelay $0x1  }
0x1a8: {  	v6 =	vadd.f32 v50, v6;
	_ =	sdelay $0x1  }
0x1a9: {  	[tilespmem:$0x8890] =	vst v6  }
0x1aa: {  	v6 =	vld.idx.msk [tilespmem:v51+s12+$0x0], $0xffff  }
0x1ab: {  	v52 =	vld [tilespmem:s21+$0x2A0];
	_ =	sdelay $0x2  }
0x1ac: {  	v5 =	vor.u32 v3, v5;
	_ =	sdelay $0x1  }
0x1ad: {  	v6 =	vadd.f32 v52, v6;
	_ =	sdelay $0x1  }
0x1ae: {  	[tilespmem:$0x88A0] =	vst v6  }
0x1af: {  	v5 =	vld.idx.msk [tilespmem:v5+s12+$0x0], $0xffff  }
0x1b0: {  	v6 =	vld [tilespmem:s21+$0x2B0];
	_ =	sdelay $0x4  }
0x1b1: {  	v5 =	vadd.f32 v6, v5;
	_ =	sdelay $0x1  }
0x1b2: {  	[tilespmem:$0x88B0] =	vst v5  }
0x1b3: {  	v5 =	vld @!p0 [tilespmem:s22+$0x10];
	_ =	sdelay $0x4  }
0x1b4: {  	(v2sf) =	vpush @!p0 v5, $0x1;
	_ =	sdelay $0xe  }
0x1b5: {  	v5 =	vbroadcast v4, $0xE;
	s26 =	spop @!p0 (v2sf)  }
0x1b6: {  	s26 =	sand.u32 @!p0 $0xFFFFF80, s26  }
0x1b7: {  	s28 =	simm.s32 @!p0 $0x2200;
	v53 =	vor.u32 v0, v5;
	s26 =	sadd.s32 @!p0 s2, s26  }
0x1b8: {  	[tilespmem:s28], [sflag:$0x2] =	stream.strided.gather @!p0 [hbm4b:s26+s24], $0x2000, s25, s24, $0x38;
	[tilespmem:$0x18A00] =	vst v63  }
0x1b9: {  	_ =	swait.ge [sflag:s18], $0x2000  }
0x1ba: {  	[sflag:s18] =	ssyncset.done $0x0  }
0x1bb: {  	[sflag:s18] =	ssyncadd.s32 $0xFFFFE000  }
0x1bc: {  	v6 =	vld.idx.msk [tilespmem:v53+s13+$0x0], $0xffff  }
0x1bd: {  	v54 =	vld [tilespmem:s21+$0x300];
	_ =	sdelay $0x2  }
0x1be: {  	v55 =	vor.u32 v1, v5;
	_ =	sdelay $0x1  }
0x1bf: {  	v6 =	vadd.f32 v54, v6;
	_ =	sdelay $0x1  }
0x1c0: {  	[tilespmem:$0x8900] =	vst v6  }
0x1c1: {  	v6 =	vld.idx.msk [tilespmem:v55+s13+$0x0], $0xffff  }
0x1c2: {  	v56 =	vld [tilespmem:s21+$0x310];
	_ =	sdelay $0x2  }
0x1c3: {  	v57 =	vor.u32 v2, v5;
	_ =	sdelay $0x1  }
0x1c4: {  	v6 =	vadd.f32 v56, v6;
	_ =	sdelay $0x1  }
0x1c5: {  	[tilespmem:$0x8910] =	vst v6  }
0x1c6: {  	v6 =	vld.idx.msk [tilespmem:v57+s13+$0x0], $0xffff  }
0x1c7: {  	v58 =	vld [tilespmem:s21+$0x320];
	_ =	sdelay $0x2  }
0x1c8: {  	v5 =	vor.u32 v3, v5;
	_ =	sdelay $0x1  }
0x1c9: {  	v6 =	vadd.f32 v58, v6;
	_ =	sdelay $0x1  }
0x1ca: {  	[tilespmem:$0x8920] =	vst v6  }
0x1cb: {  	v5 =	vld.idx.msk [tilespmem:v5+s13+$0x0], $0xffff  }
0x1cc: {  	v6 =	vld [tilespmem:s21+$0x330];
	_ =	sdelay $0x4  }
0x1cd: {  	v5 =	vadd.f32 v6, v5;
	_ =	sdelay $0x1  }
0x1ce: {  	[tilespmem:$0x8930] =	vst v5  }
0x1cf: {  	v5 =	vld @!p0 [tilespmem:s22+$0x10];
	_ =	sdelay $0x4  }
0x1d0: {  	(v2sf) =	vpush @!p0 v5, $0x2;
	_ =	sdelay $0xe  }
0x1d1: {  	v4 =	vbroadcast v4, $0xF;
	s26 =	spop @!p0 (v2sf)  }
0x1d2: {  	s26 =	sand.u32 @!p0 $0xFFFFF80, s26  }
0x1d3: {  	s28 =	simm.s32 @!p0 $0x4200;
	v5 =	vor.u32 v0, v4;
	s26 =	sadd.s32 @!p0 s2, s26  }
0x1d4: {  	[tilespmem:s28], [sflag:$0x3] =	stream.strided.gather @!p0 [hbm4b:s26+s24], $0x2000, s25, s24, $0x38;
	[tilespmem:$0x18A00] =	vst v63  }
0x1d5: {  	_ =	swait.ge [sflag:s19], $0x2000  }
0x1d6: {  	[sflag:s19] =	ssyncset.done $0x0  }
0x1d7: {  	[sflag:s19] =	ssyncadd.s32 $0xFFFFE000  }
0x1d8: {  	v5 =	vld.idx.msk [tilespmem:v5+s14+$0x0], $0xffff  }
0x1d9: {  	v59 =	vld [tilespmem:s21+$0x380];
	_ =	sdelay $0x2  }
0x1da: {  	v60 =	vor.u32 v1, v4;
	_ =	sdelay $0x1  }
0x1db: {  	v5 =	vadd.f32 v59, v5;
	_ =	sdelay $0x1  }
0x1dc: {  	[tilespmem:$0x8980] =	vst v5  }
0x1dd: {  	v5 =	vld.idx.msk [tilespmem:v60+s14+$0x0], $0xffff  }
0x1de: {  	v61 =	vld [tilespmem:s21+$0x390];
	_ =	sdelay $0x2  }
0x1df: {  	v62 =	vor.u32 v2, v4;
	_ =	sdelay $0x1  }
0x1e0: {  	v5 =	vadd.f32 v61, v5;
	_ =	sdelay $0x1  }
0x1e1: {  	[tilespmem:$0x8990] =	vst v5  }
0x1e2: {  	v5 =	vld.idx.msk [tilespmem:v62+s14+$0x0], $0xffff  }
0x1e3: {  	v63 =	vld [tilespmem:s21+$0x3A0];
	_ =	sdelay $0x2  }
0x1e4: {  	v4 =	vor.u32 v3, v4;
	_ =	sdelay $0x1  }
0x1e5: {  	v5 =	vadd.f32 v63, v5;
	_ =	sdelay $0x1  }
0x1e6: {  	[tilespmem:$0x89A0] =	vst v5  }
0x1e7: {  	v4 =	vld.idx.msk [tilespmem:v4+s14+$0x0], $0xffff  }
0x1e8: {  	v5 =	vld [tilespmem:s21+$0x3B0];
	_ =	sdelay $0x4  }
0x1e9: {  	v4 =	vadd.f32 v5, v4;
	_ =	sdelay $0x1  }
0x1ea: {  	[tilespmem:$0x89B0] =	vst v4  }
0x1eb: {  	v4 =	vld @!p0 [tilespmem:s22+$0x10];
	_ =	sdelay $0x4  }
0x1ec: {  	(v2sf) =	vpush @!p0 v4, $0x3;
	_ =	sdelay $0xe  }
0x1ed: {  	s26 =	spop @!p0 (v2sf)  }
0x1ee: {  	s29 =	simm.s32 @!p0 $0x6200;
	s31 =	rddreg [dreg:$0x4];
	s26 =	sand.u32 @!p0 $0xFFFFF80, s26  }
0x1ef: {  	s31 =	sadd.s32 s23, s31;
	s23 =	sadd.s32 $0x100, s23;
	s26 =	sadd.s32 @!p0 s2, s26  }
0x1f0: {  	[tilespmem:s29], [sflag:$0x4] =	stream.strided.gather @!p0 [hbm4b:s26+s24], $0x2000, s25, s24, $0x38;
	[tilespmem:$0x18A00] =	vst v63  }
0x1f1: {  	p0 =	sne.s32 s23, $0x2000  }
.Ltmp0:
0x1f2: {  	s30 =	rddreg [dreg:$0x5];
	(pc) =	sbr.rel @p0 .LBB2_2-.Ltmp0, $4  }
0x1f3: {  	[hbm4b:s31+s3] =	stream.linear.scatter [tilespmem:s30], [sflag:$0x6], $0x800, $0x38;
	[tilespmem:$0x18A00] =	vst v63  }
0x1f4: {  	_ =	swait.ge [sflag:s8], $0x800  }
0x1f5: {  	[sflag:s8] =	ssyncset.done $0x0  }
0x1f6: {  	s21 =	sadd.s32 $0x800, s21;
	s22 =	sadd.s32 $0x10, s22;
	[sflag:s8] =	ssyncadd.s32 $0xFFFFF800  }
0x1f7: {  	s20 =	sadd.s32 $0x1, s20  }
0x1f8: {  	p0 =	sne.s32 s20, s6  }
.Ltmp1:
0x1f9: {  	_ = 	snop;
	(pc) =	sbr.rel @p0 .LBB2_1-.Ltmp1, $1  }
0x1fa: {  	_ =	sdelay $0x3  }
0x1fb: {  	_ =	sfence.sel $0x180000  }
0x1fc: {  	[bflag:$0x0] =	sbarrier.arrive $0xFFFF  }
0x1fd: {  	p0 =	sne.s32 s1, $0x0;
	_ =	strace $0x90000047  }
0x1fe: {  	s0 =	sadd.s32 @!p0 $0x100000, s0;
	[bflag:$0x2] =	sbarrier.arrive $0xFFFF  }
0x1ff: {  	[sflag:s0] =	ssyncadd.tile.s32 @!p0 $0x1;
	_ =	shalt  }
.Lfunc_end2:
_tile_overlayer_lowered:
.L_overlay_start_2:
0x200: {  	(tag) =	ssettag $0x2  }
0x201: {  	s0 =	rddreg [dreg:$0x0];
	s2 =	stileid.u32  }
0x202: {  	s1 =	rddreg [dreg:$0x1];
	p0 =	sne.s32 s2, $0x0  }
0x203: {  	s3 =	rddreg [dreg:$0x2];
	[bflag:$0x3] =	sbarrier.arrive $0xFFFF;
	s2 =	simm.s32 @!p0 $0x1C06  }
0x204: {  	[timem:s3], [sflag:s2] =	dma.local @!p0 [hbm:s0], s1  }
0x205: {  	s0 =	simm.s32 @!p0 $0x6  }
0x206: {  	_ =	swait.ge @!p0 [sflag:s0], s1  }
0x207: {  	s1 =	ssub.s32 @!p0 $0x0, s1;
	[sflag:s0] =	ssyncset.done @!p0 $0x0  }
0x208: {  	[sflag:s0] =	ssyncadd.s32 @!p0 s1  }
0x209: {  	[bflag:$0x3] =	sbarrier.arrive $0xFFFF  }
0x20a: {  	_ =	shalt  }

</sc_bundles>
